<compile_context>
chip_gen: v7x
topology: tpu7x:2x2x1
jax: 0.10.2.dev20260603
libtpu: 0.0.44.dev20260713+nightly
codegen_flags: <defaults>
</compile_context>

<pallas_src>
import functools

import jax
import jax.numpy as jnp
from jax import lax
from jax.experimental import pallas as pl
from jax.experimental.pallas import tpu as pltpu
from jax.experimental.pallas import tpu_sc as plsc

N_NODES_C = 100000
MAX_DEGREE = 512
EMB_DIM = 16

NC, NS, L = 2, 16, 16
NW = NC * NS

E_TOTAL = 3200000
EP = E_TOTAL // NW
RW = 100096
CH = 4096
N_FULL = RW // CH
CH_T = RW - N_FULL * CH

NT = 3136
NSEG = NT // L
NPAD = NW * NT
N_LAST = N_NODES_C - (NW - 1) * NT

_mesh = plsc.VectorSubcoreMesh(core_axis_name="c", subcore_axis_name="s",
                               num_cores=NC, num_subcores=NS)
_params = pltpu.CompilerParams(needs_layout_passes=False)


def _wid():
    return lax.axis_index("s") * NC + lax.axis_index("c")


def _hist_body(edge_ref, part_ref, hist, ebuf0, ebuf1, sem0, sem1):
    wid = _wid()
    wstart = wid * EP
    awin = wstart - lax.rem(wstart, 128)
    lo = wstart - awin

    zeros16 = jnp.zeros((L,), jnp.int32)
    ones16 = jnp.ones((L,), jnp.int32)
    iota16 = lax.iota(jnp.int32, L)

    def start_chunk(k, buf, sem, ncols):
        off = pl.multiple_of(awin + k * CH, 128)
        pltpu.make_async_copy(
            edge_ref.at[:, pl.ds(off, ncols)],
            buf.at[:, pl.ds(0, ncols)], sem).start()

    def wait_chunk(buf, sem, ncols):
        pltpu.make_async_copy(
            edge_ref.at[:, pl.ds(0, ncols)],
            buf.at[:, pl.ds(0, ncols)], sem).wait()

    def do_group(buf, i, mask):
        idx = buf[0, pl.ds(i * L, L)]
        plsc.addupdate_scatter(hist, [idx], ones16, mask=mask)

    def do_chunk(buf):
        @plsc.parallel_loop(0, CH // L, 1, unroll=8)
        def _(i):
            do_group(buf, i, None)

    def do_chunk_masked_lo(buf):
        @plsc.parallel_loop(0, CH // L, 1, unroll=8)
        def _(i):
            mask = (i * L + iota16) >= lo
            do_group(buf, i, mask)

    def do_chunk_masked_hi(buf):
        hi = lo + (EP - N_FULL * CH)
        @plsc.parallel_loop(0, CH_T // L, 1, unroll=8)
        def _(i):
            mask = (i * L + iota16) < hi
            do_group(buf, i, mask)

    start_chunk(0, ebuf0, sem0, CH)
    start_chunk(1, ebuf1, sem1, CH)

    @plsc.parallel_loop(0, NPAD // L, 1, unroll=16)
    def _(i):
        hist[pl.ds(i * L, L)] = zeros16

    wait_chunk(ebuf0, sem0, CH)
    do_chunk_masked_lo(ebuf0)
    start_chunk(2, ebuf0, sem0, CH)

    def pair_body(j, carry):
        k1 = 2 * j + 1
        wait_chunk(ebuf1, sem1, CH)
        do_chunk(ebuf1)
        start_chunk(k1 + 2, ebuf1, sem1, CH)
        wait_chunk(ebuf0, sem0, CH)
        do_chunk(ebuf0)
        @pl.when(k1 + 3 < N_FULL)
        def _():
            start_chunk(k1 + 3, ebuf0, sem0, CH)
        return carry

    lax.fori_loop(0, (N_FULL - 2) // 2, pair_body, 0)
    wait_chunk(ebuf1, sem1, CH)
    do_chunk(ebuf1)
    start_chunk(N_FULL, ebuf0, sem0, CH_T)
    wait_chunk(ebuf0, sem0, CH_T)
    do_chunk_masked_hi(ebuf0)

    pltpu.sync_copy(hist, part_ref.at[pl.ds(wid * NPAD, NPAD)])


_hist_kernel = functools.partial(
    pl.kernel,
    out_type=jax.ShapeDtypeStruct((NW * NPAD,), jnp.int32),
    mesh=_mesh,
    compiler_params=_params,
    scratch_types=[
        pltpu.VMEM((NPAD,), jnp.int32),
        pltpu.VMEM((2, CH), jnp.int32),
        pltpu.VMEM((2, CH), jnp.int32),
        pltpu.SemaphoreType.DMA,
        pltpu.SemaphoreType.DMA,
    ],
)(_hist_body)


def _lookup_body(part_ref, emb_ref, out_ref, emb_v, acc,
                 pbuf0, pbuf1, pbuf2, pbuf3, outbuf,
                 sem0, sem1, sem2, sem3):
    wid = _wid()
    base = wid * NT
    pbufs = (pbuf0, pbuf1, pbuf2, pbuf3)
    sems = (sem0, sem1, sem2, sem3)

    def start_row(r, buf, sem):
        pltpu.make_async_copy(
            part_ref.at[pl.ds(r * NPAD + base, NT)], buf, sem).start()

    def wait_row(buf, sem):
        pltpu.make_async_copy(part_ref.at[pl.ds(0, NT)], buf, sem).wait()

    def addrow(buf):
        @plsc.parallel_loop(0, NSEG, 1, unroll=8)
        def _(s):
            sl = pl.ds(s * L, L)
            acc[sl] = acc[sl] + buf[sl]

    for b in range(4):
        start_row(1 + b, pbufs[b], sems[b])
    pltpu.sync_copy(emb_ref, emb_v)
    pltpu.sync_copy(part_ref.at[pl.ds(base, NT)], acc)

    def ring_body(j, carry):
        for b in range(4):
            r = 4 * j + 1 + b
            wait_row(pbufs[b], sems[b])
            addrow(pbufs[b])
            @pl.when(r + 4 < NW)
            def _():
                start_row(r + 4, pbufs[b], sems[b])
        return carry

    lax.fori_loop(0, 7, ring_body, 0)
    for b in range(3):
        wait_row(pbufs[b], sems[b])
        addrow(pbufs[b])

    iota16 = lax.iota(jnp.int32, L)
    colvs = [jnp.full((L,), c, jnp.int32) for c in range(EMB_DIM)]

    @plsc.parallel_loop(0, NSEG, 1, unroll=2)
    def _(s):
        d = acc[pl.ds(s * L, L)]
        dc = jnp.minimum(jnp.maximum(d, 1), MAX_DEGREE) - 1
        src_base = dc * EMB_DIM
        rowi = s * L + iota16
        for c in range(EMB_DIM):
            vals = plsc.load_gather(emb_v, [src_base + c])
            plsc.store_scatter(outbuf, [rowi, colvs[c]], vals)

    @pl.when(wid < NW - 1)
    def _():
        pltpu.sync_copy(outbuf, out_ref.at[pl.ds(base, NT), :])

    @pl.when(wid == NW - 1)
    def _():
        pltpu.sync_copy(outbuf.at[pl.ds(0, N_LAST), :],
                        out_ref.at[pl.ds(base, N_LAST), :])


_lookup_kernel = functools.partial(
    pl.kernel,
    out_type=jax.ShapeDtypeStruct((N_NODES_C, EMB_DIM), jnp.float32),
    mesh=_mesh,
    compiler_params=pltpu.CompilerParams(needs_layout_passes=False,
                                         use_tc_tiling_on_sc=False),
    scratch_types=[
        pltpu.VMEM((MAX_DEGREE * EMB_DIM,), jnp.float32),
        pltpu.VMEM((NT,), jnp.int32),
        pltpu.VMEM((NT,), jnp.int32),
        pltpu.VMEM((NT,), jnp.int32),
        pltpu.VMEM((NT,), jnp.int32),
        pltpu.VMEM((NT,), jnp.int32),
        pltpu.VMEM((NT, EMB_DIM), jnp.float32),
        pltpu.SemaphoreType.DMA,
        pltpu.SemaphoreType.DMA,
        pltpu.SemaphoreType.DMA,
        pltpu.SemaphoreType.DMA,
    ],
)(_lookup_body)


def kernel(edge_index, num_nodes, emb_weight):
    part = _hist_kernel(edge_index)
    return _lookup_kernel(part, emb_weight.reshape(-1))

# --- scband reference (transcript-rebuilt; emitter-appended) ---
"""Pipeline reference for scband-degree-encoder-65240553226640 (READ-ONLY COPY).

The authoritative reference and input builder live on the scoring server;
editing this copy changes nothing except your own understanding.
"""

import jax, jax.numpy as jnp
import numpy as np

MAX_DEGREE = 512
EMB_DIM = 16
N_NODES = 100000
N_EDGES = 3200000


def setup_inputs(seed: int = 0) -> dict:
    key = jax.random.key(seed)
    k1, k2 = jax.random.split(key)
    edge_index = jax.random.randint(k1, (2, N_EDGES), 0, N_NODES, dtype=jnp.int32)
    # learned embedding table (nn.Embedding weight), N(0,1) init like torch default
    emb_weight = jax.random.normal(k2, (MAX_DEGREE, EMB_DIM), dtype=jnp.float32)
    return {"edge_index": edge_index, "num_nodes": N_NODES, "emb_weight": emb_weight}


def reference(edge_index, num_nodes, emb_weight):
    # pyg_degree(edge_index[0], num_nodes=N): scatter-add of ones over source nodes
    src = jnp.minimum(edge_index[0], num_nodes - 1)
    deg = jnp.bincount(src, length=N_NODES)  # int degree per node, SparseCore scatter-add
    # deg.clamp(min=1, max=max_degree) - 1
    deg_clip = jnp.clip(deg, 1, MAX_DEGREE) - 1
    # embedding lookup: table[deg_clip]
    X = jnp.take(emb_weight, deg_clip, axis=0)
    return X

if __name__ == "__main__":
    import jax
    _d = setup_inputs()
    print(jax.jit(kernel)(*tuple(_d.values())))

</pallas_src>

<mosaic_0001>
#map = affine_map<(d0, d1) -> (0, 0)>
#map1 = affine_map<(d0, d1) -> (0)>
module attributes {stable_mosaic.version = 14 : i64} {
  func.func @_hist_body(%arg0: i32, %arg1: i32, %arg2: memref<2x3200000xi32, #tpu.memory_space<hbm>>, %arg3: memref<3211264xi32, #tpu.memory_space<hbm>>, %arg4: memref<100352xi32, #tpu.memory_space<vmem>>, %arg5: memref<2x4096xi32, #tpu.memory_space<vmem>>, %arg6: memref<2x4096xi32, #tpu.memory_space<vmem>>, %arg7: memref<!tpu.dma_semaphore, #tpu.memory_space<semaphore_mem>>, %arg8: memref<!tpu.dma_semaphore, #tpu.memory_space<semaphore_mem>>) attributes {dimension_semantics = [#tpu.dimension_semantics<core_parallel>, #tpu.dimension_semantics<subcore_parallel>], iteration_bounds = array<i64: 2, 16>, scalar_prefetch = 0 : i64, scratch_operands = 5 : i64, tpu.core_type = #tpu.core_type<sc_vector_subcore>, window_params = [{transform_indices = #map}, {transform_indices = #map1}]} {
    %mul3A = arith.constant 2 : i32
    %mul3A_0 = arith.muli %arg1, %mul3A : i32
    %add3A = arith.addi %mul3A_0, %arg0 : i32
    %mul3A_1 = arith.constant 100000 : i32
    %mul3A_2 = arith.muli %add3A, %mul3A_1 : i32
    %rem3A = arith.constant 128 : i32
    %rem3A_3 = arith.remsi %mul3A_2, %rem3A : i32
    %sub3A = arith.subi %mul3A_2, %rem3A_3 : i32
    %sub3A_4 = arith.subi %mul3A_2, %sub3A : i32
    %broadcast_in_dim3A = arith.constant 0 : i32
    %broadcast_in_dim3A_5 = vector.broadcast %broadcast_in_dim3A : i32 to vector<16xi32>
    %broadcast_in_dim3A_6 = arith.constant 1 : i32
    %broadcast_in_dim3A_7 = vector.broadcast %broadcast_in_dim3A_6 : i32 to vector<16xi32>
    %iota3A = tpu.iota {dimensions = array<i32: 0>} : vector<16xi32>
    %add3A_8 = arith.constant 0 : i32
    %add3A_9 = arith.addi %sub3A, %add3A_8 : i32
    %multiple_of3A = tpu.assume_multiple %add3A_9, 128 : i32
    %dma_start3A = arith.constant 0 : i32
    %dma_start3A_10 = arith.constant 0 : i32
    %dma_start3A_11 = tpu.memref_slice %arg5[%dma_start3A, %dma_start3A_10] : memref<2x4096xi32, #tpu.memory_space<vmem>> -> memref<2x4096xi32, #tpu.memory_space<vmem>>
    %dma_start3A_12 = arith.constant 0 : i32
    %dma_start3A_13 = tpu.memref_slice %arg2[%dma_start3A_12, %multiple_of3A] : memref<2x3200000xi32, #tpu.memory_space<hbm>> -> memref<2x4096xi32, #tpu.memory_space<hbm>>
    %dma_start3A_14 = arith.constant 0 : i32
    %dma_start3A_15 = arith.constant 0 : i32
    %dma_start3A_16 = tpu.memref_slice %arg5[%dma_start3A_14, %dma_start3A_15] : memref<2x4096xi32, #tpu.memory_space<vmem>> -> memref<2x4096xi32, #tpu.memory_space<vmem>>
    %dma_start3A_17 = arith.constant 0 : i32
    %dma_start3A_18 = tpu.memref_slice %arg2[%dma_start3A_17, %multiple_of3A] : memref<2x3200000xi32, #tpu.memory_space<hbm>> -> memref<2x4096xi32, #tpu.memory_space<hbm>>
    tpu.enqueue_dma source(%dma_start3A_18 : memref<2x4096xi32, #tpu.memory_space<hbm>>) target(%dma_start3A_16 : memref<2x4096xi32, #tpu.memory_space<vmem>>) target_semaphore(%arg7 : memref<!tpu.dma_semaphore, #tpu.memory_space<semaphore_mem>>)
    %add3A_19 = arith.constant 4096 : i32
    %add3A_20 = arith.addi %sub3A, %add3A_19 : i32
    %multiple_of3A_21 = tpu.assume_multiple %add3A_20, 128 : i32
    %dma_start3A_22 = arith.constant 0 : i32
    %dma_start3A_23 = arith.constant 0 : i32
    %dma_start3A_24 = tpu.memref_slice %arg6[%dma_start3A_22, %dma_start3A_23] : memref<2x4096xi32, #tpu.memory_space<vmem>> -> memref<2x4096xi32, #tpu.memory_space<vmem>>
    %dma_start3A_25 = arith.constant 0 : i32
    %dma_start3A_26 = tpu.memref_slice %arg2[%dma_start3A_25, %multiple_of3A_21] : memref<2x3200000xi32, #tpu.memory_space<hbm>> -> memref<2x4096xi32, #tpu.memory_space<hbm>>
    %dma_start3A_27 = arith.constant 0 : i32
    %dma_start3A_28 = arith.constant 0 : i32
    %dma_start3A_29 = tpu.memref_slice %arg6[%dma_start3A_27, %dma_start3A_28] : memref<2x4096xi32, #tpu.memory_space<vmem>> -> memref<2x4096xi32, #tpu.memory_space<vmem>>
    %dma_start3A_30 = arith.constant 0 : i32
    %dma_start3A_31 = tpu.memref_slice %arg2[%dma_start3A_30, %multiple_of3A_21] : memref<2x3200000xi32, #tpu.memory_space<hbm>> -> memref<2x4096xi32, #tpu.memory_space<hbm>>
    tpu.enqueue_dma source(%dma_start3A_31 : memref<2x4096xi32, #tpu.memory_space<hbm>>) target(%dma_start3A_29 : memref<2x4096xi32, #tpu.memory_space<vmem>>) target_semaphore(%arg8 : memref<!tpu.dma_semaphore, #tpu.memory_space<semaphore_mem>>)
    %parallel_loop3A = arith.constant 0 : i32
    %parallel_loop3A_32 = arith.constant 6272 : i32
    %parallel_loop3A_33 = arith.constant 1 : i32
    scf.for %parallel_loop3A_113 = %parallel_loop3A to %parallel_loop3A_32 step %parallel_loop3A_33  : i32 {
      %parallel_loop3A_114 = arith.constant 16 : i32
      %parallel_loop3A_115 = arith.muli %parallel_loop3A_113, %parallel_loop3A_114 : i32
      %parallel_loop3A_116 = arith.index_cast %parallel_loop3A_115 : i32 to index
      %parallel_loop3A_117 = tpu.vector_load %arg4[%parallel_loop3A_116] {strides = array<i32>} : memref<100352xi32, #tpu.memory_space<vmem>>, vector<16xi32>,
      tpu.vector_store %arg4[%parallel_loop3A_116], %broadcast_in_dim3A_5 {strides = array<i32>} : memref<100352xi32, #tpu.memory_space<vmem>>, vector<16xi32>,
    } {sc.loop_unroll_factor = 16 : i64, sc.parallel_access}
    %dma_wait3A = arith.constant 0 : i32
    %dma_wait3A_34 = arith.constant 0 : i32
    %dma_wait3A_35 = tpu.memref_slice %arg5[%dma_wait3A, %dma_wait3A_34] : memref<2x4096xi32, #tpu.memory_space<vmem>> -> memref<2x4096xi32, #tpu.memory_space<vmem>>
    %dma_wait3A_36 = arith.constant 0 : i32
    %dma_wait3A_37 = arith.constant 0 : i32
    %dma_wait3A_38 = tpu.memref_slice %arg2[%dma_wait3A_36, %dma_wait3A_37] : memref<2x3200000xi32, #tpu.memory_space<hbm>> -> memref<2x4096xi32, #tpu.memory_space<hbm>>
    %dma_wait3A_39 = arith.constant 0 : i32
    %dma_wait3A_40 = arith.constant 0 : i32
    %dma_wait3A_41 = tpu.memref_slice %arg5[%dma_wait3A_39, %dma_wait3A_40] : memref<2x4096xi32, #tpu.memory_space<vmem>> -> memref<2x4096xi32, #tpu.memory_space<vmem>>
    %dma_wait3A_42 = arith.constant 0 : i32
    %dma_wait3A_43 = arith.constant 0 : i32
    %dma_wait3A_44 = tpu.memref_slice %arg2[%dma_wait3A_42, %dma_wait3A_43] : memref<2x3200000xi32, #tpu.memory_space<hbm>> -> memref<2x4096xi32, #tpu.memory_space<hbm>>
    tpu.wait_dma2 semaphore(%arg7 : memref<!tpu.dma_semaphore, #tpu.memory_space<semaphore_mem>>) src(%dma_wait3A_44 : memref<2x4096xi32, #tpu.memory_space<hbm>>) dst(%dma_wait3A_41 : memref<2x4096xi32, #tpu.memory_space<vmem>>)
    %parallel_loop3A_45 = arith.constant 0 : i32
    %parallel_loop3A_46 = arith.constant 256 : i32
    %parallel_loop3A_47 = arith.constant 1 : i32
    scf.for %parallel_loop3A_113 = %parallel_loop3A_45 to %parallel_loop3A_46 step %parallel_loop3A_47  : i32 {
      %parallel_loop3A_114 = arith.constant 16 : i32
      %parallel_loop3A_115 = arith.muli %parallel_loop3A_113, %parallel_loop3A_114 : i32
      %parallel_loop3A_116 = vector.broadcast %parallel_loop3A_115 : i32 to vector<16xi32>
      %parallel_loop3A_117 = arith.addi %parallel_loop3A_116, %iota3A : vector<16xi32>
      %parallel_loop3A_118 = vector.broadcast %sub3A_4 : i32 to vector<16xi32>
      %parallel_loop3A_119 = arith.cmpi sge, %parallel_loop3A_117, %parallel_loop3A_118 : vector<16xi32>
      %parallel_loop3A_120 = arith.constant 16 : i32
      %parallel_loop3A_121 = arith.muli %parallel_loop3A_113, %parallel_loop3A_120 : i32
      %parallel_loop3A_122 = arith.constant 0 : i32
      %parallel_loop3A_123 = arith.index_cast %parallel_loop3A_122 : i32 to index
      %parallel_loop3A_124 = arith.index_cast %parallel_loop3A_121 : i32 to index
      %parallel_loop3A_125 = tpu.vector_load %arg5[%parallel_loop3A_123, %parallel_loop3A_124] {strides = array<i32>} : memref<2x4096xi32, #tpu.memory_space<vmem>>, vector<16xi32>,
      tpu.vector_store_idx %arg4[%parallel_loop3A_125], %broadcast_in_dim3A_7 masked %parallel_loop3A_119 {add = true} : memref<100352xi32, #tpu.memory_space<vmem>>[vector<16xi32>], vector<16xi32>, vector<16xi1>
    } {sc.loop_unroll_factor = 8 : i64, sc.parallel_access}
    %add3A_48 = arith.constant 8192 : i32
    %add3A_49 = arith.addi %sub3A, %add3A_48 : i32
    %multiple_of3A_50 = tpu.assume_multiple %add3A_49, 128 : i32
    %dma_start3A_51 = arith.constant 0 : i32
    %dma_start3A_52 = arith.constant 0 : i32
    %dma_start3A_53 = tpu.memref_slice %arg5[%dma_start3A_51, %dma_start3A_52] : memref<2x4096xi32, #tpu.memory_space<vmem>> -> memref<2x4096xi32, #tpu.memory_space<vmem>>
    %dma_start3A_54 = arith.constant 0 : i32
    %dma_start3A_55 = tpu.memref_slice %arg2[%dma_start3A_54, %multiple_of3A_50] : memref<2x3200000xi32, #tpu.memory_space<hbm>> -> memref<2x4096xi32, #tpu.memory_space<hbm>>
    %dma_start3A_56 = arith.constant 0 : i32
    %dma_start3A_57 = arith.constant 0 : i32
    %dma_start3A_58 = tpu.memref_slice %arg5[%dma_start3A_56, %dma_start3A_57] : memref<2x4096xi32, #tpu.memory_space<vmem>> -> memref<2x4096xi32, #tpu.memory_space<vmem>>
    %dma_start3A_59 = arith.constant 0 : i32
    %dma_start3A_60 = tpu.memref_slice %arg2[%dma_start3A_59, %multiple_of3A_50] : memref<2x3200000xi32, #tpu.memory_space<hbm>> -> memref<2x4096xi32, #tpu.memory_space<hbm>>
    tpu.enqueue_dma source(%dma_start3A_60 : memref<2x4096xi32, #tpu.memory_space<hbm>>) target(%dma_start3A_58 : memref<2x4096xi32, #tpu.memory_space<vmem>>) target_semaphore(%arg7 : memref<!tpu.dma_semaphore, #tpu.memory_space<semaphore_mem>>)
    %scan3A = arith.constant 0 : i32
    %scan3A_61 = arith.constant 0 : i32
    %scan3A_62 = arith.constant 11 : i32
    %scan3A_63 = arith.addi %scan3A_61, %scan3A_62 : i32
    %scan3A_64 = arith.constant 1 : i32
    scf.for %scan3A_113 = %scan3A_61 to %scan3A_63 step %scan3A_64  : i32 {
      %mul3A_114 = arith.constant 2 : i32
      %mul3A_115 = arith.muli %mul3A_114, %scan3A_113 : i32
      %add3A_116 = arith.constant 1 : i32
      %add3A_117 = arith.addi %mul3A_115, %add3A_116 : i32
      %dma_wait3A_118 = arith.constant 0 : i32
      %dma_wait3A_119 = arith.constant 0 : i32
      %dma_wait3A_120 = tpu.memref_slice %arg6[%dma_wait3A_118, %dma_wait3A_119] : memref<2x4096xi32, #tpu.memory_space<vmem>> -> memref<2x4096xi32, #tpu.memory_space<vmem>>
      %dma_wait3A_121 = arith.constant 0 : i32
      %dma_wait3A_122 = arith.constant 0 : i32
      %dma_wait3A_123 = tpu.memref_slice %arg2[%dma_wait3A_121, %dma_wait3A_122] : memref<2x3200000xi32, #tpu.memory_space<hbm>> -> memref<2x4096xi32, #tpu.memory_space<hbm>>
      %dma_wait3A_124 = arith.constant 0 : i32
      %dma_wait3A_125 = arith.constant 0 : i32
      %dma_wait3A_126 = tpu.memref_slice %arg6[%dma_wait3A_124, %dma_wait3A_125] : memref<2x4096xi32, #tpu.memory_space<vmem>> -> memref<2x4096xi32, #tpu.memory_space<vmem>>
      %dma_wait3A_127 = arith.constant 0 : i32
      %dma_wait3A_128 = arith.constant 0 : i32
      %dma_wait3A_129 = tpu.memref_slice %arg2[%dma_wait3A_127, %dma_wait3A_128] : memref<2x3200000xi32, #tpu.memory_space<hbm>> -> memref<2x4096xi32, #tpu.memory_space<hbm>>
      tpu.wait_dma2 semaphore(%arg8 : memref<!tpu.dma_semaphore, #tpu.memory_space<semaphore_mem>>) src(%dma_wait3A_129 : memref<2x4096xi32, #tpu.memory_space<hbm>>) dst(%dma_wait3A_126 : memref<2x4096xi32, #tpu.memory_space<vmem>>)
      %parallel_loop3A_130 = arith.constant 0 : i32
      %parallel_loop3A_131 = arith.constant 256 : i32
      %parallel_loop3A_132 = arith.constant 1 : i32
      scf.for %parallel_loop3A_168 = %parallel_loop3A_130 to %parallel_loop3A_131 step %parallel_loop3A_132  : i32 {
        %parallel_loop3A_169 = arith.constant 16 : i32
        %parallel_loop3A_170 = arith.muli %parallel_loop3A_168, %parallel_loop3A_169 : i32
        %parallel_loop3A_171 = arith.constant 0 : i32
        %parallel_loop3A_172 = arith.index_cast %parallel_loop3A_171 : i32 to index
        %parallel_loop3A_173 = arith.index_cast %parallel_loop3A_170 : i32 to index
        %parallel_loop3A_174 = tpu.vector_load %arg6[%parallel_loop3A_172, %parallel_loop3A_173] {strides = array<i32>} : memref<2x4096xi32, #tpu.memory_space<vmem>>, vector<16xi32>,
        tpu.vector_store_idx %arg4[%parallel_loop3A_174], %broadcast_in_dim3A_7 {add = true} : memref<100352xi32, #tpu.memory_space<vmem>>[vector<16xi32>], vector<16xi32>,
      } {sc.loop_unroll_factor = 8 : i64, sc.parallel_access}
      %add3A_133 = arith.constant 2 : i32
      %add3A_134 = arith.addi %add3A_117, %add3A_133 : i32
      %mul3A_135 = arith.constant 4096 : i32
      %mul3A_136 = arith.muli %add3A_134, %mul3A_135 : i32
      %add3A_137 = arith.addi %sub3A, %mul3A_136 : i32
      %multiple_of3A_138 = tpu.assume_multiple %add3A_137, 128 : i32
      %dma_start3A_139 = arith.constant 0 : i32
      %dma_start3A_140 = arith.constant 0 : i32
      %dma_start3A_141 = tpu.memref_slice %arg6[%dma_start3A_139, %dma_start3A_140] : memref<2x4096xi32, #tpu.memory_space<vmem>> -> memref<2x4096xi32, #tpu.memory_space<vmem>>
      %dma_start3A_142 = arith.constant 0 : i32
      %dma_start3A_143 = tpu.memref_slice %arg2[%dma_start3A_142, %multiple_of3A_138] : memref<2x3200000xi32, #tpu.memory_space<hbm>> -> memref<2x4096xi32, #tpu.memory_space<hbm>>
      %dma_start3A_144 = arith.constant 0 : i32
      %dma_start3A_145 = arith.constant 0 : i32
      %dma_start3A_146 = tpu.memref_slice %arg6[%dma_start3A_144, %dma_start3A_145] : memref<2x4096xi32, #tpu.memory_space<vmem>> -> memref<2x4096xi32, #tpu.memory_space<vmem>>
      %dma_start3A_147 = arith.constant 0 : i32
      %dma_start3A_148 = tpu.memref_slice %arg2[%dma_start3A_147, %multiple_of3A_138] : memref<2x3200000xi32, #tpu.memory_space<hbm>> -> memref<2x4096xi32, #tpu.memory_space<hbm>>
      tpu.enqueue_dma source(%dma_start3A_148 : memref<2x4096xi32, #tpu.memory_space<hbm>>) target(%dma_start3A_146 : memref<2x4096xi32, #tpu.memory_space<vmem>>) target_semaphore(%arg8 : memref<!tpu.dma_semaphore, #tpu.memory_space<semaphore_mem>>)
      %dma_wait3A_149 = arith.constant 0 : i32
      %dma_wait3A_150 = arith.constant 0 : i32
      %dma_wait3A_151 = tpu.memref_slice %arg5[%dma_wait3A_149, %dma_wait3A_150] : memref<2x4096xi32, #tpu.memory_space<vmem>> -> memref<2x4096xi32, #tpu.memory_space<vmem>>
      %dma_wait3A_152 = arith.constant 0 : i32
      %dma_wait3A_153 = arith.constant 0 : i32
      %dma_wait3A_154 = tpu.memref_slice %arg2[%dma_wait3A_152, %dma_wait3A_153] : memref<2x3200000xi32, #tpu.memory_space<hbm>> -> memref<2x4096xi32, #tpu.memory_space<hbm>>
      %dma_wait3A_155 = arith.constant 0 : i32
      %dma_wait3A_156 = arith.constant 0 : i32
      %dma_wait3A_157 = tpu.memref_slice %arg5[%dma_wait3A_155, %dma_wait3A_156] : memref<2x4096xi32, #tpu.memory_space<vmem>> -> memref<2x4096xi32, #tpu.memory_space<vmem>>
      %dma_wait3A_158 = arith.constant 0 : i32
      %dma_wait3A_159 = arith.constant 0 : i32
      %dma_wait3A_160 = tpu.memref_slice %arg2[%dma_wait3A_158, %dma_wait3A_159] : memref<2x3200000xi32, #tpu.memory_space<hbm>> -> memref<2x4096xi32, #tpu.memory_space<hbm>>
      tpu.wait_dma2 semaphore(%arg7 : memref<!tpu.dma_semaphore, #tpu.memory_space<semaphore_mem>>) src(%dma_wait3A_160 : memref<2x4096xi32, #tpu.memory_space<hbm>>) dst(%dma_wait3A_157 : memref<2x4096xi32, #tpu.memory_space<vmem>>)
      %parallel_loop3A_161 = arith.constant 0 : i32
      %parallel_loop3A_162 = arith.constant 256 : i32
      %parallel_loop3A_163 = arith.constant 1 : i32
      scf.for %parallel_loop3A_168 = %parallel_loop3A_161 to %parallel_loop3A_162 step %parallel_loop3A_163  : i32 {
        %parallel_loop3A_169 = arith.constant 16 : i32
        %parallel_loop3A_170 = arith.muli %parallel_loop3A_168, %parallel_loop3A_169 : i32
        %parallel_loop3A_171 = arith.constant 0 : i32
        %parallel_loop3A_172 = arith.index_cast %parallel_loop3A_171 : i32 to index
        %parallel_loop3A_173 = arith.index_cast %parallel_loop3A_170 : i32 to index
        %parallel_loop3A_174 = tpu.vector_load %arg5[%parallel_loop3A_172, %parallel_loop3A_173] {strides = array<i32>} : memref<2x4096xi32, #tpu.memory_space<vmem>>, vector<16xi32>,
        tpu.vector_store_idx %arg4[%parallel_loop3A_174], %broadcast_in_dim3A_7 {add = true} : memref<100352xi32, #tpu.memory_space<vmem>>[vector<16xi32>], vector<16xi32>,
      } {sc.loop_unroll_factor = 8 : i64, sc.parallel_access}
      %add3A_164 = arith.constant 3 : i32
      %add3A_165 = arith.addi %add3A_117, %add3A_164 : i32
      %lt3A = arith.constant 24 : i32
      %lt3A_166 = arith.cmpi slt, %add3A_165, %lt3A : i32
      %convert_element_type3A = arith.extui %lt3A_166 : i1 to i32
      %cond3A = arith.constant 0 : i32
      %cond3A_167 = arith.cmpi ne, %convert_element_type3A, %cond3A : i32
      scf.if %cond3A_167 {
        %add3A_168 = arith.constant 3 : i32
        %add3A_169 = arith.addi %add3A_117, %add3A_168 : i32
        %mul3A_170 = arith.constant 4096 : i32
        %mul3A_171 = arith.muli %add3A_169, %mul3A_170 : i32
        %add3A_172 = arith.addi %sub3A, %mul3A_171 : i32
        %multiple_of3A_173 = tpu.assume_multiple %add3A_172, 128 : i32
        %dma_start3A_174 = arith.constant 0 : i32
        %dma_start3A_175 = arith.constant 0 : i32
        %dma_start3A_176 = tpu.memref_slice %arg5[%dma_start3A_174, %dma_start3A_175] : memref<2x4096xi32, #tpu.memory_space<vmem>> -> memref<2x4096xi32, #tpu.memory_space<vmem>>
        %dma_start3A_177 = arith.constant 0 : i32
        %dma_start3A_178 = tpu.memref_slice %arg2[%dma_start3A_177, %multiple_of3A_173] : memref<2x3200000xi32, #tpu.memory_space<hbm>> -> memref<2x4096xi32, #tpu.memory_space<hbm>>
        %dma_start3A_179 = arith.constant 0 : i32
        %dma_start3A_180 = arith.constant 0 : i32
        %dma_start3A_181 = tpu.memref_slice %arg5[%dma_start3A_179, %dma_start3A_180] : memref<2x4096xi32, #tpu.memory_space<vmem>> -> memref<2x4096xi32, #tpu.memory_space<vmem>>
        %dma_start3A_182 = arith.constant 0 : i32
        %dma_start3A_183 = tpu.memref_slice %arg2[%dma_start3A_182, %multiple_of3A_173] : memref<2x3200000xi32, #tpu.memory_space<hbm>> -> memref<2x4096xi32, #tpu.memory_space<hbm>>
        tpu.enqueue_dma source(%dma_start3A_183 : memref<2x4096xi32, #tpu.memory_space<hbm>>) target(%dma_start3A_181 : memref<2x4096xi32, #tpu.memory_space<vmem>>) target_semaphore(%arg7 : memref<!tpu.dma_semaphore, #tpu.memory_space<semaphore_mem>>)
      } else {
      }
    }
    %scan3A_65 = arith.constant 11 : i32
    %dma_wait3A_66 = arith.constant 0 : i32
    %dma_wait3A_67 = arith.constant 0 : i32
    %dma_wait3A_68 = tpu.memref_slice %arg6[%dma_wait3A_66, %dma_wait3A_67] : memref<2x4096xi32, #tpu.memory_space<vmem>> -> memref<2x4096xi32, #tpu.memory_space<vmem>>
    %dma_wait3A_69 = arith.constant 0 : i32
    %dma_wait3A_70 = arith.constant 0 : i32
    %dma_wait3A_71 = tpu.memref_slice %arg2[%dma_wait3A_69, %dma_wait3A_70] : memref<2x3200000xi32, #tpu.memory_space<hbm>> -> memref<2x4096xi32, #tpu.memory_space<hbm>>
    %dma_wait3A_72 = arith.constant 0 : i32
    %dma_wait3A_73 = arith.constant 0 : i32
    %dma_wait3A_74 = tpu.memref_slice %arg6[%dma_wait3A_72, %dma_wait3A_73] : memref<2x4096xi32, #tpu.memory_space<vmem>> -> memref<2x4096xi32, #tpu.memory_space<vmem>>
    %dma_wait3A_75 = arith.constant 0 : i32
    %dma_wait3A_76 = arith.constant 0 : i32
    %dma_wait3A_77 = tpu.memref_slice %arg2[%dma_wait3A_75, %dma_wait3A_76] : memref<2x3200000xi32, #tpu.memory_space<hbm>> -> memref<2x4096xi32, #tpu.memory_space<hbm>>
    tpu.wait_dma2 semaphore(%arg8 : memref<!tpu.dma_semaphore, #tpu.memory_space<semaphore_mem>>) src(%dma_wait3A_77 : memref<2x4096xi32, #tpu.memory_space<hbm>>) dst(%dma_wait3A_74 : memref<2x4096xi32, #tpu.memory_space<vmem>>)
    %parallel_loop3A_78 = arith.constant 0 : i32
    %parallel_loop3A_79 = arith.constant 256 : i32
    %parallel_loop3A_80 = arith.constant 1 : i32
    scf.for %parallel_loop3A_113 = %parallel_loop3A_78 to %parallel_loop3A_79 step %parallel_loop3A_80  : i32 {
      %parallel_loop3A_114 = arith.constant 16 : i32
      %parallel_loop3A_115 = arith.muli %parallel_loop3A_113, %parallel_loop3A_114 : i32
      %parallel_loop3A_116 = arith.constant 0 : i32
      %parallel_loop3A_117 = arith.index_cast %parallel_loop3A_116 : i32 to index
      %parallel_loop3A_118 = arith.index_cast %parallel_loop3A_115 : i32 to index
      %parallel_loop3A_119 = tpu.vector_load %arg6[%parallel_loop3A_117, %parallel_loop3A_118] {strides = array<i32>} : memref<2x4096xi32, #tpu.memory_space<vmem>>, vector<16xi32>,
      tpu.vector_store_idx %arg4[%parallel_loop3A_119], %broadcast_in_dim3A_7 {add = true} : memref<100352xi32, #tpu.memory_space<vmem>>[vector<16xi32>], vector<16xi32>,
    } {sc.loop_unroll_factor = 8 : i64, sc.parallel_access}
    %add3A_81 = arith.constant 98304 : i32
    %add3A_82 = arith.addi %sub3A, %add3A_81 : i32
    %multiple_of3A_83 = tpu.assume_multiple %add3A_82, 128 : i32
    %dma_start3A_84 = arith.constant 0 : i32
    %dma_start3A_85 = arith.constant 0 : i32
    %dma_start3A_86 = tpu.memref_slice %arg5[%dma_start3A_84, %dma_start3A_85] : memref<2x4096xi32, #tpu.memory_space<vmem>> -> memref<2x1792xi32, #tpu.memory_space<vmem>>
    %dma_start3A_87 = arith.constant 0 : i32
    %dma_start3A_88 = tpu.memref_slice %arg2[%dma_start3A_87, %multiple_of3A_83] : memref<2x3200000xi32, #tpu.memory_space<hbm>> -> memref<2x1792xi32, #tpu.memory_space<hbm>>
    %dma_start3A_89 = arith.constant 0 : i32
    %dma_start3A_90 = arith.constant 0 : i32
    %dma_start3A_91 = tpu.memref_slice %arg5[%dma_start3A_89, %dma_start3A_90] : memref<2x4096xi32, #tpu.memory_space<vmem>> -> memref<2x1792xi32, #tpu.memory_space<vmem>>
    %dma_start3A_92 = arith.constant 0 : i32
    %dma_start3A_93 = tpu.memref_slice %arg2[%dma_start3A_92, %multiple_of3A_83] : memref<2x3200000xi32, #tpu.memory_space<hbm>> -> memref<2x1792xi32, #tpu.memory_space<hbm>>
    tpu.enqueue_dma source(%dma_start3A_93 : memref<2x1792xi32, #tpu.memory_space<hbm>>) target(%dma_start3A_91 : memref<2x1792xi32, #tpu.memory_space<vmem>>) target_semaphore(%arg7 : memref<!tpu.dma_semaphore, #tpu.memory_space<semaphore_mem>>)
    %dma_wait3A_94 = arith.constant 0 : i32
    %dma_wait3A_95 = arith.constant 0 : i32
    %dma_wait3A_96 = tpu.memref_slice %arg5[%dma_wait3A_94, %dma_wait3A_95] : memref<2x4096xi32, #tpu.memory_space<vmem>> -> memref<2x1792xi32, #tpu.memory_space<vmem>>
    %dma_wait3A_97 = arith.constant 0 : i32
    %dma_wait3A_98 = arith.constant 0 : i32
    %dma_wait3A_99 = tpu.memref_slice %arg2[%dma_wait3A_97, %dma_wait3A_98] : memref<2x3200000xi32, #tpu.memory_space<hbm>> -> memref<2x1792xi32, #tpu.memory_space<hbm>>
    %dma_wait3A_100 = arith.constant 0 : i32
    %dma_wait3A_101 = arith.constant 0 : i32
    %dma_wait3A_102 = tpu.memref_slice %arg5[%dma_wait3A_100, %dma_wait3A_101] : memref<2x4096xi32, #tpu.memory_space<vmem>> -> memref<2x1792xi32, #tpu.memory_space<vmem>>
    %dma_wait3A_103 = arith.constant 0 : i32
    %dma_wait3A_104 = arith.constant 0 : i32
    %dma_wait3A_105 = tpu.memref_slice %arg2[%dma_wait3A_103, %dma_wait3A_104] : memref<2x3200000xi32, #tpu.memory_space<hbm>> -> memref<2x1792xi32, #tpu.memory_space<hbm>>
    tpu.wait_dma2 semaphore(%arg7 : memref<!tpu.dma_semaphore, #tpu.memory_space<semaphore_mem>>) src(%dma_wait3A_105 : memref<2x1792xi32, #tpu.memory_space<hbm>>) dst(%dma_wait3A_102 : memref<2x1792xi32, #tpu.memory_space<vmem>>)
    %add3A_106 = arith.constant 1696 : i32
    %add3A_107 = arith.addi %sub3A_4, %add3A_106 : i32
    %parallel_loop3A_108 = arith.constant 0 : i32
    %parallel_loop3A_109 = arith.constant 112 : i32
    %parallel_loop3A_110 = arith.constant 1 : i32
    scf.for %parallel_loop3A_113 = %parallel_loop3A_108 to %parallel_loop3A_109 step %parallel_loop3A_110  : i32 {
      %parallel_loop3A_114 = arith.constant 16 : i32
      %parallel_loop3A_115 = arith.muli %parallel_loop3A_113, %parallel_loop3A_114 : i32
      %parallel_loop3A_116 = vector.broadcast %parallel_loop3A_115 : i32 to vector<16xi32>
      %parallel_loop3A_117 = arith.addi %parallel_loop3A_116, %iota3A : vector<16xi32>
      %parallel_loop3A_118 = vector.broadcast %add3A_107 : i32 to vector<16xi32>
      %parallel_loop3A_119 = arith.cmpi slt, %parallel_loop3A_117, %parallel_loop3A_118 : vector<16xi32>
      %parallel_loop3A_120 = arith.constant 16 : i32
      %parallel_loop3A_121 = arith.muli %parallel_loop3A_113, %parallel_loop3A_120 : i32
      %parallel_loop3A_122 = arith.constant 0 : i32
      %parallel_loop3A_123 = arith.index_cast %parallel_loop3A_122 : i32 to index
      %parallel_loop3A_124 = arith.index_cast %parallel_loop3A_121 : i32 to index
      %parallel_loop3A_125 = tpu.vector_load %arg5[%parallel_loop3A_123, %parallel_loop3A_124] {strides = array<i32>} : memref<2x4096xi32, #tpu.memory_space<vmem>>, vector<16xi32>,
      tpu.vector_store_idx %arg4[%parallel_loop3A_125], %broadcast_in_dim3A_7 masked %parallel_loop3A_119 {add = true} : memref<100352xi32, #tpu.memory_space<vmem>>[vector<16xi32>], vector<16xi32>, vector<16xi1>
    } {sc.loop_unroll_factor = 8 : i64, sc.parallel_access}
    %mul3A_111 = arith.constant 100352 : i32
    %mul3A_112 = arith.muli %add3A, %mul3A_111 : i32
    "tpu.region"() ({
      %run_scoped3A = tpu.sem_alloc : memref<!tpu.dma_semaphore, #tpu.memory_space<semaphore_mem>>
      %dma_start3A_113 = tpu.memref_slice %arg3[%mul3A_112] : memref<3211264xi32, #tpu.memory_space<hbm>> -> memref<100352xi32, #tpu.memory_space<hbm>>
      %dma_start3A_114 = tpu.memref_slice %arg3[%mul3A_112] : memref<3211264xi32, #tpu.memory_space<hbm>> -> memref<100352xi32, #tpu.memory_space<hbm>>
      tpu.enqueue_dma source(%arg4 : memref<100352xi32, #tpu.memory_space<vmem>>) target(%dma_start3A_114 : memref<100352xi32, #tpu.memory_space<hbm>>) target_semaphore(%run_scoped3A : memref<!tpu.dma_semaphore, #tpu.memory_space<semaphore_mem>>)
      %dma_wait3A_115 = tpu.memref_slice %arg3[%mul3A_112] : memref<3211264xi32, #tpu.memory_space<hbm>> -> memref<100352xi32, #tpu.memory_space<hbm>>
      %dma_wait3A_116 = tpu.memref_slice %arg3[%mul3A_112] : memref<3211264xi32, #tpu.memory_space<hbm>> -> memref<100352xi32, #tpu.memory_space<hbm>>
      tpu.wait_dma2 semaphore(%run_scoped3A : memref<!tpu.dma_semaphore, #tpu.memory_space<semaphore_mem>>) src(%arg4 : memref<100352xi32, #tpu.memory_space<vmem>>) dst(%dma_wait3A_116 : memref<100352xi32, #tpu.memory_space<hbm>>)
      tpu.yield
    }) : () -> ()
    return
  }
}

#map = affine_map<(d0, d1) -> (0)>
#map1 = affine_map<(d0, d1) -> (0, 0)>
module attributes {stable_mosaic.version = 14 : i64} {
  func.func @_lookup_body(%arg0: i32, %arg1: i32, %arg2: memref<3211264xi32, #tpu.memory_space<hbm>>, %arg3: memref<8192xf32, #tpu.memory_space<hbm>>, %arg4: memref<100000x16xf32, #tpu.memory_space<hbm>>, %arg5: memref<8192xf32, #tpu.memory_space<vmem>>, %arg6: memref<3136xi32, #tpu.memory_space<vmem>>, %arg7: memref<3136xi32, #tpu.memory_space<vmem>>, %arg8: memref<3136xi32, #tpu.memory_space<vmem>>, %arg9: memref<3136xi32, #tpu.memory_space<vmem>>, %arg10: memref<3136xi32, #tpu.memory_space<vmem>>, %arg11: memref<3136x16xf32, #tpu.memory_space<vmem>>, %arg12: memref<!tpu.dma_semaphore, #tpu.memory_space<semaphore_mem>>, %arg13: memref<!tpu.dma_semaphore, #tpu.memory_space<semaphore_mem>>, %arg14: memref<!tpu.dma_semaphore, #tpu.memory_space<semaphore_mem>>, %arg15: memref<!tpu.dma_semaphore, #tpu.memory_space<semaphore_mem>>) attributes {dimension_semantics = [#tpu.dimension_semantics<core_parallel>, #tpu.dimension_semantics<subcore_parallel>], iteration_bounds = array<i64: 2, 16>, scalar_prefetch = 0 : i64, scratch_operands = 11 : i64, tpu.core_type = #tpu.core_type<sc_vector_subcore>, window_params = [{transform_indices = #map}, {transform_indices = #map}, {transform_indices = #map1}]} {
    %mul3A = arith.constant 2 : i32
    %mul3A_0 = arith.muli %arg1, %mul3A : i32
    %add3A = arith.addi %mul3A_0, %arg0 : i32
    %mul3A_1 = arith.constant 3136 : i32
    %mul3A_2 = arith.muli %add3A, %mul3A_1 : i32
    %add3A_3 = arith.constant 100352 : i32
    %add3A_4 = arith.addi %add3A_3, %mul3A_2 : i32
    %dma_start3A = tpu.memref_slice %arg2[%add3A_4] : memref<3211264xi32, #tpu.memory_space<hbm>> -> memref<3136xi32, #tpu.memory_space<hbm>>
    %dma_start3A_5 = tpu.memref_slice %arg2[%add3A_4] : memref<3211264xi32, #tpu.memory_space<hbm>> -> memref<3136xi32, #tpu.memory_space<hbm>>
    tpu.enqueue_dma source(%dma_start3A_5 : memref<3136xi32, #tpu.memory_space<hbm>>) target(%arg7 : memref<3136xi32, #tpu.memory_space<vmem>>) target_semaphore(%arg12 : memref<!tpu.dma_semaphore, #tpu.memory_space<semaphore_mem>>)
    %add3A_6 = arith.constant 200704 : i32
    %add3A_7 = arith.addi %add3A_6, %mul3A_2 : i32
    %dma_start3A_8 = tpu.memref_slice %arg2[%add3A_7] : memref<3211264xi32, #tpu.memory_space<hbm>> -> memref<3136xi32, #tpu.memory_space<hbm>>
    %dma_start3A_9 = tpu.memref_slice %arg2[%add3A_7] : memref<3211264xi32, #tpu.memory_space<hbm>> -> memref<3136xi32, #tpu.memory_space<hbm>>
    tpu.enqueue_dma source(%dma_start3A_9 : memref<3136xi32, #tpu.memory_space<hbm>>) target(%arg8 : memref<3136xi32, #tpu.memory_space<vmem>>) target_semaphore(%arg13 : memref<!tpu.dma_semaphore, #tpu.memory_space<semaphore_mem>>)
    %add3A_10 = arith.constant 301056 : i32
    %add3A_11 = arith.addi %add3A_10, %mul3A_2 : i32
    %dma_start3A_12 = tpu.memref_slice %arg2[%add3A_11] : memref<3211264xi32, #tpu.memory_space<hbm>> -> memref<3136xi32, #tpu.memory_space<hbm>>
    %dma_start3A_13 = tpu.memref_slice %arg2[%add3A_11] : memref<3211264xi32, #tpu.memory_space<hbm>> -> memref<3136xi32, #tpu.memory_space<hbm>>
    tpu.enqueue_dma source(%dma_start3A_13 : memref<3136xi32, #tpu.memory_space<hbm>>) target(%arg9 : memref<3136xi32, #tpu.memory_space<vmem>>) target_semaphore(%arg14 : memref<!tpu.dma_semaphore, #tpu.memory_space<semaphore_mem>>)
    %add3A_14 = arith.constant 401408 : i32
    %add3A_15 = arith.addi %add3A_14, %mul3A_2 : i32
    %dma_start3A_16 = tpu.memref_slice %arg2[%add3A_15] : memref<3211264xi32, #tpu.memory_space<hbm>> -> memref<3136xi32, #tpu.memory_space<hbm>>
    %dma_start3A_17 = tpu.memref_slice %arg2[%add3A_15] : memref<3211264xi32, #tpu.memory_space<hbm>> -> memref<3136xi32, #tpu.memory_space<hbm>>
    tpu.enqueue_dma source(%dma_start3A_17 : memref<3136xi32, #tpu.memory_space<hbm>>) target(%arg10 : memref<3136xi32, #tpu.memory_space<vmem>>) target_semaphore(%arg15 : memref<!tpu.dma_semaphore, #tpu.memory_space<semaphore_mem>>)
    "tpu.region"() ({
      %run_scoped3A = tpu.sem_alloc : memref<!tpu.dma_semaphore, #tpu.memory_space<semaphore_mem>>
      tpu.enqueue_dma source(%arg3 : memref<8192xf32, #tpu.memory_space<hbm>>) target(%arg5 : memref<8192xf32, #tpu.memory_space<vmem>>) target_semaphore(%run_scoped3A : memref<!tpu.dma_semaphore, #tpu.memory_space<semaphore_mem>>)
      tpu.wait_dma2 semaphore(%run_scoped3A : memref<!tpu.dma_semaphore, #tpu.memory_space<semaphore_mem>>) src(%arg3 : memref<8192xf32, #tpu.memory_space<hbm>>) dst(%arg5 : memref<8192xf32, #tpu.memory_space<vmem>>)
      tpu.yield
    }) : () -> ()
    "tpu.region"() ({
      %run_scoped3A = tpu.sem_alloc : memref<!tpu.dma_semaphore, #tpu.memory_space<semaphore_mem>>
      %dma_start3A_82 = tpu.memref_slice %arg2[%mul3A_2] : memref<3211264xi32, #tpu.memory_space<hbm>> -> memref<3136xi32, #tpu.memory_space<hbm>>
      %dma_start3A_83 = tpu.memref_slice %arg2[%mul3A_2] : memref<3211264xi32, #tpu.memory_space<hbm>> -> memref<3136xi32, #tpu.memory_space<hbm>>
      tpu.enqueue_dma source(%dma_start3A_83 : memref<3136xi32, #tpu.memory_space<hbm>>) target(%arg6 : memref<3136xi32, #tpu.memory_space<vmem>>) target_semaphore(%run_scoped3A : memref<!tpu.dma_semaphore, #tpu.memory_space<semaphore_mem>>)
      %dma_wait3A_84 = tpu.memref_slice %arg2[%mul3A_2] : memref<3211264xi32, #tpu.memory_space<hbm>> -> memref<3136xi32, #tpu.memory_space<hbm>>
      %dma_wait3A_85 = tpu.memref_slice %arg2[%mul3A_2] : memref<3211264xi32, #tpu.memory_space<hbm>> -> memref<3136xi32, #tpu.memory_space<hbm>>
      tpu.wait_dma2 semaphore(%run_scoped3A : memref<!tpu.dma_semaphore, #tpu.memory_space<semaphore_mem>>) src(%dma_wait3A_85 : memref<3136xi32, #tpu.memory_space<hbm>>) dst(%arg6 : memref<3136xi32, #tpu.memory_space<vmem>>)
      tpu.yield
    }) : () -> ()
    %scan3A = arith.constant 0 : i32
    %scan3A_18 = arith.constant 0 : i32
    %scan3A_19 = arith.constant 7 : i32
    %scan3A_20 = arith.addi %scan3A_18, %scan3A_19 : i32
    %scan3A_21 = arith.constant 1 : i32
    scf.for %scan3A_82 = %scan3A_18 to %scan3A_20 step %scan3A_21  : i32 {
      %mul3A_83 = arith.constant 4 : i32
      %mul3A_84 = arith.muli %mul3A_83, %scan3A_82 : i32
      %add3A_85 = arith.constant 1 : i32
      %add3A_86 = arith.addi %mul3A_84, %add3A_85 : i32
      %add3A_87 = arith.constant 0 : i32
      %add3A_88 = arith.addi %add3A_86, %add3A_87 : i32
      %dma_wait3A_89 = arith.constant 0 : i32
      %dma_wait3A_90 = tpu.memref_slice %arg2[%dma_wait3A_89] : memref<3211264xi32, #tpu.memory_space<hbm>> -> memref<3136xi32, #tpu.memory_space<hbm>>
      %dma_wait3A_91 = arith.constant 0 : i32
      %dma_wait3A_92 = tpu.memref_slice %arg2[%dma_wait3A_91] : memref<3211264xi32, #tpu.memory_space<hbm>> -> memref<3136xi32, #tpu.memory_space<hbm>>
      tpu.wait_dma2 semaphore(%arg12 : memref<!tpu.dma_semaphore, #tpu.memory_space<semaphore_mem>>) src(%dma_wait3A_92 : memref<3136xi32, #tpu.memory_space<hbm>>) dst(%arg7 : memref<3136xi32, #tpu.memory_space<vmem>>)
      %parallel_loop3A_93 = arith.constant 0 : i32
      %parallel_loop3A_94 = arith.constant 196 : i32
      %parallel_loop3A_95 = arith.constant 1 : i32
      scf.for %parallel_loop3A_163 = %parallel_loop3A_93 to %parallel_loop3A_94 step %parallel_loop3A_95  : i32 {
        %parallel_loop3A_164 = arith.constant 16 : i32
        %parallel_loop3A_165 = arith.muli %parallel_loop3A_163, %parallel_loop3A_164 : i32
        %parallel_loop3A_166 = arith.index_cast %parallel_loop3A_165 : i32 to index
        %parallel_loop3A_167 = tpu.vector_load %arg6[%parallel_loop3A_166] {strides = array<i32>} : memref<3136xi32, #tpu.memory_space<vmem>>, vector<16xi32>,
        %parallel_loop3A_168 = arith.index_cast %parallel_loop3A_165 : i32 to index
        %parallel_loop3A_169 = tpu.vector_load %arg7[%parallel_loop3A_168] {strides = array<i32>} : memref<3136xi32, #tpu.memory_space<vmem>>, vector<16xi32>,
        %parallel_loop3A_170 = arith.addi %parallel_loop3A_167, %parallel_loop3A_169 : vector<16xi32>
        %parallel_loop3A_171 = arith.index_cast %parallel_loop3A_165 : i32 to index
        %parallel_loop3A_172 = tpu.vector_load %arg6[%parallel_loop3A_171] {strides = array<i32>} : memref<3136xi32, #tpu.memory_space<vmem>>, vector<16xi32>,
        tpu.vector_store %arg6[%parallel_loop3A_171], %parallel_loop3A_170 {strides = array<i32>} : memref<3136xi32, #tpu.memory_space<vmem>>, vector<16xi32>,
      } {sc.loop_unroll_factor = 8 : i64, sc.parallel_access}
      %add3A_96 = arith.constant 4 : i32
      %add3A_97 = arith.addi %add3A_88, %add3A_96 : i32
      %lt3A_98 = arith.constant 32 : i32
      %lt3A_99 = arith.cmpi slt, %add3A_97, %lt3A_98 : i32
      %convert_element_type3A_100 = arith.extui %lt3A_99 : i1 to i32
      %cond3A_101 = arith.constant 0 : i32
      %cond3A_102 = arith.cmpi ne, %convert_element_type3A_100, %cond3A_101 : i32
      scf.if %cond3A_102 {
        %add3A_163 = arith.constant 4 : i32
        %add3A_164 = arith.addi %add3A_88, %add3A_163 : i32
        %mul3A_165 = arith.constant 100352 : i32
        %mul3A_166 = arith.muli %add3A_164, %mul3A_165 : i32
        %add3A_167 = arith.addi %mul3A_166, %mul3A_2 : i32
        %dma_start3A_168 = tpu.memref_slice %arg2[%add3A_167] : memref<3211264xi32, #tpu.memory_space<hbm>> -> memref<3136xi32, #tpu.memory_space<hbm>>
        %dma_start3A_169 = tpu.memref_slice %arg2[%add3A_167] : memref<3211264xi32, #tpu.memory_space<hbm>> -> memref<3136xi32, #tpu.memory_space<hbm>>
        tpu.enqueue_dma source(%dma_start3A_169 : memref<3136xi32, #tpu.memory_space<hbm>>) target(%arg7 : memref<3136xi32, #tpu.memory_space<vmem>>) target_semaphore(%arg12 : memref<!tpu.dma_semaphore, #tpu.memory_space<semaphore_mem>>)
      } else {
      }
      %mul3A_103 = arith.constant 4 : i32
      %mul3A_104 = arith.muli %mul3A_103, %scan3A_82 : i32
      %add3A_105 = arith.constant 1 : i32
      %add3A_106 = arith.addi %mul3A_104, %add3A_105 : i32
      %add3A_107 = arith.constant 1 : i32
      %add3A_108 = arith.addi %add3A_106, %add3A_107 : i32
      %dma_wait3A_109 = arith.constant 0 : i32
      %dma_wait3A_110 = tpu.memref_slice %arg2[%dma_wait3A_109] : memref<3211264xi32, #tpu.memory_space<hbm>> -> memref<3136xi32, #tpu.memory_space<hbm>>
      %dma_wait3A_111 = arith.constant 0 : i32
      %dma_wait3A_112 = tpu.memref_slice %arg2[%dma_wait3A_111] : memref<3211264xi32, #tpu.memory_space<hbm>> -> memref<3136xi32, #tpu.memory_space<hbm>>
      tpu.wait_dma2 semaphore(%arg13 : memref<!tpu.dma_semaphore, #tpu.memory_space<semaphore_mem>>) src(%dma_wait3A_112 : memref<3136xi32, #tpu.memory_space<hbm>>) dst(%arg8 : memref<3136xi32, #tpu.memory_space<vmem>>)
      %parallel_loop3A_113 = arith.constant 0 : i32
      %parallel_loop3A_114 = arith.constant 196 : i32
      %parallel_loop3A_115 = arith.constant 1 : i32
      scf.for %parallel_loop3A_163 = %parallel_loop3A_113 to %parallel_loop3A_114 step %parallel_loop3A_115  : i32 {
        %parallel_loop3A_164 = arith.constant 16 : i32
        %parallel_loop3A_165 = arith.muli %parallel_loop3A_163, %parallel_loop3A_164 : i32
        %parallel_loop3A_166 = arith.index_cast %parallel_loop3A_165 : i32 to index
        %parallel_loop3A_167 = tpu.vector_load %arg6[%parallel_loop3A_166] {strides = array<i32>} : memref<3136xi32, #tpu.memory_space<vmem>>, vector<16xi32>,
        %parallel_loop3A_168 = arith.index_cast %parallel_loop3A_165 : i32 to index
        %parallel_loop3A_169 = tpu.vector_load %arg8[%parallel_loop3A_168] {strides = array<i32>} : memref<3136xi32, #tpu.memory_space<vmem>>, vector<16xi32>,
        %parallel_loop3A_170 = arith.addi %parallel_loop3A_167, %parallel_loop3A_169 : vector<16xi32>
        %parallel_loop3A_171 = arith.index_cast %parallel_loop3A_165 : i32 to index
        %parallel_loop3A_172 = tpu.vector_load %arg6[%parallel_loop3A_171] {strides = array<i32>} : memref<3136xi32, #tpu.memory_space<vmem>>, vector<16xi32>,
        tpu.vector_store %arg6[%parallel_loop3A_171], %parallel_loop3A_170 {strides = array<i32>} : memref<3136xi32, #tpu.memory_space<vmem>>, vector<16xi32>,
      } {sc.loop_unroll_factor = 8 : i64, sc.parallel_access}
      %add3A_116 = arith.constant 4 : i32
      %add3A_117 = arith.addi %add3A_108, %add3A_116 : i32
      %lt3A_118 = arith.constant 32 : i32
      %lt3A_119 = arith.cmpi slt, %add3A_117, %lt3A_118 : i32
      %convert_element_type3A_120 = arith.extui %lt3A_119 : i1 to i32
      %cond3A_121 = arith.constant 0 : i32
      %cond3A_122 = arith.cmpi ne, %convert_element_type3A_120, %cond3A_121 : i32
      scf.if %cond3A_122 {
        %add3A_163 = arith.constant 4 : i32
        %add3A_164 = arith.addi %add3A_108, %add3A_163 : i32
        %mul3A_165 = arith.constant 100352 : i32
        %mul3A_166 = arith.muli %add3A_164, %mul3A_165 : i32
        %add3A_167 = arith.addi %mul3A_166, %mul3A_2 : i32
        %dma_start3A_168 = tpu.memref_slice %arg2[%add3A_167] : memref<3211264xi32, #tpu.memory_space<hbm>> -> memref<3136xi32, #tpu.memory_space<hbm>>
        %dma_start3A_169 = tpu.memref_slice %arg2[%add3A_167] : memref<3211264xi32, #tpu.memory_space<hbm>> -> memref<3136xi32, #tpu.memory_space<hbm>>
        tpu.enqueue_dma source(%dma_start3A_169 : memref<3136xi32, #tpu.memory_space<hbm>>) target(%arg8 : memref<3136xi32, #tpu.memory_space<vmem>>) target_semaphore(%arg13 : memref<!tpu.dma_semaphore, #tpu.memory_space<semaphore_mem>>)
      } else {
      }
      %mul3A_123 = arith.constant 4 : i32
      %mul3A_124 = arith.muli %mul3A_123, %scan3A_82 : i32
      %add3A_125 = arith.constant 1 : i32
      %add3A_126 = arith.addi %mul3A_124, %add3A_125 : i32
      %add3A_127 = arith.constant 2 : i32
      %add3A_128 = arith.addi %add3A_126, %add3A_127 : i32
      %dma_wait3A_129 = arith.constant 0 : i32
      %dma_wait3A_130 = tpu.memref_slice %arg2[%dma_wait3A_129] : memref<3211264xi32, #tpu.memory_space<hbm>> -> memref<3136xi32, #tpu.memory_space<hbm>>
      %dma_wait3A_131 = arith.constant 0 : i32
      %dma_wait3A_132 = tpu.memref_slice %arg2[%dma_wait3A_131] : memref<3211264xi32, #tpu.memory_space<hbm>> -> memref<3136xi32, #tpu.memory_space<hbm>>
      tpu.wait_dma2 semaphore(%arg14 : memref<!tpu.dma_semaphore, #tpu.memory_space<semaphore_mem>>) src(%dma_wait3A_132 : memref<3136xi32, #tpu.memory_space<hbm>>) dst(%arg9 : memref<3136xi32, #tpu.memory_space<vmem>>)
      %parallel_loop3A_133 = arith.constant 0 : i32
      %parallel_loop3A_134 = arith.constant 196 : i32
      %parallel_loop3A_135 = arith.constant 1 : i32
      scf.for %parallel_loop3A_163 = %parallel_loop3A_133 to %parallel_loop3A_134 step %parallel_loop3A_135  : i32 {
        %parallel_loop3A_164 = arith.constant 16 : i32
        %parallel_loop3A_165 = arith.muli %parallel_loop3A_163, %parallel_loop3A_164 : i32
        %parallel_loop3A_166 = arith.index_cast %parallel_loop3A_165 : i32 to index
        %parallel_loop3A_167 = tpu.vector_load %arg6[%parallel_loop3A_166] {strides = array<i32>} : memref<3136xi32, #tpu.memory_space<vmem>>, vector<16xi32>,
        %parallel_loop3A_168 = arith.index_cast %parallel_loop3A_165 : i32 to index
        %parallel_loop3A_169 = tpu.vector_load %arg9[%parallel_loop3A_168] {strides = array<i32>} : memref<3136xi32, #tpu.memory_space<vmem>>, vector<16xi32>,
        %parallel_loop3A_170 = arith.addi %parallel_loop3A_167, %parallel_loop3A_169 : vector<16xi32>
        %parallel_loop3A_171 = arith.index_cast %parallel_loop3A_165 : i32 to index
        %parallel_loop3A_172 = tpu.vector_load %arg6[%parallel_loop3A_171] {strides = array<i32>} : memref<3136xi32, #tpu.memory_space<vmem>>, vector<16xi32>,
        tpu.vector_store %arg6[%parallel_loop3A_171], %parallel_loop3A_170 {strides = array<i32>} : memref<3136xi32, #tpu.memory_space<vmem>>, vector<16xi32>,
      } {sc.loop_unroll_factor = 8 : i64, sc.parallel_access}
      %add3A_136 = arith.constant 4 : i32
      %add3A_137 = arith.addi %add3A_128, %add3A_136 : i32
      %lt3A_138 = arith.constant 32 : i32
      %lt3A_139 = arith.cmpi slt, %add3A_137, %lt3A_138 : i32
      %convert_element_type3A_140 = arith.extui %lt3A_139 : i1 to i32
      %cond3A_141 = arith.constant 0 : i32
      %cond3A_142 = arith.cmpi ne, %convert_element_type3A_140, %cond3A_141 : i32
      scf.if %cond3A_142 {
        %add3A_163 = arith.constant 4 : i32
        %add3A_164 = arith.addi %add3A_128, %add3A_163 : i32
        %mul3A_165 = arith.constant 100352 : i32
        %mul3A_166 = arith.muli %add3A_164, %mul3A_165 : i32
        %add3A_167 = arith.addi %mul3A_166, %mul3A_2 : i32
        %dma_start3A_168 = tpu.memref_slice %arg2[%add3A_167] : memref<3211264xi32, #tpu.memory_space<hbm>> -> memref<3136xi32, #tpu.memory_space<hbm>>
        %dma_start3A_169 = tpu.memref_slice %arg2[%add3A_167] : memref<3211264xi32, #tpu.memory_space<hbm>> -> memref<3136xi32, #tpu.memory_space<hbm>>
        tpu.enqueue_dma source(%dma_start3A_169 : memref<3136xi32, #tpu.memory_space<hbm>>) target(%arg9 : memref<3136xi32, #tpu.memory_space<vmem>>) target_semaphore(%arg14 : memref<!tpu.dma_semaphore, #tpu.memory_space<semaphore_mem>>)
      } else {
      }
      %mul3A_143 = arith.constant 4 : i32
      %mul3A_144 = arith.muli %mul3A_143, %scan3A_82 : i32
      %add3A_145 = arith.constant 1 : i32
      %add3A_146 = arith.addi %mul3A_144, %add3A_145 : i32
      %add3A_147 = arith.constant 3 : i32
      %add3A_148 = arith.addi %add3A_146, %add3A_147 : i32
      %dma_wait3A_149 = arith.constant 0 : i32
      %dma_wait3A_150 = tpu.memref_slice %arg2[%dma_wait3A_149] : memref<3211264xi32, #tpu.memory_space<hbm>> -> memref<3136xi32, #tpu.memory_space<hbm>>
      %dma_wait3A_151 = arith.constant 0 : i32
      %dma_wait3A_152 = tpu.memref_slice %arg2[%dma_wait3A_151] : memref<3211264xi32, #tpu.memory_space<hbm>> -> memref<3136xi32, #tpu.memory_space<hbm>>
      tpu.wait_dma2 semaphore(%arg15 : memref<!tpu.dma_semaphore, #tpu.memory_space<semaphore_mem>>) src(%dma_wait3A_152 : memref<3136xi32, #tpu.memory_space<hbm>>) dst(%arg10 : memref<3136xi32, #tpu.memory_space<vmem>>)
      %parallel_loop3A_153 = arith.constant 0 : i32
      %parallel_loop3A_154 = arith.constant 196 : i32
      %parallel_loop3A_155 = arith.constant 1 : i32
      scf.for %parallel_loop3A_163 = %parallel_loop3A_153 to %parallel_loop3A_154 step %parallel_loop3A_155  : i32 {
        %parallel_loop3A_164 = arith.constant 16 : i32
        %parallel_loop3A_165 = arith.muli %parallel_loop3A_163, %parallel_loop3A_164 : i32
        %parallel_loop3A_166 = arith.index_cast %parallel_loop3A_165 : i32 to index
        %parallel_loop3A_167 = tpu.vector_load %arg6[%parallel_loop3A_166] {strides = array<i32>} : memref<3136xi32, #tpu.memory_space<vmem>>, vector<16xi32>,
        %parallel_loop3A_168 = arith.index_cast %parallel_loop3A_165 : i32 to index
        %parallel_loop3A_169 = tpu.vector_load %arg10[%parallel_loop3A_168] {strides = array<i32>} : memref<3136xi32, #tpu.memory_space<vmem>>, vector<16xi32>,
        %parallel_loop3A_170 = arith.addi %parallel_loop3A_167, %parallel_loop3A_169 : vector<16xi32>
        %parallel_loop3A_171 = arith.index_cast %parallel_loop3A_165 : i32 to index
        %parallel_loop3A_172 = tpu.vector_load %arg6[%parallel_loop3A_171] {strides = array<i32>} : memref<3136xi32, #tpu.memory_space<vmem>>, vector<16xi32>,
        tpu.vector_store %arg6[%parallel_loop3A_171], %parallel_loop3A_170 {strides = array<i32>} : memref<3136xi32, #tpu.memory_space<vmem>>, vector<16xi32>,
      } {sc.loop_unroll_factor = 8 : i64, sc.parallel_access}
      %add3A_156 = arith.constant 4 : i32
      %add3A_157 = arith.addi %add3A_148, %add3A_156 : i32
      %lt3A_158 = arith.constant 32 : i32
      %lt3A_159 = arith.cmpi slt, %add3A_157, %lt3A_158 : i32
      %convert_element_type3A_160 = arith.extui %lt3A_159 : i1 to i32
      %cond3A_161 = arith.constant 0 : i32
      %cond3A_162 = arith.cmpi ne, %convert_element_type3A_160, %cond3A_161 : i32
      scf.if %cond3A_162 {
        %add3A_163 = arith.constant 4 : i32
        %add3A_164 = arith.addi %add3A_148, %add3A_163 : i32
        %mul3A_165 = arith.constant 100352 : i32
        %mul3A_166 = arith.muli %add3A_164, %mul3A_165 : i32
        %add3A_167 = arith.addi %mul3A_166, %mul3A_2 : i32
        %dma_start3A_168 = tpu.memref_slice %arg2[%add3A_167] : memref<3211264xi32, #tpu.memory_space<hbm>> -> memref<3136xi32, #tpu.memory_space<hbm>>
        %dma_start3A_169 = tpu.memref_slice %arg2[%add3A_167] : memref<3211264xi32, #tpu.memory_space<hbm>> -> memref<3136xi32, #tpu.memory_space<hbm>>
        tpu.enqueue_dma source(%dma_start3A_169 : memref<3136xi32, #tpu.memory_space<hbm>>) target(%arg10 : memref<3136xi32, #tpu.memory_space<vmem>>) target_semaphore(%arg15 : memref<!tpu.dma_semaphore, #tpu.memory_space<semaphore_mem>>)
      } else {
      }
    }
    %scan3A_22 = arith.constant 7 : i32
    %dma_wait3A = arith.constant 0 : i32
    %dma_wait3A_23 = tpu.memref_slice %arg2[%dma_wait3A] : memref<3211264xi32, #tpu.memory_space<hbm>> -> memref<3136xi32, #tpu.memory_space<hbm>>
    %dma_wait3A_24 = arith.constant 0 : i32
    %dma_wait3A_25 = tpu.memref_slice %arg2[%dma_wait3A_24] : memref<3211264xi32, #tpu.memory_space<hbm>> -> memref<3136xi32, #tpu.memory_space<hbm>>
    tpu.wait_dma2 semaphore(%arg12 : memref<!tpu.dma_semaphore, #tpu.memory_space<semaphore_mem>>) src(%dma_wait3A_25 : memref<3136xi32, #tpu.memory_space<hbm>>) dst(%arg7 : memref<3136xi32, #tpu.memory_space<vmem>>)
    %parallel_loop3A = arith.constant 0 : i32
    %parallel_loop3A_26 = arith.constant 196 : i32
    %parallel_loop3A_27 = arith.constant 1 : i32
    scf.for %parallel_loop3A_82 = %parallel_loop3A to %parallel_loop3A_26 step %parallel_loop3A_27  : i32 {
      %parallel_loop3A_83 = arith.constant 16 : i32
      %parallel_loop3A_84 = arith.muli %parallel_loop3A_82, %parallel_loop3A_83 : i32
      %parallel_loop3A_85 = arith.index_cast %parallel_loop3A_84 : i32 to index
      %parallel_loop3A_86 = tpu.vector_load %arg6[%parallel_loop3A_85] {strides = array<i32>} : memref<3136xi32, #tpu.memory_space<vmem>>, vector<16xi32>,
      %parallel_loop3A_87 = arith.index_cast %parallel_loop3A_84 : i32 to index
      %parallel_loop3A_88 = tpu.vector_load %arg7[%parallel_loop3A_87] {strides = array<i32>} : memref<3136xi32, #tpu.memory_space<vmem>>, vector<16xi32>,
      %parallel_loop3A_89 = arith.addi %parallel_loop3A_86, %parallel_loop3A_88 : vector<16xi32>
      %parallel_loop3A_90 = arith.index_cast %parallel_loop3A_84 : i32 to index
      %parallel_loop3A_91 = tpu.vector_load %arg6[%parallel_loop3A_90] {strides = array<i32>} : memref<3136xi32, #tpu.memory_space<vmem>>, vector<16xi32>,
      tpu.vector_store %arg6[%parallel_loop3A_90], %parallel_loop3A_89 {strides = array<i32>} : memref<3136xi32, #tpu.memory_space<vmem>>, vector<16xi32>,
    } {sc.loop_unroll_factor = 8 : i64, sc.parallel_access}
    %dma_wait3A_28 = arith.constant 0 : i32
    %dma_wait3A_29 = tpu.memref_slice %arg2[%dma_wait3A_28] : memref<3211264xi32, #tpu.memory_space<hbm>> -> memref<3136xi32, #tpu.memory_space<hbm>>
    %dma_wait3A_30 = arith.constant 0 : i32
    %dma_wait3A_31 = tpu.memref_slice %arg2[%dma_wait3A_30] : memref<3211264xi32, #tpu.memory_space<hbm>> -> memref<3136xi32, #tpu.memory_space<hbm>>
    tpu.wait_dma2 semaphore(%arg13 : memref<!tpu.dma_semaphore, #tpu.memory_space<semaphore_mem>>) src(%dma_wait3A_31 : memref<3136xi32, #tpu.memory_space<hbm>>) dst(%arg8 : memref<3136xi32, #tpu.memory_space<vmem>>)
    %parallel_loop3A_32 = arith.constant 0 : i32
    %parallel_loop3A_33 = arith.constant 196 : i32
    %parallel_loop3A_34 = arith.constant 1 : i32
    scf.for %parallel_loop3A_82 = %parallel_loop3A_32 to %parallel_loop3A_33 step %parallel_loop3A_34  : i32 {
      %parallel_loop3A_83 = arith.constant 16 : i32
      %parallel_loop3A_84 = arith.muli %parallel_loop3A_82, %parallel_loop3A_83 : i32
      %parallel_loop3A_85 = arith.index_cast %parallel_loop3A_84 : i32 to index
      %parallel_loop3A_86 = tpu.vector_load %arg6[%parallel_loop3A_85] {strides = array<i32>} : memref<3136xi32, #tpu.memory_space<vmem>>, vector<16xi32>,
      %parallel_loop3A_87 = arith.index_cast %parallel_loop3A_84 : i32 to index
      %parallel_loop3A_88 = tpu.vector_load %arg8[%parallel_loop3A_87] {strides = array<i32>} : memref<3136xi32, #tpu.memory_space<vmem>>, vector<16xi32>,
      %parallel_loop3A_89 = arith.addi %parallel_loop3A_86, %parallel_loop3A_88 : vector<16xi32>
      %parallel_loop3A_90 = arith.index_cast %parallel_loop3A_84 : i32 to index
      %parallel_loop3A_91 = tpu.vector_load %arg6[%parallel_loop3A_90] {strides = array<i32>} : memref<3136xi32, #tpu.memory_space<vmem>>, vector<16xi32>,
      tpu.vector_store %arg6[%parallel_loop3A_90], %parallel_loop3A_89 {strides = array<i32>} : memref<3136xi32, #tpu.memory_space<vmem>>, vector<16xi32>,
    } {sc.loop_unroll_factor = 8 : i64, sc.parallel_access}
    %dma_wait3A_35 = arith.constant 0 : i32
    %dma_wait3A_36 = tpu.memref_slice %arg2[%dma_wait3A_35] : memref<3211264xi32, #tpu.memory_space<hbm>> -> memref<3136xi32, #tpu.memory_space<hbm>>
    %dma_wait3A_37 = arith.constant 0 : i32
    %dma_wait3A_38 = tpu.memref_slice %arg2[%dma_wait3A_37] : memref<3211264xi32, #tpu.memory_space<hbm>> -> memref<3136xi32, #tpu.memory_space<hbm>>
    tpu.wait_dma2 semaphore(%arg14 : memref<!tpu.dma_semaphore, #tpu.memory_space<semaphore_mem>>) src(%dma_wait3A_38 : memref<3136xi32, #tpu.memory_space<hbm>>) dst(%arg9 : memref<3136xi32, #tpu.memory_space<vmem>>)
    %parallel_loop3A_39 = arith.constant 0 : i32
    %parallel_loop3A_40 = arith.constant 196 : i32
    %parallel_loop3A_41 = arith.constant 1 : i32
    scf.for %parallel_loop3A_82 = %parallel_loop3A_39 to %parallel_loop3A_40 step %parallel_loop3A_41  : i32 {
      %parallel_loop3A_83 = arith.constant 16 : i32
      %parallel_loop3A_84 = arith.muli %parallel_loop3A_82, %parallel_loop3A_83 : i32
      %parallel_loop3A_85 = arith.index_cast %parallel_loop3A_84 : i32 to index
      %parallel_loop3A_86 = tpu.vector_load %arg6[%parallel_loop3A_85] {strides = array<i32>} : memref<3136xi32, #tpu.memory_space<vmem>>, vector<16xi32>,
      %parallel_loop3A_87 = arith.index_cast %parallel_loop3A_84 : i32 to index
      %parallel_loop3A_88 = tpu.vector_load %arg9[%parallel_loop3A_87] {strides = array<i32>} : memref<3136xi32, #tpu.memory_space<vmem>>, vector<16xi32>,
      %parallel_loop3A_89 = arith.addi %parallel_loop3A_86, %parallel_loop3A_88 : vector<16xi32>
      %parallel_loop3A_90 = arith.index_cast %parallel_loop3A_84 : i32 to index
      %parallel_loop3A_91 = tpu.vector_load %arg6[%parallel_loop3A_90] {strides = array<i32>} : memref<3136xi32, #tpu.memory_space<vmem>>, vector<16xi32>,
      tpu.vector_store %arg6[%parallel_loop3A_90], %parallel_loop3A_89 {strides = array<i32>} : memref<3136xi32, #tpu.memory_space<vmem>>, vector<16xi32>,
    } {sc.loop_unroll_factor = 8 : i64, sc.parallel_access}
    %iota3A = tpu.iota {dimensions = array<i32: 0>} : vector<16xi32>
    %broadcast_in_dim3A = arith.constant 0 : i32
    %broadcast_in_dim3A_42 = vector.broadcast %broadcast_in_dim3A : i32 to vector<16xi32>
    %broadcast_in_dim3A_43 = arith.constant 1 : i32
    %broadcast_in_dim3A_44 = vector.broadcast %broadcast_in_dim3A_43 : i32 to vector<16xi32>
    %broadcast_in_dim3A_45 = arith.constant 2 : i32
    %broadcast_in_dim3A_46 = vector.broadcast %broadcast_in_dim3A_45 : i32 to vector<16xi32>
    %broadcast_in_dim3A_47 = arith.constant 3 : i32
    %broadcast_in_dim3A_48 = vector.broadcast %broadcast_in_dim3A_47 : i32 to vector<16xi32>
    %broadcast_in_dim3A_49 = arith.constant 4 : i32
    %broadcast_in_dim3A_50 = vector.broadcast %broadcast_in_dim3A_49 : i32 to vector<16xi32>
    %broadcast_in_dim3A_51 = arith.constant 5 : i32
    %broadcast_in_dim3A_52 = vector.broadcast %broadcast_in_dim3A_51 : i32 to vector<16xi32>
    %broadcast_in_dim3A_53 = arith.constant 6 : i32
    %broadcast_in_dim3A_54 = vector.broadcast %broadcast_in_dim3A_53 : i32 to vector<16xi32>
    %broadcast_in_dim3A_55 = arith.constant 7 : i32
    %broadcast_in_dim3A_56 = vector.broadcast %broadcast_in_dim3A_55 : i32 to vector<16xi32>
    %broadcast_in_dim3A_57 = arith.constant 8 : i32
    %broadcast_in_dim3A_58 = vector.broadcast %broadcast_in_dim3A_57 : i32 to vector<16xi32>
    %broadcast_in_dim3A_59 = arith.constant 9 : i32
    %broadcast_in_dim3A_60 = vector.broadcast %broadcast_in_dim3A_59 : i32 to vector<16xi32>
    %broadcast_in_dim3A_61 = arith.constant 10 : i32
    %broadcast_in_dim3A_62 = vector.broadcast %broadcast_in_dim3A_61 : i32 to vector<16xi32>
    %broadcast_in_dim3A_63 = arith.constant 11 : i32
    %broadcast_in_dim3A_64 = vector.broadcast %broadcast_in_dim3A_63 : i32 to vector<16xi32>
    %broadcast_in_dim3A_65 = arith.constant 12 : i32
    %broadcast_in_dim3A_66 = vector.broadcast %broadcast_in_dim3A_65 : i32 to vector<16xi32>
    %broadcast_in_dim3A_67 = arith.constant 13 : i32
    %broadcast_in_dim3A_68 = vector.broadcast %broadcast_in_dim3A_67 : i32 to vector<16xi32>
    %broadcast_in_dim3A_69 = arith.constant 14 : i32
    %broadcast_in_dim3A_70 = vector.broadcast %broadcast_in_dim3A_69 : i32 to vector<16xi32>
    %broadcast_in_dim3A_71 = arith.constant 15 : i32
    %broadcast_in_dim3A_72 = vector.broadcast %broadcast_in_dim3A_71 : i32 to vector<16xi32>
    %parallel_loop3A_73 = arith.constant 0 : i32
    %parallel_loop3A_74 = arith.constant 196 : i32
    %parallel_loop3A_75 = arith.constant 1 : i32
    scf.for %parallel_loop3A_82 = %parallel_loop3A_73 to %parallel_loop3A_74 step %parallel_loop3A_75  : i32 {
      %parallel_loop3A_83 = arith.constant 16 : i32
      %parallel_loop3A_84 = arith.muli %parallel_loop3A_82, %parallel_loop3A_83 : i32
      %parallel_loop3A_85 = arith.index_cast %parallel_loop3A_84 : i32 to index
      %parallel_loop3A_86 = tpu.vector_load %arg6[%parallel_loop3A_85] {strides = array<i32>} : memref<3136xi32, #tpu.memory_space<vmem>>, vector<16xi32>,
      %parallel_loop3A_87 = arith.constant 1 : i32
      %parallel_loop3A_88 = vector.broadcast %parallel_loop3A_87 : i32 to vector<16xi32>
      %parallel_loop3A_89 = arith.maxsi %parallel_loop3A_86, %parallel_loop3A_88 : vector<16xi32>
      %parallel_loop3A_90 = arith.constant 512 : i32
      %parallel_loop3A_91 = vector.broadcast %parallel_loop3A_90 : i32 to vector<16xi32>
      %parallel_loop3A_92 = arith.minsi %parallel_loop3A_89, %parallel_loop3A_91 : vector<16xi32>
      %parallel_loop3A_93 = arith.constant 1 : i32
      %parallel_loop3A_94 = vector.broadcast %parallel_loop3A_93 : i32 to vector<16xi32>
      %parallel_loop3A_95 = arith.subi %parallel_loop3A_92, %parallel_loop3A_94 : vector<16xi32>
      %parallel_loop3A_96 = arith.constant 16 : i32
      %parallel_loop3A_97 = vector.broadcast %parallel_loop3A_96 : i32 to vector<16xi32>
      %parallel_loop3A_98 = arith.muli %parallel_loop3A_95, %parallel_loop3A_97 : vector<16xi32>
      %parallel_loop3A_99 = arith.constant 16 : i32
      %parallel_loop3A_100 = arith.muli %parallel_loop3A_82, %parallel_loop3A_99 : i32
      %parallel_loop3A_101 = vector.broadcast %parallel_loop3A_100 : i32 to vector<16xi32>
      %parallel_loop3A_102 = arith.addi %parallel_loop3A_101, %iota3A : vector<16xi32>
      %parallel_loop3A_103 = arith.constant 0 : i32
      %parallel_loop3A_104 = vector.broadcast %parallel_loop3A_103 : i32 to vector<16xi32>
      %parallel_loop3A_105 = arith.addi %parallel_loop3A_98, %parallel_loop3A_104 : vector<16xi32>
      %parallel_loop3A_106 = tpu.vector_load_idx %arg5[%parallel_loop3A_105] : memref<8192xf32, #tpu.memory_space<vmem>>[vector<16xi32>], vector<16xf32>,
      tpu.vector_store_idx %arg11[%parallel_loop3A_102, %broadcast_in_dim3A_42], %parallel_loop3A_106 : memref<3136x16xf32, #tpu.memory_space<vmem>>[vector<16xi32>, vector<16xi32>], vector<16xf32>,
      %parallel_loop3A_107 = arith.constant 1 : i32
      %parallel_loop3A_108 = vector.broadcast %parallel_loop3A_107 : i32 to vector<16xi32>
      %parallel_loop3A_109 = arith.addi %parallel_loop3A_98, %parallel_loop3A_108 : vector<16xi32>
      %parallel_loop3A_110 = tpu.vector_load_idx %arg5[%parallel_loop3A_109] : memref<8192xf32, #tpu.memory_space<vmem>>[vector<16xi32>], vector<16xf32>,
      tpu.vector_store_idx %arg11[%parallel_loop3A_102, %broadcast_in_dim3A_44], %parallel_loop3A_110 : memref<3136x16xf32, #tpu.memory_space<vmem>>[vector<16xi32>, vector<16xi32>], vector<16xf32>,
      %parallel_loop3A_111 = arith.constant 2 : i32
      %parallel_loop3A_112 = vector.broadcast %parallel_loop3A_111 : i32 to vector<16xi32>
      %parallel_loop3A_113 = arith.addi %parallel_loop3A_98, %parallel_loop3A_112 : vector<16xi32>
      %parallel_loop3A_114 = tpu.vector_load_idx %arg5[%parallel_loop3A_113] : memref<8192xf32, #tpu.memory_space<vmem>>[vector<16xi32>], vector<16xf32>,
      tpu.vector_store_idx %arg11[%parallel_loop3A_102, %broadcast_in_dim3A_46], %parallel_loop3A_114 : memref<3136x16xf32, #tpu.memory_space<vmem>>[vector<16xi32>, vector<16xi32>], vector<16xf32>,
      %parallel_loop3A_115 = arith.constant 3 : i32
      %parallel_loop3A_116 = vector.broadcast %parallel_loop3A_115 : i32 to vector<16xi32>
      %parallel_loop3A_117 = arith.addi %parallel_loop3A_98, %parallel_loop3A_116 : vector<16xi32>
      %parallel_loop3A_118 = tpu.vector_load_idx %arg5[%parallel_loop3A_117] : memref<8192xf32, #tpu.memory_space<vmem>>[vector<16xi32>], vector<16xf32>,
      tpu.vector_store_idx %arg11[%parallel_loop3A_102, %broadcast_in_dim3A_48], %parallel_loop3A_118 : memref<3136x16xf32, #tpu.memory_space<vmem>>[vector<16xi32>, vector<16xi32>], vector<16xf32>,
      %parallel_loop3A_119 = arith.constant 4 : i32
      %parallel_loop3A_120 = vector.broadcast %parallel_loop3A_119 : i32 to vector<16xi32>
      %parallel_loop3A_121 = arith.addi %parallel_loop3A_98, %parallel_loop3A_120 : vector<16xi32>
      %parallel_loop3A_122 = tpu.vector_load_idx %arg5[%parallel_loop3A_121] : memref<8192xf32, #tpu.memory_space<vmem>>[vector<16xi32>], vector<16xf32>,
      tpu.vector_store_idx %arg11[%parallel_loop3A_102, %broadcast_in_dim3A_50], %parallel_loop3A_122 : memref<3136x16xf32, #tpu.memory_space<vmem>>[vector<16xi32>, vector<16xi32>], vector<16xf32>,
      %parallel_loop3A_123 = arith.constant 5 : i32
      %parallel_loop3A_124 = vector.broadcast %parallel_loop3A_123 : i32 to vector<16xi32>
      %parallel_loop3A_125 = arith.addi %parallel_loop3A_98, %parallel_loop3A_124 : vector<16xi32>
      %parallel_loop3A_126 = tpu.vector_load_idx %arg5[%parallel_loop3A_125] : memref<8192xf32, #tpu.memory_space<vmem>>[vector<16xi32>], vector<16xf32>,
      tpu.vector_store_idx %arg11[%parallel_loop3A_102, %broadcast_in_dim3A_52], %parallel_loop3A_126 : memref<3136x16xf32, #tpu.memory_space<vmem>>[vector<16xi32>, vector<16xi32>], vector<16xf32>,
      %parallel_loop3A_127 = arith.constant 6 : i32
      %parallel_loop3A_128 = vector.broadcast %parallel_loop3A_127 : i32 to vector<16xi32>
      %parallel_loop3A_129 = arith.addi %parallel_loop3A_98, %parallel_loop3A_128 : vector<16xi32>
      %parallel_loop3A_130 = tpu.vector_load_idx %arg5[%parallel_loop3A_129] : memref<8192xf32, #tpu.memory_space<vmem>>[vector<16xi32>], vector<16xf32>,
      tpu.vector_store_idx %arg11[%parallel_loop3A_102, %broadcast_in_dim3A_54], %parallel_loop3A_130 : memref<3136x16xf32, #tpu.memory_space<vmem>>[vector<16xi32>, vector<16xi32>], vector<16xf32>,
      %parallel_loop3A_131 = arith.constant 7 : i32
      %parallel_loop3A_132 = vector.broadcast %parallel_loop3A_131 : i32 to vector<16xi32>
      %parallel_loop3A_133 = arith.addi %parallel_loop3A_98, %parallel_loop3A_132 : vector<16xi32>
      %parallel_loop3A_134 = tpu.vector_load_idx %arg5[%parallel_loop3A_133] : memref<8192xf32, #tpu.memory_space<vmem>>[vector<16xi32>], vector<16xf32>,
      tpu.vector_store_idx %arg11[%parallel_loop3A_102, %broadcast_in_dim3A_56], %parallel_loop3A_134 : memref<3136x16xf32, #tpu.memory_space<vmem>>[vector<16xi32>, vector<16xi32>], vector<16xf32>,
      %parallel_loop3A_135 = arith.constant 8 : i32
      %parallel_loop3A_136 = vector.broadcast %parallel_loop3A_135 : i32 to vector<16xi32>
      %parallel_loop3A_137 = arith.addi %parallel_loop3A_98, %parallel_loop3A_136 : vector<16xi32>
      %parallel_loop3A_138 = tpu.vector_load_idx %arg5[%parallel_loop3A_137] : memref<8192xf32, #tpu.memory_space<vmem>>[vector<16xi32>], vector<16xf32>,
      tpu.vector_store_idx %arg11[%parallel_loop3A_102, %broadcast_in_dim3A_58], %parallel_loop3A_138 : memref<3136x16xf32, #tpu.memory_space<vmem>>[vector<16xi32>, vector<16xi32>], vector<16xf32>,
      %parallel_loop3A_139 = arith.constant 9 : i32
      %parallel_loop3A_140 = vector.broadcast %parallel_loop3A_139 : i32 to vector<16xi32>
      %parallel_loop3A_141 = arith.addi %parallel_loop3A_98, %parallel_loop3A_140 : vector<16xi32>
      %parallel_loop3A_142 = tpu.vector_load_idx %arg5[%parallel_loop3A_141] : memref<8192xf32, #tpu.memory_space<vmem>>[vector<16xi32>], vector<16xf32>,
      tpu.vector_store_idx %arg11[%parallel_loop3A_102, %broadcast_in_dim3A_60], %parallel_loop3A_142 : memref<3136x16xf32, #tpu.memory_space<vmem>>[vector<16xi32>, vector<16xi32>], vector<16xf32>,
      %parallel_loop3A_143 = arith.constant 10 : i32
      %parallel_loop3A_144 = vector.broadcast %parallel_loop3A_143 : i32 to vector<16xi32>
      %parallel_loop3A_145 = arith.addi %parallel_loop3A_98, %parallel_loop3A_144 : vector<16xi32>
      %parallel_loop3A_146 = tpu.vector_load_idx %arg5[%parallel_loop3A_145] : memref<8192xf32, #tpu.memory_space<vmem>>[vector<16xi32>], vector<16xf32>,
      tpu.vector_store_idx %arg11[%parallel_loop3A_102, %broadcast_in_dim3A_62], %parallel_loop3A_146 : memref<3136x16xf32, #tpu.memory_space<vmem>>[vector<16xi32>, vector<16xi32>], vector<16xf32>,
      %parallel_loop3A_147 = arith.constant 11 : i32
      %parallel_loop3A_148 = vector.broadcast %parallel_loop3A_147 : i32 to vector<16xi32>
      %parallel_loop3A_149 = arith.addi %parallel_loop3A_98, %parallel_loop3A_148 : vector<16xi32>
      %parallel_loop3A_150 = tpu.vector_load_idx %arg5[%parallel_loop3A_149] : memref<8192xf32, #tpu.memory_space<vmem>>[vector<16xi32>], vector<16xf32>,
      tpu.vector_store_idx %arg11[%parallel_loop3A_102, %broadcast_in_dim3A_64], %parallel_loop3A_150 : memref<3136x16xf32, #tpu.memory_space<vmem>>[vector<16xi32>, vector<16xi32>], vector<16xf32>,
      %parallel_loop3A_151 = arith.constant 12 : i32
      %parallel_loop3A_152 = vector.broadcast %parallel_loop3A_151 : i32 to vector<16xi32>
      %parallel_loop3A_153 = arith.addi %parallel_loop3A_98, %parallel_loop3A_152 : vector<16xi32>
      %parallel_loop3A_154 = tpu.vector_load_idx %arg5[%parallel_loop3A_153] : memref<8192xf32, #tpu.memory_space<vmem>>[vector<16xi32>], vector<16xf32>,
      tpu.vector_store_idx %arg11[%parallel_loop3A_102, %broadcast_in_dim3A_66], %parallel_loop3A_154 : memref<3136x16xf32, #tpu.memory_space<vmem>>[vector<16xi32>, vector<16xi32>], vector<16xf32>,
      %parallel_loop3A_155 = arith.constant 13 : i32
      %parallel_loop3A_156 = vector.broadcast %parallel_loop3A_155 : i32 to vector<16xi32>
      %parallel_loop3A_157 = arith.addi %parallel_loop3A_98, %parallel_loop3A_156 : vector<16xi32>
      %parallel_loop3A_158 = tpu.vector_load_idx %arg5[%parallel_loop3A_157] : memref<8192xf32, #tpu.memory_space<vmem>>[vector<16xi32>], vector<16xf32>,
      tpu.vector_store_idx %arg11[%parallel_loop3A_102, %broadcast_in_dim3A_68], %parallel_loop3A_158 : memref<3136x16xf32, #tpu.memory_space<vmem>>[vector<16xi32>, vector<16xi32>], vector<16xf32>,
      %parallel_loop3A_159 = arith.constant 14 : i32
      %parallel_loop3A_160 = vector.broadcast %parallel_loop3A_159 : i32 to vector<16xi32>
      %parallel_loop3A_161 = arith.addi %parallel_loop3A_98, %parallel_loop3A_160 : vector<16xi32>
      %parallel_loop3A_162 = tpu.vector_load_idx %arg5[%parallel_loop3A_161] : memref<8192xf32, #tpu.memory_space<vmem>>[vector<16xi32>], vector<16xf32>,
      tpu.vector_store_idx %arg11[%parallel_loop3A_102, %broadcast_in_dim3A_70], %parallel_loop3A_162 : memref<3136x16xf32, #tpu.memory_space<vmem>>[vector<16xi32>, vector<16xi32>], vector<16xf32>,
      %parallel_loop3A_163 = arith.constant 15 : i32
      %parallel_loop3A_164 = vector.broadcast %parallel_loop3A_163 : i32 to vector<16xi32>
      %parallel_loop3A_165 = arith.addi %parallel_loop3A_98, %parallel_loop3A_164 : vector<16xi32>
      %parallel_loop3A_166 = tpu.vector_load_idx %arg5[%parallel_loop3A_165] : memref<8192xf32, #tpu.memory_space<vmem>>[vector<16xi32>], vector<16xf32>,
      tpu.vector_store_idx %arg11[%parallel_loop3A_102, %broadcast_in_dim3A_72], %parallel_loop3A_166 : memref<3136x16xf32, #tpu.memory_space<vmem>>[vector<16xi32>, vector<16xi32>], vector<16xf32>,
    } {sc.loop_unroll_factor = 2 : i64, sc.parallel_access}
    %lt3A = arith.constant 31 : i32
    %lt3A_76 = arith.cmpi slt, %add3A, %lt3A : i32
    %convert_element_type3A = arith.extui %lt3A_76 : i1 to i32
    %cond3A = arith.constant 0 : i32
    %cond3A_77 = arith.cmpi ne, %convert_element_type3A, %cond3A : i32
    scf.if %cond3A_77 {
      "tpu.region"() ({
        %run_scoped3A = tpu.sem_alloc : memref<!tpu.dma_semaphore, #tpu.memory_space<semaphore_mem>>
        %dma_start3A_82 = arith.constant 0 : i32
        %dma_start3A_83 = tpu.memref_slice %arg4[%mul3A_2, %dma_start3A_82] : memref<100000x16xf32, #tpu.memory_space<hbm>> -> memref<3136x16xf32, #tpu.memory_space<hbm>>
        %dma_start3A_84 = arith.constant 0 : i32
        %dma_start3A_85 = tpu.memref_slice %arg4[%mul3A_2, %dma_start3A_84] : memref<100000x16xf32, #tpu.memory_space<hbm>> -> memref<3136x16xf32, #tpu.memory_space<hbm>>
        tpu.enqueue_dma source(%arg11 : memref<3136x16xf32, #tpu.memory_space<vmem>>) target(%dma_start3A_85 : memref<3136x16xf32, #tpu.memory_space<hbm>>) target_semaphore(%run_scoped3A : memref<!tpu.dma_semaphore, #tpu.memory_space<semaphore_mem>>)
        %dma_wait3A_86 = arith.constant 0 : i32
        %dma_wait3A_87 = tpu.memref_slice %arg4[%mul3A_2, %dma_wait3A_86] : memref<100000x16xf32, #tpu.memory_space<hbm>> -> memref<3136x16xf32, #tpu.memory_space<hbm>>
        %dma_wait3A_88 = arith.constant 0 : i32
        %dma_wait3A_89 = tpu.memref_slice %arg4[%mul3A_2, %dma_wait3A_88] : memref<100000x16xf32, #tpu.memory_space<hbm>> -> memref<3136x16xf32, #tpu.memory_space<hbm>>
        tpu.wait_dma2 semaphore(%run_scoped3A : memref<!tpu.dma_semaphore, #tpu.memory_space<semaphore_mem>>) src(%arg11 : memref<3136x16xf32, #tpu.memory_space<vmem>>) dst(%dma_wait3A_89 : memref<3136x16xf32, #tpu.memory_space<hbm>>)
        tpu.yield
      }) : () -> ()
    } else {
    }
    %eq3A = arith.constant 31 : i32
    %eq3A_78 = arith.cmpi eq, %add3A, %eq3A : i32
    %convert_element_type3A_79 = arith.extui %eq3A_78 : i1 to i32
    %cond3A_80 = arith.constant 0 : i32
    %cond3A_81 = arith.cmpi ne, %convert_element_type3A_79, %cond3A_80 : i32
    scf.if %cond3A_81 {
      "tpu.region"() ({
        %run_scoped3A = tpu.sem_alloc : memref<!tpu.dma_semaphore, #tpu.memory_space<semaphore_mem>>
        %dma_start3A_82 = arith.constant 0 : i32
        %dma_start3A_83 = arith.constant 0 : i32
        %dma_start3A_84 = tpu.memref_slice %arg11[%dma_start3A_82, %dma_start3A_83] : memref<3136x16xf32, #tpu.memory_space<vmem>> -> memref<2784x16xf32, #tpu.memory_space<vmem>>
        %dma_start3A_85 = arith.constant 0 : i32
        %dma_start3A_86 = tpu.memref_slice %arg4[%mul3A_2, %dma_start3A_85] : memref<100000x16xf32, #tpu.memory_space<hbm>> -> memref<2784x16xf32, #tpu.memory_space<hbm>>
        %dma_start3A_87 = arith.constant 0 : i32
        %dma_start3A_88 = tpu.memref_slice %arg4[%mul3A_2, %dma_start3A_87] : memref<100000x16xf32, #tpu.memory_space<hbm>> -> memref<2784x16xf32, #tpu.memory_space<hbm>>
        %dma_start3A_89 = arith.constant 0 : i32
        %dma_start3A_90 = arith.constant 0 : i32
        %dma_start3A_91 = tpu.memref_slice %arg11[%dma_start3A_89, %dma_start3A_90] : memref<3136x16xf32, #tpu.memory_space<vmem>> -> memref<2784x16xf32, #tpu.memory_space<vmem>>
        tpu.enqueue_dma source(%dma_start3A_91 : memref<2784x16xf32, #tpu.memory_space<vmem>>) target(%dma_start3A_88 : memref<2784x16xf32, #tpu.memory_space<hbm>>) target_semaphore(%run_scoped3A : memref<!tpu.dma_semaphore, #tpu.memory_space<semaphore_mem>>)
        %dma_wait3A_92 = arith.constant 0 : i32
        %dma_wait3A_93 = arith.constant 0 : i32
        %dma_wait3A_94 = tpu.memref_slice %arg11[%dma_wait3A_92, %dma_wait3A_93] : memref<3136x16xf32, #tpu.memory_space<vmem>> -> memref<2784x16xf32, #tpu.memory_space<vmem>>
        %dma_wait3A_95 = arith.constant 0 : i32
        %dma_wait3A_96 = tpu.memref_slice %arg4[%mul3A_2, %dma_wait3A_95] : memref<100000x16xf32, #tpu.memory_space<hbm>> -> memref<2784x16xf32, #tpu.memory_space<hbm>>
        %dma_wait3A_97 = arith.constant 0 : i32
        %dma_wait3A_98 = tpu.memref_slice %arg4[%mul3A_2, %dma_wait3A_97] : memref<100000x16xf32, #tpu.memory_space<hbm>> -> memref<2784x16xf32, #tpu.memory_space<hbm>>
        %dma_wait3A_99 = arith.constant 0 : i32
        %dma_wait3A_100 = arith.constant 0 : i32
        %dma_wait3A_101 = tpu.memref_slice %arg11[%dma_wait3A_99, %dma_wait3A_100] : memref<3136x16xf32, #tpu.memory_space<vmem>> -> memref<2784x16xf32, #tpu.memory_space<vmem>>
        tpu.wait_dma2 semaphore(%run_scoped3A : memref<!tpu.dma_semaphore, #tpu.memory_space<semaphore_mem>>) src(%dma_wait3A_101 : memref<2784x16xf32, #tpu.memory_space<vmem>>) dst(%dma_wait3A_98 : memref<2784x16xf32, #tpu.memory_space<hbm>>)
        tpu.yield
      }) : () -> ()
    } else {
    }
    return
  }
}

</mosaic_0001>

<sc_bundles>
// kernel: kernel.4.cloned.1.call-start
scs
__scs_entry_jumppad:
0x0: {  	(pc) =	sbr.rel $0x88, $3  }
0x1: {  	(tag) =	ssettag $0x0;
	lr =	simm.s32 $0x1  }
0x2: {  	[smem:$0x3F9F] =	sst lr;
	_ =	strace $0xD0000000  }
0x3: {  	_ = 	snop  }
0x4: {  	_ = 	snop  }
0x5: {  	_ = 	snop  }
0x6: {  	_ = 	snop  }
0x7: {  	_ = 	snop  }
__scs_overlays_trampoline_lowered:
0x8: {  	[smem:$0x3FAE] =	sst s0  }
0x9: {  	[smem:$0x3FAF] =	sst s1  }
0xa: {  	[smem:$0x3FB0] =	sst s2  }
0xb: {  	[smem:$0x3FB1] =	sst s3  }
0xc: {  	[smem:$0x3FB2] =	sst s4  }
0xd: {  	[smem:$0x3FB3] =	sst s5  }
0xe: {  	[smem:$0x3FB4] =	sst s6  }
0xf: {  	[smem:$0x3FB5] =	sst s7  }
0x10: {  	[smem:$0x3FB6] =	sst s8  }
0x11: {  	[smem:$0x3FB7] =	sst s9;
	s0 =	simm.s32 @!p0 $0x0  }
0x12: {  	s1 =	sld [smem:$0x3F9D];
	s0 =	simm.s32 @p0 $0x1  }
0x13: {  	[smem:$0x3FB8] =	sst s0;
	s0 =	simm.s32 @!p1 $0x0  }
0x14: {  	s2 =	sld [smem:$0x3F9C];
	s0 =	simm.s32 @p1 $0x1  }
0x15: {  	[smem:$0x3FB9] =	sst s0;
	s0 =	simm.s32 @!p2 $0x0  }
0x16: {  	s3 =	sld [smem:$0x3FDB];
	s0 =	simm.s32 @p2 $0x1  }
0x17: {  	s4 =	simm.s32 $0x1BF5;
	[smem:$0x3FBB] =	sst s0  }
0x18: {  	s0 =	sld [smem:$0x3F9E];
	_ =	swait.ge [sflag:s4], $0x0  }
0x19: {  	s7 =	sld [smem:$0x3F9F]  }
0x1a: {  	s8 =	sadd.s32 $0xFFFFE003, lr  }
0x1b: {  	s9 =	sadd.s32 $0xFFFFFEF7, lr;
	s5 =	simm.s32 $0xFFFFFFFF;
	p2 =	slt.u32 s8, $0xFFFFF086  }
0x1c: {  	p1 =	slt.u32 s9, $0xF7A;
	s5 =	simm.s32 @!p2 $0x0  }
0x1d: {  	s5 =	simm.s32 @p1 $0x1;
	p0 =	seq.s32 s7, s2  }
0x1e: {  	s7 =	smul.u32 @!p0 $0xF7A, s2;
	p2 =	seq.s32 @!p0 s5, $0x0  }
0x1f: {  	s9 =	smul.u32 $0xF7A, s1;
	s8 =	simm.s32 @!p0 $0x1BF5;
	p2 =	por !p2, p0  }
0x20: {  	[sflag:s8] =	ssyncset.s32 @!p0 $0xFFFFF086;
	s6 =	sadd.s32 @!p0 s3, s7;
	s7 =	simm.s32 @!p0 $0x108  }
0x21: {  	s3 =	sadd.s32 s3, s9;
	s6 =	sadd.s32 @!p0 $0x88, s6;
	s7 =	simm.s32 @p2 $0x1082  }
0x22: {  	[simem:s7], [sflag:s8] =	dma.local @!p0 [hbm:s6], $0xF7A  }
0x23: {  	s9 =	sor.u32 $0xD0000000, s2;
	s6 =	simm.s32 $0x108;
	_ =	swait.ge @!p0 [sflag:s8], $0x0  }
0x24: {  	s3 =	sadd.s32 $0x88, s3;
	s6 =	simm.s32 @!p1 $0x1082;
	[sflag:s4] =	ssyncset.s32 $0xFFFFF086  }
0x25: {  	[simem:s6], [sflag:s4] =	dma.local [hbm:s3], $0xF7A  }
0x26: {  	[smem:$0x3F9F] =	sst s1;
	(tag) =	ssettag s2;
	_ =	strace s9  }
0x27: {  	s1 =	sld [smem:$0x3FAF]  }
0x28: {  	s2 =	sld [smem:$0x3FB0]  }
0x29: {  	s4 =	sld [smem:$0x3FB2]  }
0x2a: {  	p0 =	seq.s32 s5, $0x0;
	s5 =	sld [smem:$0x3FB3]  }
0x2b: {  	s6 =	sld [smem:$0x3FB4]  }
0x2c: {  	s7 =	sld [smem:$0x3FB5]  }
0x2d: {  	s3 =	simm.s32 $0x108;
	s8 =	sld [smem:$0x3FB6]  }
0x2e: {  	s3 =	simm.s32 @!p0 $0x1082;
	s9 =	sld [smem:$0x3FB7]  }
0x2f: {  	lr =	sadd.s32 s0, s3;
	s0 =	sld [smem:$0x3FAE]  }
0x30: {  	s3 =	sld [smem:$0x3FB1]  }
0x31: {  	[smem:$0x3FBA] =	sst s10  }
0x32: {  	s10 =	sld [smem:$0x3FB8];
	_ =	sdelay $0x3  }
0x33: {  	p0 =	seq.s32 s10, $0x1;
	s10 =	sld [smem:$0x3FBA];
	_ =	sdelay $0x3  }
0x34: {  	[smem:$0x3FBA] =	sst s10  }
0x35: {  	s10 =	sld [smem:$0x3FB9];
	_ =	sdelay $0x3  }
0x36: {  	p1 =	seq.s32 s10, $0x1;
	s10 =	sld [smem:$0x3FBA];
	_ =	sdelay $0x3  }
0x37: {  	[smem:$0x3FBA] =	sst s10  }
0x38: {  	s10 =	sld [smem:$0x3FBB]  }
0x39: {  	_ = 	snop;
	(pc) =	sbr.ind lr, $3  }
0x3a: {  	_ = 	snop  }
0x3b: {  	_ = 	snop  }
0x3c: {  	p2 =	seq.s32 s10, $0x1;
	s10 =	sld [smem:$0x3FBA]  }
0x3d: {  	_ =	shalt  }
0x3e: {  	_ =	shalt  }
0x3f: {  	_ =	shalt  }
0x40: {  	_ =	shalt  }
0x41: {  	_ =	shalt  }
0x42: {  	_ =	shalt  }
0x43: {  	_ =	shalt  }
0x44: {  	_ =	shalt  }
0x45: {  	_ =	shalt  }
0x46: {  	_ =	shalt  }
0x47: {  	_ =	shalt  }
0x48: {  	_ =	shalt  }
0x49: {  	_ =	shalt  }
0x4a: {  	_ =	shalt  }
0x4b: {  	_ =	shalt  }
0x4c: {  	_ =	shalt  }
0x4d: {  	_ =	shalt  }
0x4e: {  	_ =	shalt  }
0x4f: {  	_ =	shalt  }
0x50: {  	_ =	shalt  }
0x51: {  	_ =	shalt  }
0x52: {  	_ =	shalt  }
0x53: {  	_ =	shalt  }
0x54: {  	_ =	shalt  }
0x55: {  	_ =	shalt  }
0x56: {  	_ =	shalt  }
0x57: {  	_ =	shalt  }
0x58: {  	_ =	shalt  }
0x59: {  	_ =	shalt  }
0x5a: {  	_ =	shalt  }
0x5b: {  	_ =	shalt  }
0x5c: {  	_ =	shalt  }
0x5d: {  	_ =	shalt  }
0x5e: {  	_ =	shalt  }
0x5f: {  	_ =	shalt  }
0x60: {  	_ =	shalt  }
0x61: {  	_ =	shalt  }
0x62: {  	_ =	shalt  }
0x63: {  	_ =	shalt  }
0x64: {  	_ =	shalt  }
0x65: {  	_ =	shalt  }
0x66: {  	_ =	shalt  }
0x67: {  	_ =	shalt  }
0x68: {  	_ =	shalt  }
0x69: {  	_ =	shalt  }
0x6a: {  	_ =	shalt  }
0x6b: {  	_ =	shalt  }
0x6c: {  	_ =	shalt  }
0x6d: {  	_ =	shalt  }
0x6e: {  	_ =	shalt  }
0x6f: {  	_ =	shalt  }
0x70: {  	_ =	shalt  }
0x71: {  	_ =	shalt  }
0x72: {  	_ =	shalt  }
0x73: {  	_ =	shalt  }
0x74: {  	_ =	shalt  }
0x75: {  	_ =	shalt  }
0x76: {  	_ =	shalt  }
0x77: {  	_ =	shalt  }
0x78: {  	_ =	shalt  }
0x79: {  	_ =	shalt  }
0x7a: {  	_ =	shalt  }
0x7b: {  	_ =	shalt  }
0x7c: {  	_ =	shalt  }
0x7d: {  	_ =	shalt  }
0x7e: {  	_ =	shalt  }
0x7f: {  	_ =	shalt  }
0x80: {  	_ =	shalt  }
0x81: {  	_ =	shalt  }
0x82: {  	_ =	shalt  }
0x83: {  	_ =	shalt  }
0x84: {  	_ =	shalt  }
0x85: {  	_ =	shalt  }
0x86: {  	_ =	shalt  }
0x87: {  	_ =	shalt  }
.Lfunc_end0:
.L_simem_size_0:
called_computation_lowered:
.L_overlay_start_0:
0x88: {  	s2 =	sld [smem:$0x3FD9]  }
0x89: {  	s3 =	sld [smem:$0x3FFE];
	_ =	sdelay $0x1  }
0x8a: {  	s1 =	srdreg.scid  }
0x8b: {  	s0 =	sand.u32 $0x1, s1  }
0x8c: {  	s17 =	sshll.u32 s0, $0xA;
	s2 =	sadd.s32 s3, s2  }
0x8d: {  	s2 =	sadd.s32 s2, s17  }
0x8e: {  	[smem:$0x3FC6] =	sst s2  }
0x8f: {  	_ = 	snop  }
0x90: {  	s2 =	sld [smem:$0x3FC9];
	(tm) =	ssettm $0x1  }
0x91: {  	s18 =	sld [smem:$0x3FFB];
	_ =	sdelay $0x3  }
0x92: {  	_ =	strace s18  }
0x93: {  	s3 =	sld [smem:$0x3FFC];
	_ =	sdelay $0x3  }
0x94: {  	_ =	strace s3  }
0x95: {  	s3 =	sld [smem:$0x3FFD];
	_ =	sdelay $0x3  }
0x96: {  	_ =	strace s3  }
0x97: {  	_ =	strace $0x8FFFFFFF  }
0x98: {  	s19 =	sld [smem:$0x3FDB];
	_ =	sdelay $0x1  }
0x99: {  	s4 =	simm.s32 $_scs_section_size  }
0x9a: {  	s5 =	simm.s32 $_size__tile_overlayer_lowered;
	s6 =	simm.s32 $_tile_overlayer_lowered  }
0x9b: {  	s22 =	simm.s32 $0x1BFF;
	s21 =	sshll.u32 s6, $0x1;
	s3 =	sadd.s32 s4, s19  }
0x9c: {  	s7 =	simm.s32 $0x0;
	s20 =	sshll.u32 s5, $0x1;
	s5 =	sadd.s32 s21, s3  }
0x9d: {  	[timem:s7], [sflag:s22] =	dma.local [hbm:s5], s20  }
0x9e: {  	_ =	swait.ge [sflag:s22], s20  }
0x9f: {  	s4 =	ssub.s32 $0x0, s20;
	[sflag:s22] =	ssyncset.done $0x0  }
0xa0: {  	[sflag:s22] =	ssyncadd.s32 s4;
	_ =	sdelay $0x1  }
0xa1: {  	s23 =	simm.s32 $0x1B8B  }
0xa2: {  	_ =	swait.ge [sflag:s23], $0x1  }
0xa3: {  	[sflag:s23] =	ssyncset.done $0x0  }
0xa4: {  	s25 =	simm.s32 $0x1B8E;
	s24 =	sld [smem:$0x3FFE];
	[sflag:s23] =	ssyncadd.s32 $0xFFFFFFFF  }
0xa5: {  	s26 =	simm.s32 $execute0_lowered;
	[smem:$0x3FD2] =	sst s25  }
0xa6: {  	s5 =	sshll.u32 s26, $0x1;
	_ =	strace $0x80000046;
	[dreg:$0x1] =	wrdreg $0xFFFFFFFF  }
0xa7: {  	s28 =	simm.s32 $_size_execute0_lowered;
	s3 =	sadd.s32 s3, s5;
	[dreg:$0x0] =	wrdreg $0x0  }
0xa8: {  	s5 =	sshll.u32 s28, $0x1;
	[dreg:$0x2] =	wrdreg s3  }
0xa9: {  	[dreg:$0x3] =	wrdreg s5  }
0xaa: {  	[dreg:$0x4] =	wrdreg $0xC0  }
0xab: {  	_ =	task [dreg:s7], $0x5FFFF  }
0xac: {  	[dreg:$0x1] =	wrdreg $0xFFFFFFFF  }
0xad: {  	[dreg:$0x0] =	wrdreg $0x60  }
0xae: {  	[dreg:$0x2] =	wrdreg s2  }
0xaf: {  	[dreg:$0x3] =	wrdreg s24  }
0xb0: {  	[dreg:$0x4] =	wrdreg $0x9  }
0xb1: {  	_ =	task.clear_ibuf [dreg:s7], $0x5FFFF;
	_ =	strace $0x90000046  }
0xb2: {  	s29 =	simm.s32 $0x9;
	_ =	strace $0x80000048  }
0xb3: {  	_ =	swait.ge [sflag:s29], $0x1  }
0xb4: {  	[sflag:s29] =	ssyncadd.s32 $0xFFFFFFFF  }
0xb5: {  	_ =	strace $0x90000048  }
0xb6: {  	_ =	sfence  }
0xb7: {  	s30 =	sld [smem:$0x0];
	_ =	sdelay $0x2  }
0xb8: {  	s31 =	sshll.u32 s1, $0xD;
	s1 =	sshrl.u32 s1, $0x2  }
0xb9: {  	s3 =	sand.u32 $0x4000, s31;
	s1 =	sadd.s32 s1, s30  }
0xba: {  	s0 =	sor.u32 s3, s0;
	s1 =	sshll.u32 s1, $0x11  }
0xbb: {  	s0 =	sor.u32 s1, s0  }
0xbc: {  	s0 =	sadd.s32 $0x8F2B, s0  }
0xbd: {  	[sflag:s0] =	ssyncadd.remote.s32 $0x1  }
0xbe: {  	_ =	sfence.sel $0xFFFF  }
0xbf: {  	[dreg:$0x0] =	wrdreg $0xFFFFFFFF;
	(pc) =	sbr.abs _section_cstart, $3  }
0xc0: {  	[dreg:$0x1] =	wrdreg $0xFFFFFFFF  }
0xc1: {  	_ =	task.clear_ibuf [dreg:s7], $0x2FFFF;
	_ =	strace $0x9FFFFFFF  }
0xc2: {  	(tm) =	ssettm $0x7FFFFFFF  }
0xc3: {  	_ =	shalt  }
tec
execute0_lowered:
.L_overlay_start_1:
0x0: {  	(tag) =	ssettag $0x1  }
0x1: {  	s1 =	srdreg.scid;
	s2 =	rddreg [dreg:$0x0]  }
0x2: {  	s0 =	stileid.u32;
	s6 =	rddreg [dreg:$0x1];
	s3 =	simm.s32 $0x0  }
0x3: {  	s13 =	simm.s32 $0x1A800;
	s4 =	sand.u32 $0x1, s1;
	s28 =	sshll.u32 s0, $0x1  }
0x4: {  	s14 =	simm.s32 $0x1;
	s16 =	simm.s32 $0x3;
	s5 =	sor.u32 s4, s28  }
0x5: {  	s17 =	simm.s32 $0x0;
	s1 =	rddreg [dreg:$0x2];
	s7 =	smul.u32 $0x3100, s5  }
0x6: {  	[smem:$0x7FF] =	sst s3;
	s4 =	ssub.s32 $0x2, s4;
	s8 =	smul.u32 $0x186A0, s5  }
0x7: {  	_ =	strace $0x80000047;
	s5 =	smul.u32 $0x30D40, s5;
	s29 =	sshrl.u32 s4, $0x1  }
0x8: {  	s11 =	ssub.s32 s4, s29;
	s10 =	sadd.s32 s7, s6;
	s30 =	sshrl.u32 s8, $0x2  }
0x9: {  	s5 =	sand.u32 $0x7FFF00, s5;
	s12 =	sand.u32 $0x60, s8;
	s31 =	sand.u32 $0x3FFF80, s8  }
0xa: {  	v0 =	vlaneseq.u32;
	s11 =	smax.u32 s11, $0x1;
	s4 =	sand.u32 $0xFFFE0, s30;
	s5 =	sshrl.u32 s5, $0x3  }
0xb: {  	v2 =	vmul.u32 $0xFFFFFFFF, v0;
	s8 =	sshll.u32 s31, $0x1;
	s7 =	sadd.s32 $0x3000, s31;
	s15 =	sadd.s32 $0x6A0, s12  }
0xc: {  	s10 =	sadd.s32 $0xA00, s10;
	v1 =	vmov s12;
	s12 =	simm.s32 $0x18800;
	s4 =	sadd.s32 s2, s4  }
0xd: {  	s9 =	sadd.s32 s2, s5;
	s8 =	sadd.s32 $0x8000, s8;
	v2 =	vadd.s32 s15, v2;
	s15 =	simm.s32 $0x2  }
0xe: {  	v3 =	vimm.s32 $0x0;
	v4 =	vimm.s32 $0x1;
	s5 =	sadd.s32 $0x400, s9;
	s6 =	sadd.s32 $0x800, s9;
	s9 =	sadd.s32 $0x6000, s9  }
.LBB2_1:
0xf: {  	[tilespmem:s12], [sflag:$0x1] =	stream.linear.gather [hbm4b:s4+s3], $0x2000, $0x38;
	[tilespmem:$0x1C800] =	vst v63  }
0x10: {  	s18 =	simm.s32 $0x80  }
0x11: {  	[tilespmem:s13], [sflag:$0x2] =	stream.linear.gather [hbm4b:s5+s3], $0x2000, $0x38;
	[tilespmem:$0x1C800] =	vst v63  }
0x12: {  	[tilespmem:s18+$0xFFFFFF80] =	vst v3  }
0x13: {  	[tilespmem:s18+$0x70] =	vst v3  }
0x14: {  	[tilespmem:s18+$0x60] =	vst v3  }
0x15: {  	[tilespmem:s18+$0x50] =	vst v3  }
0x16: {  	[tilespmem:s18+$0x40] =	vst v3  }
0x17: {  	[tilespmem:s18+$0x30] =	vst v3  }
0x18: {  	[tilespmem:s18+$0x20] =	vst v3  }
0x19: {  	[tilespmem:s18+$0x10] =	vst v3  }
0x1a: {  	[tilespmem:s18+$0x0] =	vst v3  }
0x1b: {  	[tilespmem:s18+$0xFFFFFFF0] =	vst v3  }
0x1c: {  	[tilespmem:s18+$0xFFFFFFE0] =	vst v3  }
0x1d: {  	[tilespmem:s18+$0xFFFFFFD0] =	vst v3  }
0x1e: {  	[tilespmem:s18+$0xFFFFFFC0] =	vst v3  }
0x1f: {  	[tilespmem:s18+$0xFFFFFFB0] =	vst v3  }
0x20: {  	s19 =	simm.s32 $0x0;
	[tilespmem:s18+$0xFFFFFFA0] =	vst v3  }
.LBB2_2:
0x21: {  	s19 =	sadd.s32 $0x10, s19;
	[tilespmem:s18+$0xFFFFFF90] =	vst v3;
	s18 =	sadd.s32 $0x100, s18  }
0x22: {  	[tilespmem:s18+$0xFFFFFF80] =	vst v3;
	p0 =	slt.u32 s19, $0x1870  }
0x23: {  	[tilespmem:s18+$0x70] =	vst v3  }
0x24: {  	[tilespmem:s18+$0x60] =	vst v3  }
0x25: {  	[tilespmem:s18+$0x50] =	vst v3  }
0x26: {  	[tilespmem:s18+$0x40] =	vst v3  }
0x27: {  	[tilespmem:s18+$0x30] =	vst v3  }
0x28: {  	[tilespmem:s18+$0x20] =	vst v3  }
0x29: {  	[tilespmem:s18+$0x10] =	vst v3  }
0x2a: {  	[tilespmem:s18+$0x0] =	vst v3  }
0x2b: {  	[tilespmem:s18+$0xFFFFFFF0] =	vst v3  }
.Ltmp0:
0x2c: {  	[tilespmem:s18+$0xFFFFFFE0] =	vst v3;
	(pc) =	sbr.rel @p0 .LBB2_2-.Ltmp0, $4  }
0x2d: {  	[tilespmem:s18+$0xFFFFFFD0] =	vst v3  }
0x2e: {  	[tilespmem:s18+$0xFFFFFFC0] =	vst v3  }
0x2f: {  	[tilespmem:s18+$0xFFFFFFB0] =	vst v3  }
0x30: {  	[tilespmem:s18+$0xFFFFFFA0] =	vst v3  }
0x31: {  	[tilespmem:s18+$0xFFFFFF90] =	vst v3  }
0x32: {  	_ =	swait.ge [sflag:s14], $0x2000  }
0x33: {  	[sflag:s14] =	ssyncset.done $0x0  }
0x34: {  	s19 =	simm.s32 $0x18840;
	[sflag:s14] =	ssyncadd.s32 $0xFFFFE000  }
0x35: {  	v5 =	vld [tilespmem:s19+$0x30]  }
0x36: {  	s18 =	simm.s32 $0x0;
	v6 =	vld [tilespmem:s19+$0xFFFFFFC0]  }
0x37: {  	s20 =	simm.s32 $0x10;
	v7 =	vor.u32 s18, v0;
	v8 =	vld [tilespmem:s19+$0xFFFFFFD0]  }
0x38: {  	s28 =	simm.s32 $0x20;
	vm0 =	vge.u32 v7, v1;
	v7 =	vor.u32 s20, v0;
	v9 =	vld [tilespmem:s19+$0xFFFFFFE0]  }
0x39: {  	s29 =	simm.s32 $0x30;
	vm1 =	vge.u32 v7, v1;
	v7 =	vor.u32 s28, v0;
	v10 =	vld [tilespmem:s19+$0xFFFFFFF0]  }
0x3a: {  	s30 =	simm.s32 $0x40;
	vm2 =	vge.u32 v7, v1;
	v7 =	vor.u32 s29, v0;
	v11 =	vld [tilespmem:s19+$0x0]  }
0x3b: {  	v13 =	vld [tilespmem:s19+$0x20];
	vm3 =	vge.u32 v7, v1;
	v7 =	vor.u32 s30, v0  }
0x3c: {  	s31 =	simm.s32 $0x50;
	v12 =	vld [tilespmem:s19+$0x10];
	vm4 =	vge.u32 v7, v1  }
0x3d: {  	v7 =	vor.u32 s31, v0;
	[tilespmem:v5+s3+$0x0] =	vst.idx.add.s32.msk $0xffff, v4  }
0x3e: {  	vm5 =	vge.u32 v7, v1;
	[tilespmem:v6+s3+$0x0] =	vst.idx.add.s32.msk vm0, v4  }
0x3f: {  	[tilespmem:v8+s3+$0x0] =	vst.idx.add.s32.msk vm1, v4  }
0x40: {  	[tilespmem:v9+s3+$0x0] =	vst.idx.add.s32.msk vm2, v4  }
0x41: {  	[tilespmem:v10+s3+$0x0] =	vst.idx.add.s32.msk vm3, v4  }
0x42: {  	[tilespmem:v11+s3+$0x0] =	vst.idx.add.s32.msk vm4, v4  }
0x43: {  	[tilespmem:v13+s3+$0x0] =	vst.idx.add.s32.msk $0xffff, v4  }
0x44: {  	s20 =	simm.s32 $0x18940;
	s19 =	simm.s32 $0x0;
	[tilespmem:v12+s3+$0x0] =	vst.idx.add.s32.msk vm5, v4  }
.LBB2_4:
0x45: {  	v5 =	vld [tilespmem:s20+$0x30];
	s19 =	sadd.s32 $0x8, s19  }
0x46: {  	s18 =	sadd.s32 $0x80, s18;
	v6 =	vld [tilespmem:s20+$0xFFFFFFC0];
	p0 =	slt.u32 s19, $0xF8  }
0x47: {  	v7 =	vor.u32 s18, v0;
	s21 =	sadd.s32 $0x10, s18;
	v8 =	vld [tilespmem:s20+$0xFFFFFFD0]  }
0x48: {  	vm0 =	vge.u32 v7, v1;
	v7 =	vor.u32 s21, v0;
	s21 =	sadd.s32 $0x20, s18;
	v9 =	vld [tilespmem:s20+$0xFFFFFFE0]  }
0x49: {  	vm1 =	vge.u32 v7, v1;
	v7 =	vor.u32 s21, v0;
	s21 =	sadd.s32 $0x30, s18;
	v10 =	vld [tilespmem:s20+$0xFFFFFFF0]  }
0x4a: {  	vm2 =	vge.u32 v7, v1;
	v7 =	vor.u32 s21, v0;
	s21 =	sadd.s32 $0x40, s18;
	v11 =	vld [tilespmem:s20+$0x0]  }
0x4b: {  	vm3 =	vge.u32 v7, v1;
	v7 =	vor.u32 s21, v0;
	s21 =	sadd.s32 $0x50, s18;
	v12 =	vld [tilespmem:s20+$0x10]  }
0x4c: {  	vm4 =	vge.u32 v7, v1;
	v7 =	vor.u32 s21, v0;
	v13 =	vld [tilespmem:s20+$0x20]  }
0x4d: {  	vm5 =	vge.u32 v7, v1;
	[tilespmem:v5+s3+$0x0] =	vst.idx.add.s32.msk $0xffff, v4  }
0x4e: {  	[tilespmem:v6+s3+$0x0] =	vst.idx.add.s32.msk vm0, v4  }
0x4f: {  	[tilespmem:v8+s3+$0x0] =	vst.idx.add.s32.msk vm1, v4  }
.Ltmp1:
0x50: {  	[tilespmem:v9+s3+$0x0] =	vst.idx.add.s32.msk vm2, v4;
	(pc) =	sbr.rel @p0 .LBB2_4-.Ltmp1, $4  }
0x51: {  	[tilespmem:v10+s3+$0x0] =	vst.idx.add.s32.msk vm3, v4  }
0x52: {  	[tilespmem:v11+s3+$0x0] =	vst.idx.add.s32.msk vm4, v4  }
0x53: {  	[tilespmem:v12+s3+$0x0] =	vst.idx.add.s32.msk vm5, v4  }
0x54: {  	s20 =	sadd.s32 $0x100, s20;
	[tilespmem:v13+s3+$0x0] =	vst.idx.add.s32.msk $0xffff, v4  }
0x55: {  	s18 =	simm.s32 $0x0  }
0x56: {  	[tilespmem:s12], [sflag:$0x1] =	stream.linear.gather [hbm4b:s6+s18], $0x2000, $0x38;
	[tilespmem:$0x1C800] =	vst v63  }
.LBB2_6:
0x57: {  	_ =	swait.ge [sflag:s15], $0x2000  }
0x58: {  	[sflag:s15] =	ssyncset.done $0x0  }
0x59: {  	s19 =	simm.s32 $0x1A840;
	[sflag:s15] =	ssyncadd.s32 $0xFFFFE000  }
0x5a: {  	v6 =	vld [tilespmem:s19+$0xFFFFFFC0]  }
0x5b: {  	v7 =	vld [tilespmem:s19+$0x30]  }
0x5c: {  	v8 =	vld [tilespmem:s19+$0x20]  }
0x5d: {  	v9 =	vld [tilespmem:s19+$0x10]  }
0x5e: {  	v10 =	vld [tilespmem:s19+$0x0]  }
0x5f: {  	v11 =	vld [tilespmem:s19+$0xFFFFFFF0]  }
0x60: {  	v12 =	vld [tilespmem:s19+$0xFFFFFFE0]  }
0x61: {  	v5 =	vld [tilespmem:s19+$0xFFFFFFD0]  }
0x62: {  	[tilespmem:v6+s3+$0x0] =	vst.idx.add.s32.msk $0xffff, v4  }
0x63: {  	[tilespmem:v7+s3+$0x0] =	vst.idx.add.s32.msk $0xffff, v4  }
0x64: {  	[tilespmem:v8+s3+$0x0] =	vst.idx.add.s32.msk $0xffff, v4  }
0x65: {  	[tilespmem:v9+s3+$0x0] =	vst.idx.add.s32.msk $0xffff, v4  }
0x66: {  	[tilespmem:v10+s3+$0x0] =	vst.idx.add.s32.msk $0xffff, v4  }
0x67: {  	[tilespmem:v11+s3+$0x0] =	vst.idx.add.s32.msk $0xffff, v4  }
0x68: {  	s20 =	simm.s32 $0x0;
	[tilespmem:v12+s3+$0x0] =	vst.idx.add.s32.msk $0xffff, v4  }
.LBB2_7:
0x69: {  	s20 =	sadd.s32 $0x8, s20;
	[tilespmem:v5+s3+$0x0] =	vst.idx.add.s32.msk $0xffff, v4;
	s19 =	sadd.s32 $0x100, s19  }
0x6a: {  	v6 =	vld [tilespmem:s19+$0xFFFFFFC0];
	p0 =	slt.u32 s20, $0xF8  }
0x6b: {  	v7 =	vld [tilespmem:s19+$0x30]  }
0x6c: {  	v8 =	vld [tilespmem:s19+$0x20]  }
0x6d: {  	v9 =	vld [tilespmem:s19+$0x10]  }
0x6e: {  	v10 =	vld [tilespmem:s19+$0x0]  }
0x6f: {  	v11 =	vld [tilespmem:s19+$0xFFFFFFF0]  }
0x70: {  	v12 =	vld [tilespmem:s19+$0xFFFFFFE0]  }
0x71: {  	v5 =	vld [tilespmem:s19+$0xFFFFFFD0]  }
0x72: {  	[tilespmem:v6+s3+$0x0] =	vst.idx.add.s32.msk $0xffff, v4  }
0x73: {  	[tilespmem:v7+s3+$0x0] =	vst.idx.add.s32.msk $0xffff, v4  }
.Ltmp2:
0x74: {  	[tilespmem:v8+s3+$0x0] =	vst.idx.add.s32.msk $0xffff, v4;
	(pc) =	sbr.rel @p0 .LBB2_7-.Ltmp2, $4  }
0x75: {  	[tilespmem:v9+s3+$0x0] =	vst.idx.add.s32.msk $0xffff, v4  }
0x76: {  	[tilespmem:v10+s3+$0x0] =	vst.idx.add.s32.msk $0xffff, v4  }
0x77: {  	[tilespmem:v11+s3+$0x0] =	vst.idx.add.s32.msk $0xffff, v4  }
0x78: {  	[tilespmem:v12+s3+$0x0] =	vst.idx.add.s32.msk $0xffff, v4  }
0x79: {  	_ = 	snop  }
0x7a: {  	s19 =	sshll.u32 s18, $0xD  }
0x7b: {  	s19 =	sadd.s32 s19, s7  }
0x7c: {  	s19 =	sshrl.u32 s19, $0x2  }
0x7d: {  	[tilespmem:v5+s3+$0x0] =	vst.idx.add.s32.msk $0xffff, v4;
	s19 =	sadd.s32 s2, s19  }
0x7e: {  	[tilespmem:s13], [sflag:$0x2] =	stream.linear.gather [hbm4b:s19+s3], $0x2000, $0x38;
	[tilespmem:$0x1C800] =	vst v63  }
0x7f: {  	_ =	swait.ge [sflag:s14], $0x2000  }
0x80: {  	[sflag:s14] =	ssyncset.done $0x0  }
0x81: {  	s19 =	simm.s32 $0x18840;
	[sflag:s14] =	ssyncadd.s32 $0xFFFFE000  }
0x82: {  	v6 =	vld [tilespmem:s19+$0xFFFFFFC0]  }
0x83: {  	v7 =	vld [tilespmem:s19+$0x30]  }
0x84: {  	v8 =	vld [tilespmem:s19+$0x20]  }
0x85: {  	v9 =	vld [tilespmem:s19+$0x10]  }
0x86: {  	v10 =	vld [tilespmem:s19+$0x0]  }
0x87: {  	v11 =	vld [tilespmem:s19+$0xFFFFFFF0]  }
0x88: {  	v12 =	vld [tilespmem:s19+$0xFFFFFFE0]  }
0x89: {  	v5 =	vld [tilespmem:s19+$0xFFFFFFD0]  }
0x8a: {  	[tilespmem:v6+s3+$0x0] =	vst.idx.add.s32.msk $0xffff, v4  }
0x8b: {  	[tilespmem:v7+s3+$0x0] =	vst.idx.add.s32.msk $0xffff, v4  }
0x8c: {  	[tilespmem:v8+s3+$0x0] =	vst.idx.add.s32.msk $0xffff, v4  }
0x8d: {  	[tilespmem:v9+s3+$0x0] =	vst.idx.add.s32.msk $0xffff, v4  }
0x8e: {  	[tilespmem:v10+s3+$0x0] =	vst.idx.add.s32.msk $0xffff, v4  }
0x8f: {  	[tilespmem:v11+s3+$0x0] =	vst.idx.add.s32.msk $0xffff, v4  }
0x90: {  	s20 =	simm.s32 $0x0;
	[tilespmem:v12+s3+$0x0] =	vst.idx.add.s32.msk $0xffff, v4  }
.LBB2_9:
0x91: {  	s20 =	sadd.s32 $0x8, s20;
	[tilespmem:v5+s3+$0x0] =	vst.idx.add.s32.msk $0xffff, v4;
	s19 =	sadd.s32 $0x100, s19  }
0x92: {  	v6 =	vld [tilespmem:s19+$0xFFFFFFC0];
	p0 =	slt.u32 s20, $0xF8  }
0x93: {  	v7 =	vld [tilespmem:s19+$0x30]  }
0x94: {  	v8 =	vld [tilespmem:s19+$0x20]  }
0x95: {  	v9 =	vld [tilespmem:s19+$0x10]  }
0x96: {  	v10 =	vld [tilespmem:s19+$0x0]  }
0x97: {  	v11 =	vld [tilespmem:s19+$0xFFFFFFF0]  }
0x98: {  	v12 =	vld [tilespmem:s19+$0xFFFFFFE0]  }
0x99: {  	v5 =	vld [tilespmem:s19+$0xFFFFFFD0]  }
0x9a: {  	[tilespmem:v6+s3+$0x0] =	vst.idx.add.s32.msk $0xffff, v4  }
0x9b: {  	[tilespmem:v7+s3+$0x0] =	vst.idx.add.s32.msk $0xffff, v4  }
.Ltmp3:
0x9c: {  	[tilespmem:v8+s3+$0x0] =	vst.idx.add.s32.msk $0xffff, v4;
	(pc) =	sbr.rel @p0 .LBB2_9-.Ltmp3, $4  }
0x9d: {  	[tilespmem:v9+s3+$0x0] =	vst.idx.add.s32.msk $0xffff, v4  }
0x9e: {  	[tilespmem:v10+s3+$0x0] =	vst.idx.add.s32.msk $0xffff, v4  }
0x9f: {  	[tilespmem:v11+s3+$0x0] =	vst.idx.add.s32.msk $0xffff, v4  }
0xa0: {  	[tilespmem:v12+s3+$0x0] =	vst.idx.add.s32.msk $0xffff, v4  }
0xa1: {  	p0 =	seq.s32 s18, $0xA  }
.Ltmp4:
0xa2: {  	_ = 	snop;
	(pc) =	sbr.rel @p0 .LBB2_12-.Ltmp4, $2  }
0xa3: {  	_ =	sdelay $0x2  }
0xa4: {  	[tilespmem:v5+s3+$0x0] =	vst.idx.add.s32.msk $0xffff, v4  }
.Ltmp5:
0xa5: {  	s19 =	sshll.u32 s18, $0xE;
	(pc) =	sbr.rel .LBB2_6-.Ltmp5, $4  }
0xa6: {  	s19 =	sadd.s32 s19, s8  }
0xa7: {  	s19 =	sshrl.u32 s19, $0x3  }
0xa8: {  	s18 =	sadd.s32 $0x1, s18;
	s19 =	sadd.s32 s2, s19  }
0xa9: {  	[tilespmem:s12], [sflag:$0x1] =	stream.linear.gather [hbm4b:s19+s3], $0x2000, $0x38;
	[tilespmem:$0x1C800] =	vst v63  }
.LBB2_12:
0xaa: {  	_ =	swait.ge [sflag:s15], $0x2000  }
0xab: {  	[sflag:s15] =	ssyncset.done $0x0  }
0xac: {  	s18 =	simm.s32 $0x1A840;
	[sflag:s15] =	ssyncadd.s32 $0xFFFFE000  }
0xad: {  	v6 =	vld [tilespmem:s18+$0xFFFFFFC0]  }
0xae: {  	v7 =	vld [tilespmem:s18+$0x30]  }
0xaf: {  	v8 =	vld [tilespmem:s18+$0x20]  }
0xb0: {  	v9 =	vld [tilespmem:s18+$0x10]  }
0xb1: {  	v10 =	vld [tilespmem:s18+$0x0]  }
0xb2: {  	v11 =	vld [tilespmem:s18+$0xFFFFFFF0]  }
0xb3: {  	v12 =	vld [tilespmem:s18+$0xFFFFFFE0]  }
0xb4: {  	v5 =	vld [tilespmem:s18+$0xFFFFFFD0]  }
0xb5: {  	[tilespmem:v6+s3+$0x0] =	vst.idx.add.s32.msk $0xffff, v4  }
0xb6: {  	[tilespmem:v7+s3+$0x0] =	vst.idx.add.s32.msk $0xffff, v4  }
0xb7: {  	[tilespmem:v8+s3+$0x0] =	vst.idx.add.s32.msk $0xffff, v4  }
0xb8: {  	[tilespmem:v9+s3+$0x0] =	vst.idx.add.s32.msk $0xffff, v4  }
0xb9: {  	[tilespmem:v10+s3+$0x0] =	vst.idx.add.s32.msk $0xffff, v4  }
0xba: {  	[tilespmem:v11+s3+$0x0] =	vst.idx.add.s32.msk $0xffff, v4  }
0xbb: {  	s19 =	simm.s32 $0x0;
	[tilespmem:v12+s3+$0x0] =	vst.idx.add.s32.msk $0xffff, v4  }
.LBB2_13:
0xbc: {  	s19 =	sadd.s32 $0x8, s19;
	[tilespmem:v5+s3+$0x0] =	vst.idx.add.s32.msk $0xffff, v4;
	s18 =	sadd.s32 $0x100, s18  }
0xbd: {  	v6 =	vld [tilespmem:s18+$0xFFFFFFC0];
	p0 =	slt.u32 s19, $0xF8  }
0xbe: {  	v7 =	vld [tilespmem:s18+$0x30]  }
0xbf: {  	v8 =	vld [tilespmem:s18+$0x20]  }
0xc0: {  	v9 =	vld [tilespmem:s18+$0x10]  }
0xc1: {  	v10 =	vld [tilespmem:s18+$0x0]  }
0xc2: {  	v11 =	vld [tilespmem:s18+$0xFFFFFFF0]  }
0xc3: {  	v12 =	vld [tilespmem:s18+$0xFFFFFFE0]  }
0xc4: {  	v5 =	vld [tilespmem:s18+$0xFFFFFFD0]  }
0xc5: {  	[tilespmem:v6+s3+$0x0] =	vst.idx.add.s32.msk $0xffff, v4  }
0xc6: {  	[tilespmem:v7+s3+$0x0] =	vst.idx.add.s32.msk $0xffff, v4  }
.Ltmp6:
0xc7: {  	[tilespmem:v8+s3+$0x0] =	vst.idx.add.s32.msk $0xffff, v4;
	(pc) =	sbr.rel @p0 .LBB2_13-.Ltmp6, $4  }
0xc8: {  	[tilespmem:v9+s3+$0x0] =	vst.idx.add.s32.msk $0xffff, v4  }
0xc9: {  	[tilespmem:v10+s3+$0x0] =	vst.idx.add.s32.msk $0xffff, v4  }
0xca: {  	[tilespmem:v11+s3+$0x0] =	vst.idx.add.s32.msk $0xffff, v4  }
0xcb: {  	[tilespmem:v12+s3+$0x0] =	vst.idx.add.s32.msk $0xffff, v4  }
0xcc: {  	_ =	sdelay $0x3  }
0xcd: {  	[tilespmem:v5+s3+$0x0] =	vst.idx.add.s32.msk $0xffff, v4;
	s18 =	simm.s32 $0x0  }
0xce: {  	[tilespmem:s12], [sflag:$0x1] =	stream.linear.gather [hbm4b:s9+s18], $0xE00, $0x38;
	[tilespmem:$0x1C800] =	vst v63  }
0xcf: {  	_ =	swait.ge [sflag:s14], $0xE00  }
0xd0: {  	[sflag:s14] =	ssyncset.done $0x0  }
0xd1: {  	s19 =	simm.s32 $0x18840;
	[sflag:s14] =	ssyncadd.s32 $0xFFFFF200  }
0xd2: {  	s20 =	simm.s32 $0x70;
	v6 =	vld [tilespmem:s19+$0x30]  }
0xd3: {  	s21 =	simm.s32 $0x60;
	v5 =	vmov s20;
	v7 =	vld [tilespmem:s19+$0x20]  }
0xd4: {  	s26 =	simm.s32 $0x50;
	v9 =	vmov s21;
	vm0 =	vlt.u32 v5, v2;
	v8 =	vld [tilespmem:s19+$0x10]  }
0xd5: {  	s28 =	simm.s32 $0x40;
	v5 =	vmov s26;
	vm1 =	vlt.u32 v9, v2;
	v10 =	vld [tilespmem:s19+$0x0]  }
0xd6: {  	s29 =	simm.s32 $0x30;
	v11 =	vmov s28;
	vm2 =	vlt.u32 v5, v2;
	v62 =	vld [tilespmem:s19+$0xFFFFFFF0]  }
0xd7: {  	s30 =	simm.s32 $0x20;
	vm3 =	vlt.u32 v11, v2;
	v5 =	vmov s29;
	v12 =	vld [tilespmem:s19+$0xFFFFFFE0]  }
0xd8: {  	s31 =	simm.s32 $0x10;
	v13 =	vmov s30;
	vm4 =	vlt.u32 v5, v2;
	v63 =	vld [tilespmem:s19+$0xFFFFFFD0]  }
0xd9: {  	v14 =	vmov s31;
	vm5 =	vlt.u32 v13, v2;
	v5 =	vld [tilespmem:s19+$0xFFFFFFC0]  }
0xda: {  	vm6 =	vlt.u32 v14, v2;
	[tilespmem:v6+s3+$0x0] =	vst.idx.add.s32.msk vm0, v4;
	v6 =	vmov s18  }
0xdb: {  	[tilespmem:v7+s3+$0x0] =	vst.idx.add.s32.msk vm1, v4;
	vm0 =	vlt.u32 v6, v2  }
0xdc: {  	[tilespmem:v8+s3+$0x0] =	vst.idx.add.s32.msk vm2, v4  }
0xdd: {  	[tilespmem:v10+s3+$0x0] =	vst.idx.add.s32.msk vm3, v4  }
0xde: {  	[tilespmem:v62+s3+$0x0] =	vst.idx.add.s32.msk vm4, v4  }
0xdf: {  	[tilespmem:v12+s3+$0x0] =	vst.idx.add.s32.msk vm5, v4  }
0xe0: {  	s20 =	simm.s32 $0x0;
	[tilespmem:v63+s3+$0x0] =	vst.idx.add.s32.msk vm6, v4  }
.LBB2_15:
0xe1: {  	s20 =	sadd.s32 $0x8, s20;
	[tilespmem:v5+s3+$0x0] =	vst.idx.add.s32.msk vm0, v4;
	s18 =	sadd.s32 $0x80, s18;
	s19 =	sadd.s32 $0x100, s19  }
0xe2: {  	s21 =	sadd.s32 $0x70, s18;
	v6 =	vld [tilespmem:s19+$0x30];
	p0 =	slt.u32 s20, $0x68  }
0xe3: {  	s22 =	sadd.s32 $0x60, s18;
	v7 =	vld [tilespmem:s19+$0x20];
	v5 =	vmov s21  }
0xe4: {  	s21 =	sadd.s32 $0x50, s18;
	v9 =	vmov s22;
	v8 =	vld [tilespmem:s19+$0x10];
	vm0 =	vlt.u32 v5, v2  }
0xe5: {  	s22 =	sadd.s32 $0x40, s18;
	v5 =	vmov s21;
	vm1 =	vlt.u32 v9, v2;
	v10 =	vld [tilespmem:s19+$0x0]  }
0xe6: {  	s21 =	sadd.s32 $0x30, s18;
	v11 =	vmov s22;
	vm2 =	vlt.u32 v5, v2;
	v9 =	vld [tilespmem:s19+$0xFFFFFFF0]  }
0xe7: {  	s22 =	sadd.s32 $0x20, s18;
	v5 =	vmov s21;
	vm3 =	vlt.u32 v11, v2;
	v12 =	vld [tilespmem:s19+$0xFFFFFFE0]  }
0xe8: {  	s21 =	sadd.s32 $0x10, s18;
	v13 =	vmov s22;
	vm4 =	vlt.u32 v5, v2;
	v11 =	vld [tilespmem:s19+$0xFFFFFFD0]  }
0xe9: {  	v14 =	vmov s21;
	vm5 =	vlt.u32 v13, v2;
	v5 =	vld [tilespmem:s19+$0xFFFFFFC0]  }
0xea: {  	v13 =	vmov s18;
	vm6 =	vlt.u32 v14, v2;
	[tilespmem:v6+s3+$0x0] =	vst.idx.add.s32.msk vm0, v4  }
0xeb: {  	vm0 =	vlt.u32 v13, v2;
	[tilespmem:v7+s3+$0x0] =	vst.idx.add.s32.msk vm1, v4  }
.Ltmp7:
0xec: {  	[tilespmem:v8+s3+$0x0] =	vst.idx.add.s32.msk vm2, v4;
	(pc) =	sbr.rel @p0 .LBB2_15-.Ltmp7, $4  }
0xed: {  	[tilespmem:v10+s3+$0x0] =	vst.idx.add.s32.msk vm3, v4  }
0xee: {  	[tilespmem:v9+s3+$0x0] =	vst.idx.add.s32.msk vm4, v4  }
0xef: {  	[tilespmem:v12+s3+$0x0] =	vst.idx.add.s32.msk vm5, v4  }
0xf0: {  	[tilespmem:v11+s3+$0x0] =	vst.idx.add.s32.msk vm6, v4  }
0xf1: {  	_ =	sdelay $0x2  }
0xf2: {  	s17 =	sadd.s32 $0x1, s17  }
0xf3: {  	p0 =	sne.s32 s17, s11  }
.Ltmp8:
0xf4: {  	[tilespmem:v5+s3+$0x0] =	vst.idx.add.s32.msk vm0, v4;
	(pc) =	sbr.rel @p0 .LBB2_1-.Ltmp8, $4  }
0xf5: {  	[hbm4b:s10+s3] =	stream.linear.scatter [tilespmem:s3], [sflag:$0x3], $0x18800, $0x38;
	[tilespmem:$0x1C800] =	vst v63  }
0xf6: {  	_ =	swait.ge [sflag:s16], $0x18800  }
0xf7: {  	[sflag:s16] =	ssyncset.done $0x0  }
0xf8: {  	[sflag:s16] =	ssyncadd.s32 $0xFFFE7800  }
0xf9: {  	_ =	sfence.sel $0x180000  }
0xfa: {  	[bflag:$0x0] =	sbarrier.arrive $0xFFFF  }
0xfb: {  	p0 =	sne.s32 s0, $0x0;
	_ =	strace $0x90000047  }
0xfc: {  	s0 =	sadd.s32 @!p0 $0x100000, s1;
	[bflag:$0x2] =	sbarrier.arrive $0xFFFF  }
0xfd: {  	[sflag:s0] =	ssyncadd.tile.s32 @!p0 $0x1;
	_ =	shalt  }
.Lfunc_end2:
_tile_overlayer_lowered:
.L_overlay_start_2:
0xfe: {  	(tag) =	ssettag $0x2  }
0xff: {  	s0 =	rddreg [dreg:$0x0];
	s2 =	stileid.u32  }
0x100: {  	s1 =	rddreg [dreg:$0x1];
	p0 =	sne.s32 s2, $0x0  }
0x101: {  	s3 =	rddreg [dreg:$0x2];
	[bflag:$0x3] =	sbarrier.arrive $0xFFFF;
	s2 =	simm.s32 @!p0 $0x1C03  }
0x102: {  	[timem:s3], [sflag:s2] =	dma.local @!p0 [hbm:s0], s1  }
0x103: {  	s0 =	simm.s32 @!p0 $0x3  }
0x104: {  	_ =	swait.ge @!p0 [sflag:s0], s1  }
0x105: {  	s1 =	ssub.s32 @!p0 $0x0, s1;
	[sflag:s0] =	ssyncset.done @!p0 $0x0  }
0x106: {  	[sflag:s0] =	ssyncadd.s32 @!p0 s1  }
0x107: {  	[bflag:$0x3] =	sbarrier.arrive $0xFFFF  }
0x108: {  	_ =	shalt  }

// kernel: kernel.7.cloned.1.call-start
scs
__scs_entry_jumppad:
0x0: {  	(pc) =	sbr.rel $0x88, $3  }
0x1: {  	(tag) =	ssettag $0x0;
	lr =	simm.s32 $0x1  }
0x2: {  	[smem:$0x3F9F] =	sst lr;
	_ =	strace $0xD0000000  }
0x3: {  	_ = 	snop  }
0x4: {  	_ = 	snop  }
0x5: {  	_ = 	snop  }
0x6: {  	_ = 	snop  }
0x7: {  	_ = 	snop  }
__scs_overlays_trampoline_lowered:
0x8: {  	[smem:$0x3FAE] =	sst s0  }
0x9: {  	[smem:$0x3FAF] =	sst s1  }
0xa: {  	[smem:$0x3FB0] =	sst s2  }
0xb: {  	[smem:$0x3FB1] =	sst s3  }
0xc: {  	[smem:$0x3FB2] =	sst s4  }
0xd: {  	[smem:$0x3FB3] =	sst s5  }
0xe: {  	[smem:$0x3FB4] =	sst s6  }
0xf: {  	[smem:$0x3FB5] =	sst s7  }
0x10: {  	[smem:$0x3FB6] =	sst s8  }
0x11: {  	[smem:$0x3FB7] =	sst s9;
	s0 =	simm.s32 @!p0 $0x0  }
0x12: {  	s1 =	sld [smem:$0x3F9D];
	s0 =	simm.s32 @p0 $0x1  }
0x13: {  	[smem:$0x3FB8] =	sst s0;
	s0 =	simm.s32 @!p1 $0x0  }
0x14: {  	s2 =	sld [smem:$0x3F9C];
	s0 =	simm.s32 @p1 $0x1  }
0x15: {  	[smem:$0x3FB9] =	sst s0;
	s0 =	simm.s32 @!p2 $0x0  }
0x16: {  	s3 =	sld [smem:$0x3FDB];
	s0 =	simm.s32 @p2 $0x1  }
0x17: {  	s4 =	simm.s32 $0x1BF5;
	[smem:$0x3FBB] =	sst s0  }
0x18: {  	s0 =	sld [smem:$0x3F9E];
	_ =	swait.ge [sflag:s4], $0x0  }
0x19: {  	s7 =	sld [smem:$0x3F9F]  }
0x1a: {  	s8 =	sadd.s32 $0xFFFFE003, lr  }
0x1b: {  	s9 =	sadd.s32 $0xFFFFFEF7, lr;
	s5 =	simm.s32 $0xFFFFFFFF;
	p2 =	slt.u32 s8, $0xFFFFF086  }
0x1c: {  	p1 =	slt.u32 s9, $0xF7A;
	s5 =	simm.s32 @!p2 $0x0  }
0x1d: {  	s5 =	simm.s32 @p1 $0x1;
	p0 =	seq.s32 s7, s2  }
0x1e: {  	s7 =	smul.u32 @!p0 $0xF7A, s2;
	p2 =	seq.s32 @!p0 s5, $0x0  }
0x1f: {  	s9 =	smul.u32 $0xF7A, s1;
	s8 =	simm.s32 @!p0 $0x1BF5;
	p2 =	por !p2, p0  }
0x20: {  	[sflag:s8] =	ssyncset.s32 @!p0 $0xFFFFF086;
	s6 =	sadd.s32 @!p0 s3, s7;
	s7 =	simm.s32 @!p0 $0x108  }
0x21: {  	s3 =	sadd.s32 s3, s9;
	s6 =	sadd.s32 @!p0 $0x88, s6;
	s7 =	simm.s32 @p2 $0x1082  }
0x22: {  	[simem:s7], [sflag:s8] =	dma.local @!p0 [hbm:s6], $0xF7A  }
0x23: {  	s9 =	sor.u32 $0xD0000000, s2;
	s6 =	simm.s32 $0x108;
	_ =	swait.ge @!p0 [sflag:s8], $0x0  }
0x24: {  	s3 =	sadd.s32 $0x88, s3;
	s6 =	simm.s32 @!p1 $0x1082;
	[sflag:s4] =	ssyncset.s32 $0xFFFFF086  }
0x25: {  	[simem:s6], [sflag:s4] =	dma.local [hbm:s3], $0xF7A  }
0x26: {  	[smem:$0x3F9F] =	sst s1;
	(tag) =	ssettag s2;
	_ =	strace s9  }
0x27: {  	s1 =	sld [smem:$0x3FAF]  }
0x28: {  	s2 =	sld [smem:$0x3FB0]  }
0x29: {  	s4 =	sld [smem:$0x3FB2]  }
0x2a: {  	p0 =	seq.s32 s5, $0x0;
	s5 =	sld [smem:$0x3FB3]  }
0x2b: {  	s6 =	sld [smem:$0x3FB4]  }
0x2c: {  	s7 =	sld [smem:$0x3FB5]  }
0x2d: {  	s3 =	simm.s32 $0x108;
	s8 =	sld [smem:$0x3FB6]  }
0x2e: {  	s3 =	simm.s32 @!p0 $0x1082;
	s9 =	sld [smem:$0x3FB7]  }
0x2f: {  	lr =	sadd.s32 s0, s3;
	s0 =	sld [smem:$0x3FAE]  }
0x30: {  	s3 =	sld [smem:$0x3FB1]  }
0x31: {  	[smem:$0x3FBA] =	sst s10  }
0x32: {  	s10 =	sld [smem:$0x3FB8];
	_ =	sdelay $0x3  }
0x33: {  	p0 =	seq.s32 s10, $0x1;
	s10 =	sld [smem:$0x3FBA];
	_ =	sdelay $0x3  }
0x34: {  	[smem:$0x3FBA] =	sst s10  }
0x35: {  	s10 =	sld [smem:$0x3FB9];
	_ =	sdelay $0x3  }
0x36: {  	p1 =	seq.s32 s10, $0x1;
	s10 =	sld [smem:$0x3FBA];
	_ =	sdelay $0x3  }
0x37: {  	[smem:$0x3FBA] =	sst s10  }
0x38: {  	s10 =	sld [smem:$0x3FBB]  }
0x39: {  	_ = 	snop;
	(pc) =	sbr.ind lr, $3  }
0x3a: {  	_ = 	snop  }
0x3b: {  	_ = 	snop  }
0x3c: {  	p2 =	seq.s32 s10, $0x1;
	s10 =	sld [smem:$0x3FBA]  }
0x3d: {  	_ =	shalt  }
0x3e: {  	_ =	shalt  }
0x3f: {  	_ =	shalt  }
0x40: {  	_ =	shalt  }
0x41: {  	_ =	shalt  }
0x42: {  	_ =	shalt  }
0x43: {  	_ =	shalt  }
0x44: {  	_ =	shalt  }
0x45: {  	_ =	shalt  }
0x46: {  	_ =	shalt  }
0x47: {  	_ =	shalt  }
0x48: {  	_ =	shalt  }
0x49: {  	_ =	shalt  }
0x4a: {  	_ =	shalt  }
0x4b: {  	_ =	shalt  }
0x4c: {  	_ =	shalt  }
0x4d: {  	_ =	shalt  }
0x4e: {  	_ =	shalt  }
0x4f: {  	_ =	shalt  }
0x50: {  	_ =	shalt  }
0x51: {  	_ =	shalt  }
0x52: {  	_ =	shalt  }
0x53: {  	_ =	shalt  }
0x54: {  	_ =	shalt  }
0x55: {  	_ =	shalt  }
0x56: {  	_ =	shalt  }
0x57: {  	_ =	shalt  }
0x58: {  	_ =	shalt  }
0x59: {  	_ =	shalt  }
0x5a: {  	_ =	shalt  }
0x5b: {  	_ =	shalt  }
0x5c: {  	_ =	shalt  }
0x5d: {  	_ =	shalt  }
0x5e: {  	_ =	shalt  }
0x5f: {  	_ =	shalt  }
0x60: {  	_ =	shalt  }
0x61: {  	_ =	shalt  }
0x62: {  	_ =	shalt  }
0x63: {  	_ =	shalt  }
0x64: {  	_ =	shalt  }
0x65: {  	_ =	shalt  }
0x66: {  	_ =	shalt  }
0x67: {  	_ =	shalt  }
0x68: {  	_ =	shalt  }
0x69: {  	_ =	shalt  }
0x6a: {  	_ =	shalt  }
0x6b: {  	_ =	shalt  }
0x6c: {  	_ =	shalt  }
0x6d: {  	_ =	shalt  }
0x6e: {  	_ =	shalt  }
0x6f: {  	_ =	shalt  }
0x70: {  	_ =	shalt  }
0x71: {  	_ =	shalt  }
0x72: {  	_ =	shalt  }
0x73: {  	_ =	shalt  }
0x74: {  	_ =	shalt  }
0x75: {  	_ =	shalt  }
0x76: {  	_ =	shalt  }
0x77: {  	_ =	shalt  }
0x78: {  	_ =	shalt  }
0x79: {  	_ =	shalt  }
0x7a: {  	_ =	shalt  }
0x7b: {  	_ =	shalt  }
0x7c: {  	_ =	shalt  }
0x7d: {  	_ =	shalt  }
0x7e: {  	_ =	shalt  }
0x7f: {  	_ =	shalt  }
0x80: {  	_ =	shalt  }
0x81: {  	_ =	shalt  }
0x82: {  	_ =	shalt  }
0x83: {  	_ =	shalt  }
0x84: {  	_ =	shalt  }
0x85: {  	_ =	shalt  }
0x86: {  	_ =	shalt  }
0x87: {  	_ =	shalt  }
.Lfunc_end0:
.L_simem_size_0:
called_computation.1_lowered:
.L_overlay_start_0:
0x88: {  	s2 =	sld [smem:$0x3FD9]  }
0x89: {  	s3 =	sld [smem:$0x3FFE];
	_ =	sdelay $0x1  }
0x8a: {  	s1 =	srdreg.scid  }
0x8b: {  	s0 =	sand.u32 $0x1, s1  }
0x8c: {  	s17 =	sshll.u32 s0, $0xA;
	s2 =	sadd.s32 s3, s2  }
0x8d: {  	s2 =	sadd.s32 s2, s17  }
0x8e: {  	[smem:$0x3FC6] =	sst s2  }
0x8f: {  	_ = 	snop  }
0x90: {  	s2 =	sld [smem:$0x3FD0];
	(tm) =	ssettm $0x1  }
0x91: {  	s18 =	sld [smem:$0x3FFB];
	_ =	sdelay $0x3  }
0x92: {  	_ =	strace s18  }
0x93: {  	s3 =	sld [smem:$0x3FFC];
	_ =	sdelay $0x3  }
0x94: {  	_ =	strace s3  }
0x95: {  	s3 =	sld [smem:$0x3FFD];
	_ =	sdelay $0x3  }
0x96: {  	_ =	strace s3  }
0x97: {  	_ =	strace $0x8FFFFFFF  }
0x98: {  	s19 =	sld [smem:$0x3FDB];
	_ =	sdelay $0x1  }
0x99: {  	s4 =	simm.s32 $_scs_section_size  }
0x9a: {  	s5 =	simm.s32 $_size__tile_overlayer_lowered;
	s6 =	simm.s32 $_tile_overlayer_lowered  }
0x9b: {  	s22 =	simm.s32 $0x1BFF;
	s21 =	sshll.u32 s6, $0x1;
	s3 =	sadd.s32 s4, s19  }
0x9c: {  	s7 =	simm.s32 $0x0;
	s20 =	sshll.u32 s5, $0x1;
	s5 =	sadd.s32 s21, s3  }
0x9d: {  	[timem:s7], [sflag:s22] =	dma.local [hbm:s5], s20  }
0x9e: {  	_ =	swait.ge [sflag:s22], s20  }
0x9f: {  	s4 =	ssub.s32 $0x0, s20;
	[sflag:s22] =	ssyncset.done $0x0  }
0xa0: {  	[sflag:s22] =	ssyncadd.s32 s4;
	_ =	sdelay $0x1  }
0xa1: {  	s23 =	simm.s32 $0x1B8B  }
0xa2: {  	_ =	swait.ge [sflag:s23], $0x1  }
0xa3: {  	[sflag:s23] =	ssyncset.done $0x0  }
0xa4: {  	s25 =	simm.s32 $0x1B8E;
	s24 =	sld [smem:$0x3FFE];
	[sflag:s23] =	ssyncadd.s32 $0xFFFFFFFF  }
0xa5: {  	s26 =	simm.s32 $execute0_lowered;
	[smem:$0x3FD2] =	sst s25  }
0xa6: {  	s5 =	sshll.u32 s26, $0x1;
	_ =	strace $0x80000049;
	[dreg:$0x1] =	wrdreg $0xFFFFFFFF  }
0xa7: {  	s28 =	simm.s32 $_size_execute0_lowered;
	s3 =	sadd.s32 s3, s5;
	[dreg:$0x0] =	wrdreg $0x0  }
0xa8: {  	s5 =	sshll.u32 s28, $0x1;
	[dreg:$0x2] =	wrdreg s3  }
0xa9: {  	[dreg:$0x3] =	wrdreg s5  }
0xaa: {  	[dreg:$0x4] =	wrdreg $0xC0  }
0xab: {  	_ =	task [dreg:s7], $0x5FFFF  }
0xac: {  	[dreg:$0x1] =	wrdreg $0xFFFFFFFF  }
0xad: {  	[dreg:$0x0] =	wrdreg $0x60  }
0xae: {  	[dreg:$0x2] =	wrdreg s24  }
0xaf: {  	[dreg:$0x3] =	wrdreg s2  }
0xb0: {  	[dreg:$0x4] =	wrdreg $0x9  }
0xb1: {  	_ =	task.clear_ibuf [dreg:s7], $0x5FFFF;
	_ =	strace $0x90000049  }
0xb2: {  	s29 =	simm.s32 $0x9;
	_ =	strace $0x8000004B  }
0xb3: {  	_ =	swait.ge [sflag:s29], $0x1  }
0xb4: {  	[sflag:s29] =	ssyncadd.s32 $0xFFFFFFFF  }
0xb5: {  	_ =	strace $0x9000004B  }
0xb6: {  	_ =	sfence  }
0xb7: {  	s30 =	sld [smem:$0x0];
	_ =	sdelay $0x2  }
0xb8: {  	s31 =	sshll.u32 s1, $0xD;
	s1 =	sshrl.u32 s1, $0x2  }
0xb9: {  	s3 =	sand.u32 $0x4000, s31;
	s1 =	sadd.s32 s1, s30  }
0xba: {  	s0 =	sor.u32 s3, s0;
	s1 =	sshll.u32 s1, $0x11  }
0xbb: {  	s0 =	sor.u32 s1, s0  }
0xbc: {  	s0 =	sadd.s32 $0x8F2B, s0  }
0xbd: {  	[sflag:s0] =	ssyncadd.remote.s32 $0x1  }
0xbe: {  	_ =	sfence.sel $0xFFFF  }
0xbf: {  	[dreg:$0x0] =	wrdreg $0xFFFFFFFF;
	(pc) =	sbr.abs _section_cstart, $3  }
0xc0: {  	[dreg:$0x1] =	wrdreg $0xFFFFFFFF  }
0xc1: {  	_ =	task.clear_ibuf [dreg:s7], $0x2FFFF;
	_ =	strace $0x9FFFFFFF  }
0xc2: {  	(tm) =	ssettm $0x7FFFFFFF  }
0xc3: {  	_ =	shalt  }
tec
execute0_lowered:
.L_overlay_start_1:
0x0: {  	(tag) =	ssettag $0x1  }
0x1: {  	s0 =	srdreg.scid;
	s1 =	rddreg [dreg:$0x0]  }
0x2: {  	s2 =	stileid.u32;
	s5 =	rddreg [dreg:$0x1];
	s17 =	simm.s32 $0x2C40  }
0x3: {  	s18 =	simm.s32 $0x3880;
	s19 =	simm.s32 $0x44C0;
	s20 =	simm.s32 $0x5100  }
0x4: {  	s21 =	simm.s32 $0x5;
	s23 =	simm.s32 $0x1;
	s24 =	simm.s32 $0x2  }
0x5: {  	s25 =	simm.s32 $0x3;
	s26 =	simm.s32 $0x4;
	s28 =	simm.s32 $0x5D40  }
0x6: {  	s29 =	simm.s32 $0x0;
	s0 =	sand.u32 $0x1, s0;
	s2 =	sshll.u32 s2, $0x1  }
0x7: {  	s3 =	sadd.s32 $0xA00, s1;
	s1 =	sadd.s32 $0x62A00, s1;
	s15 =	sadd.s32 $0x2F780, s5  }
0x8: {  	s6 =	sor.u32 s0, s2;
	s2 =	simm.s32 $0x0;
	s0 =	ssub.s32 $0x2, s0  }
0x9: {  	s13 =	smul.u32 $0xC40, s6;
	[smem:$0x7FF] =	sst s2;
	s7 =	sshrl.u32 s0, $0x1  }
0xa: {  	s31 =	smul.u32 $0x1880, s6;
	p0 =	seq.s32 s6, $0x1F;
	_ =	strace $0x8000004A  }
0xb: {  	[dreg:$0x3] =	wrdreg s1;
	s0 =	ssub.s32 s0, s7;
	s4 =	sshrl.u32 s13, $0x3  }
0xc: {  	v0 =	vlaneseq.u32;
	s10 =	sadd.s32 $0x7A800, s13;
	s11 =	sadd.s32 $0x93000, s13;
	s12 =	sadd.s32 $0xAB800, s13  }
0xd: {  	v19 =	vmul.u32 $0x10, v0;
	s13 =	sadd.s32 $0xC4000, s13;
	s14 =	sadd.s32 s5, s31;
	s4 =	sadd.s32 s3, s4  }
0xe: {  	s16 =	smax.u32 s0, $0x1;
	s30 =	sadd.s32 $0x3100, s4;
	s7 =	sadd.s32 $0x6200, s4  }
0xf: {  	[tilespmem:$0x1FFF0] =	vst v19;
	s8 =	sadd.s32 $0x9300, s4;
	s9 =	sadd.s32 $0xC400, s4;
	[dreg:$0x4] =	wrdreg s30  }
.LBB2_1:
0x10: {  	s0 =	rddreg [dreg:$0x4]  }
0x11: {  	[tilespmem:s17], [sflag:$0x1] =	stream.linear.gather [hbm4b:s0+s2], $0xC40, $0x38;
	[tilespmem:$0x12140] =	vst v63  }
0x12: {  	_ = 	snop  }
0x13: {  	[tilespmem:s18], [sflag:$0x2] =	stream.linear.gather [hbm4b:s7+s2], $0xC40, $0x38;
	[tilespmem:$0x12140] =	vst v63  }
0x14: {  	_ = 	snop  }
0x15: {  	[tilespmem:s19], [sflag:$0x3] =	stream.linear.gather [hbm4b:s8+s2], $0xC40, $0x38;
	[tilespmem:$0x12140] =	vst v63  }
0x16: {  	_ = 	snop  }
0x17: {  	[tilespmem:s20], [sflag:$0x4] =	stream.linear.gather [hbm4b:s9+s2], $0xC40, $0x38;
	[tilespmem:$0x12140] =	vst v63  }
0x18: {  	s22 =	rddreg [dreg:$0x3]  }
0x19: {  	[tilespmem:s2], [sflag:$0x5] =	stream.linear.gather [hbm4b:s22+s2], $0x2000, $0x38;
	[tilespmem:$0x12140] =	vst v63  }
0x1a: {  	_ =	swait.ge [sflag:s21], $0x2000  }
0x1b: {  	[sflag:s21] =	ssyncset.done $0x0  }
0x1c: {  	s31 =	simm.s32 $0x2000;
	[sflag:s21] =	ssyncadd.s32 $0xFFFFE000  }
0x1d: {  	[tilespmem:s31], [sflag:$0x5] =	stream.linear.gather [hbm4b:s4+s2], $0xC40, $0x38;
	[tilespmem:$0x12140] =	vst v63  }
0x1e: {  	_ =	swait.ge [sflag:s21], $0xC40  }
0x1f: {  	[sflag:s21] =	ssyncset.done $0x0  }
0x20: {  	s30 =	simm.s32 $0x0;
	[sflag:s21] =	ssyncadd.s32 $0xFFFFF3C0  }
.LBB2_2:
0x21: {  	_ =	swait.ge [sflag:s23], $0xC40  }
0x22: {  	[sflag:s23] =	ssyncset.done $0x0  }
0x23: {  	s1 =	simm.s32 $0x2040;
	[sflag:s23] =	ssyncadd.s32 $0xFFFFF3C0  }
0x24: {  	s31 =	simm.s32 $0x2C80;
	v1 =	vld [tilespmem:s1+$0x30]  }
0x25: {  	v2 =	vld [tilespmem:s31+$0x30]  }
0x26: {  	v0 =	vld [tilespmem:s31+$0xFFFFFFC0]  }
0x27: {  	v3 =	vld [tilespmem:s1+$0xFFFFFFD0]  }
0x28: {  	v4 =	vld [tilespmem:s31+$0xFFFFFFD0]  }
0x29: {  	v5 =	vld [tilespmem:s1+$0xFFFFFFE0]  }
0x2a: {  	v6 =	vld [tilespmem:s31+$0xFFFFFFE0]  }
0x2b: {  	v7 =	vld [tilespmem:s1+$0xFFFFFFF0]  }
0x2c: {  	v8 =	vld [tilespmem:s31+$0xFFFFFFF0]  }
0x2d: {  	v9 =	vld [tilespmem:s1+$0x0]  }
0x2e: {  	v10 =	vld [tilespmem:s31+$0x0]  }
0x2f: {  	v2 =	vadd.s32 v1, v2;
	v1 =	vld [tilespmem:s1+$0x10]  }
0x30: {  	[tilespmem:s1+$0x30] =	vst v2;
	v2 =	vadd.s32 v3, v4;
	v3 =	vld [tilespmem:s31+$0x10]  }
0x31: {  	v4 =	vadd.s32 v5, v6;
	[tilespmem:s1+$0xFFFFFFD0] =	vst v2;
	v2 =	vld [tilespmem:s1+$0x20]  }
0x32: {  	v5 =	vadd.s32 v7, v8;
	[tilespmem:s1+$0xFFFFFFE0] =	vst v4;
	v4 =	vld [tilespmem:s31+$0x20]  }
0x33: {  	s0 =	simm.s32 $0x0;
	s22 =	simm.s32 $0x20C0;
	v6 =	vadd.s32 v9, v10;
	[tilespmem:s1+$0xFFFFFFF0] =	vst v5;
	v5 =	vld [tilespmem:s1+$0xFFFFFFC0]  }
.LBB2_3:
0x34: {  	v7 =	vld [tilespmem:s22+$0x30];
	[tilespmem:s1+$0x0] =	vst v6;
	s31 =	sadd.s32 $0x80, s31  }
0x35: {  	s0 =	sadd.s32 $0x8, s0;
	v6 =	vld [tilespmem:s31+$0x30];
	v1 =	vadd.s32 v1, v3  }
0x36: {  	p1 =	slt.u32 s0, $0xB8;
	v3 =	vld [tilespmem:s31+$0xFFFFFFC0];
	[tilespmem:s1+$0x10] =	vst v1  }
0x37: {  	v1 =	vld [tilespmem:s22+$0xFFFFFFD0];
	v2 =	vadd.s32 v2, v4  }
0x38: {  	v4 =	vld [tilespmem:s31+$0xFFFFFFD0];
	v0 =	vadd.s32 v5, v0;
	[tilespmem:s1+$0x20] =	vst v2  }
0x39: {  	v2 =	vld [tilespmem:s22+$0xFFFFFFE0];
	[tilespmem:s1+$0xFFFFFFC0] =	vst v0;
	s1 =	smov.u32 s22  }
0x3a: {  	v5 =	vld [tilespmem:s31+$0xFFFFFFE0];
	v7 =	vadd.s32 v7, v6  }
0x3b: {  	s5 =	simm.s32 $0x0;
	v6 =	vld [tilespmem:s22+$0xFFFFFFF0];
	[tilespmem:s22+$0x30] =	vst v7;
	v0 =	vmov v3  }
0x3c: {  	v7 =	vld [tilespmem:s31+$0xFFFFFFF0]  }
0x3d: {  	v1 =	vadd.s32 v1, v4;
	v8 =	vld [tilespmem:s22+$0x0]  }
0x3e: {  	[tilespmem:s22+$0xFFFFFFD0] =	vst v1;
	v9 =	vld [tilespmem:s31+$0x0]  }
.Ltmp0:
0x3f: {  	v2 =	vadd.s32 v2, v5;
	v1 =	vld [tilespmem:s22+$0x10];
	(pc) =	sbr.rel @p1 .LBB2_3-.Ltmp0, $4  }
0x40: {  	[tilespmem:s22+$0xFFFFFFE0] =	vst v2;
	v3 =	vld [tilespmem:s31+$0x10]  }
0x41: {  	v4 =	vadd.s32 v6, v7;
	v2 =	vld [tilespmem:s22+$0x20]  }
0x42: {  	[tilespmem:s22+$0xFFFFFFF0] =	vst v4;
	v4 =	vld [tilespmem:s31+$0x20]  }
0x43: {  	s22 =	sadd.s32 $0x80, s22;
	v5 =	vld [tilespmem:s1+$0xFFFFFFC0];
	v6 =	vadd.s32 v8, v9  }
0x44: {  	_ =	sdelay $0x1  }
0x45: {  	[tilespmem:s1+$0x0] =	vst v6;
	v1 =	vadd.s32 v1, v3  }
0x46: {  	[tilespmem:s1+$0x10] =	vst v1;
	v63 =	vadd.s32 v2, v4  }
0x47: {  	v0 =	vadd.s32 v5, v0;
	[tilespmem:s1+$0x20] =	vst v63  }
0x48: {  	[tilespmem:s1+$0xFFFFFFC0] =	vst v0  }
.LBB2_5:
0x49: {  	s0 =	sshra.s32 s5, $0x2  }
0x4a: {  	v0 =	vld [tilespmem:s0+$0x2C00]  }
0x4b: {  	v1 =	vld [tilespmem:s0+$0x3840]  }
0x4c: {  	p1 =	sne.s32 s5, $0xC0  }
.Ltmp1:
0x4d: {  	_ = 	snop;
	(pc) =	sbr.rel @p1 .LBB2_5-.Ltmp1, $3  }
0x4e: {  	_ =	sdelay $0x1  }
0x4f: {  	v0 =	vadd.s32 v0, v1  }
0x50: {  	s5 =	sadd.s32 $0x40, s5;
	[tilespmem:s0+$0x2C00] =	vst v0  }
0x51: {  	s31 =	smul.u32 $0x62000, s30;
	_ =	sdelay $0x1  }
0x52: {  	s0 =	sadd.s32 s31, s10  }
0x53: {  	s0 =	sshrl.u32 s0, $0x3  }
0x54: {  	s0 =	sadd.s32 s3, s0  }
0x55: {  	[tilespmem:s17], [sflag:$0x1] =	stream.linear.gather [hbm4b:s0+s2], $0xC40, $0x38;
	[tilespmem:$0x12140] =	vst v63  }
0x56: {  	_ =	swait.ge [sflag:s24], $0xC40  }
0x57: {  	[sflag:s24] =	ssyncset.done $0x0  }
0x58: {  	s1 =	simm.s32 $0x2040;
	[sflag:s24] =	ssyncadd.s32 $0xFFFFF3C0  }
0x59: {  	s0 =	simm.s32 $0x38C0;
	v1 =	vld [tilespmem:s1+$0x30]  }
0x5a: {  	v2 =	vld [tilespmem:s0+$0x30]  }
0x5b: {  	v0 =	vld [tilespmem:s0+$0xFFFFFFC0]  }
0x5c: {  	v3 =	vld [tilespmem:s1+$0xFFFFFFD0]  }
0x5d: {  	v4 =	vld [tilespmem:s0+$0xFFFFFFD0]  }
0x5e: {  	v5 =	vld [tilespmem:s1+$0xFFFFFFE0]  }
0x5f: {  	v6 =	vld [tilespmem:s0+$0xFFFFFFE0]  }
0x60: {  	v7 =	vld [tilespmem:s1+$0xFFFFFFF0]  }
0x61: {  	v8 =	vld [tilespmem:s0+$0xFFFFFFF0]  }
0x62: {  	v9 =	vld [tilespmem:s1+$0x0]  }
0x63: {  	v10 =	vld [tilespmem:s0+$0x0]  }
0x64: {  	v2 =	vadd.s32 v1, v2;
	v1 =	vld [tilespmem:s1+$0x10]  }
0x65: {  	[tilespmem:s1+$0x30] =	vst v2;
	v2 =	vadd.s32 v3, v4;
	v3 =	vld [tilespmem:s0+$0x10]  }
0x66: {  	v4 =	vadd.s32 v5, v6;
	[tilespmem:s1+$0xFFFFFFD0] =	vst v2;
	v2 =	vld [tilespmem:s1+$0x20]  }
0x67: {  	v5 =	vadd.s32 v7, v8;
	[tilespmem:s1+$0xFFFFFFE0] =	vst v4;
	v4 =	vld [tilespmem:s0+$0x20]  }
0x68: {  	s22 =	simm.s32 $0x0;
	s5 =	simm.s32 $0x20C0;
	v6 =	vadd.s32 v9, v10;
	[tilespmem:s1+$0xFFFFFFF0] =	vst v5;
	v5 =	vld [tilespmem:s1+$0xFFFFFFC0]  }
.LBB2_7:
0x69: {  	v7 =	vld [tilespmem:s5+$0x30];
	[tilespmem:s1+$0x0] =	vst v6;
	s0 =	sadd.s32 $0x80, s0  }
0x6a: {  	s22 =	sadd.s32 $0x8, s22;
	v6 =	vld [tilespmem:s0+$0x30];
	v1 =	vadd.s32 v1, v3  }
0x6b: {  	p1 =	slt.u32 s22, $0xB8;
	v3 =	vld [tilespmem:s0+$0xFFFFFFC0];
	[tilespmem:s1+$0x10] =	vst v1  }
0x6c: {  	v1 =	vld [tilespmem:s5+$0xFFFFFFD0];
	v2 =	vadd.s32 v2, v4  }
0x6d: {  	v4 =	vld [tilespmem:s0+$0xFFFFFFD0];
	v0 =	vadd.s32 v5, v0;
	[tilespmem:s1+$0x20] =	vst v2  }
0x6e: {  	v2 =	vld [tilespmem:s5+$0xFFFFFFE0];
	[tilespmem:s1+$0xFFFFFFC0] =	vst v0;
	s1 =	smov.u32 s5  }
0x6f: {  	v5 =	vld [tilespmem:s0+$0xFFFFFFE0];
	v7 =	vadd.s32 v7, v6  }
0x70: {  	s6 =	simm.s32 $0x0;
	v6 =	vld [tilespmem:s5+$0xFFFFFFF0];
	[tilespmem:s5+$0x30] =	vst v7;
	v0 =	vmov v3  }
0x71: {  	v7 =	vld [tilespmem:s0+$0xFFFFFFF0]  }
0x72: {  	v1 =	vadd.s32 v1, v4;
	v8 =	vld [tilespmem:s5+$0x0]  }
0x73: {  	[tilespmem:s5+$0xFFFFFFD0] =	vst v1;
	v9 =	vld [tilespmem:s0+$0x0]  }
.Ltmp2:
0x74: {  	v2 =	vadd.s32 v2, v5;
	v1 =	vld [tilespmem:s5+$0x10];
	(pc) =	sbr.rel @p1 .LBB2_7-.Ltmp2, $4  }
0x75: {  	[tilespmem:s5+$0xFFFFFFE0] =	vst v2;
	v3 =	vld [tilespmem:s0+$0x10]  }
0x76: {  	v4 =	vadd.s32 v6, v7;
	v2 =	vld [tilespmem:s5+$0x20]  }
0x77: {  	[tilespmem:s5+$0xFFFFFFF0] =	vst v4;
	v4 =	vld [tilespmem:s0+$0x20]  }
0x78: {  	s5 =	sadd.s32 $0x80, s5;
	v5 =	vld [tilespmem:s1+$0xFFFFFFC0];
	v6 =	vadd.s32 v8, v9  }
0x79: {  	_ =	sdelay $0x1  }
0x7a: {  	[tilespmem:s1+$0x0] =	vst v6;
	v1 =	vadd.s32 v1, v3  }
0x7b: {  	[tilespmem:s1+$0x10] =	vst v1;
	v63 =	vadd.s32 v2, v4  }
0x7c: {  	v0 =	vadd.s32 v5, v0;
	[tilespmem:s1+$0x20] =	vst v63  }
0x7d: {  	[tilespmem:s1+$0xFFFFFFC0] =	vst v0  }
.LBB2_9:
0x7e: {  	s0 =	sshra.s32 s6, $0x2  }
0x7f: {  	v0 =	vld [tilespmem:s0+$0x2C00]  }
0x80: {  	v1 =	vld [tilespmem:s0+$0x4480]  }
0x81: {  	p1 =	sne.s32 s6, $0xC0  }
.Ltmp3:
0x82: {  	_ = 	snop;
	(pc) =	sbr.rel @p1 .LBB2_9-.Ltmp3, $3  }
0x83: {  	_ =	sdelay $0x1  }
0x84: {  	v0 =	vadd.s32 v0, v1  }
0x85: {  	s6 =	sadd.s32 $0x40, s6;
	[tilespmem:s0+$0x2C00] =	vst v0  }
0x86: {  	s0 =	sadd.s32 s31, s11  }
0x87: {  	s0 =	sshrl.u32 s0, $0x3  }
0x88: {  	s0 =	sadd.s32 s3, s0  }
0x89: {  	[tilespmem:s18], [sflag:$0x2] =	stream.linear.gather [hbm4b:s0+s2], $0xC40, $0x38;
	[tilespmem:$0x12140] =	vst v63  }
0x8a: {  	_ =	swait.ge [sflag:s25], $0xC40  }
0x8b: {  	[sflag:s25] =	ssyncset.done $0x0  }
0x8c: {  	s1 =	simm.s32 $0x2040;
	[sflag:s25] =	ssyncadd.s32 $0xFFFFF3C0  }
0x8d: {  	s0 =	simm.s32 $0x4500;
	v1 =	vld [tilespmem:s1+$0x30]  }
0x8e: {  	v2 =	vld [tilespmem:s0+$0x30]  }
0x8f: {  	v0 =	vld [tilespmem:s0+$0xFFFFFFC0]  }
0x90: {  	v3 =	vld [tilespmem:s1+$0xFFFFFFD0]  }
0x91: {  	v4 =	vld [tilespmem:s0+$0xFFFFFFD0]  }
0x92: {  	v5 =	vld [tilespmem:s1+$0xFFFFFFE0]  }
0x93: {  	v6 =	vld [tilespmem:s0+$0xFFFFFFE0]  }
0x94: {  	v7 =	vld [tilespmem:s1+$0xFFFFFFF0]  }
0x95: {  	v8 =	vld [tilespmem:s0+$0xFFFFFFF0]  }
0x96: {  	v9 =	vld [tilespmem:s1+$0x0]  }
0x97: {  	v10 =	vld [tilespmem:s0+$0x0]  }
0x98: {  	v2 =	vadd.s32 v1, v2;
	v1 =	vld [tilespmem:s1+$0x10]  }
0x99: {  	[tilespmem:s1+$0x30] =	vst v2;
	v2 =	vadd.s32 v3, v4;
	v3 =	vld [tilespmem:s0+$0x10]  }
0x9a: {  	v4 =	vadd.s32 v5, v6;
	[tilespmem:s1+$0xFFFFFFD0] =	vst v2;
	v2 =	vld [tilespmem:s1+$0x20]  }
0x9b: {  	v5 =	vadd.s32 v7, v8;
	[tilespmem:s1+$0xFFFFFFE0] =	vst v4;
	v4 =	vld [tilespmem:s0+$0x20]  }
0x9c: {  	s22 =	simm.s32 $0x0;
	s5 =	simm.s32 $0x20C0;
	v6 =	vadd.s32 v9, v10;
	[tilespmem:s1+$0xFFFFFFF0] =	vst v5;
	v5 =	vld [tilespmem:s1+$0xFFFFFFC0]  }
.LBB2_11:
0x9d: {  	v7 =	vld [tilespmem:s5+$0x30];
	[tilespmem:s1+$0x0] =	vst v6;
	s0 =	sadd.s32 $0x80, s0  }
0x9e: {  	s22 =	sadd.s32 $0x8, s22;
	v6 =	vld [tilespmem:s0+$0x30];
	v1 =	vadd.s32 v1, v3  }
0x9f: {  	p1 =	slt.u32 s22, $0xB8;
	v3 =	vld [tilespmem:s0+$0xFFFFFFC0];
	[tilespmem:s1+$0x10] =	vst v1  }
0xa0: {  	v1 =	vld [tilespmem:s5+$0xFFFFFFD0];
	v2 =	vadd.s32 v2, v4  }
0xa1: {  	v4 =	vld [tilespmem:s0+$0xFFFFFFD0];
	v0 =	vadd.s32 v5, v0;
	[tilespmem:s1+$0x20] =	vst v2  }
0xa2: {  	v2 =	vld [tilespmem:s5+$0xFFFFFFE0];
	[tilespmem:s1+$0xFFFFFFC0] =	vst v0;
	s1 =	smov.u32 s5  }
0xa3: {  	v5 =	vld [tilespmem:s0+$0xFFFFFFE0];
	v7 =	vadd.s32 v7, v6  }
0xa4: {  	s6 =	simm.s32 $0x0;
	v6 =	vld [tilespmem:s5+$0xFFFFFFF0];
	[tilespmem:s5+$0x30] =	vst v7;
	v0 =	vmov v3  }
0xa5: {  	v7 =	vld [tilespmem:s0+$0xFFFFFFF0]  }
0xa6: {  	v1 =	vadd.s32 v1, v4;
	v8 =	vld [tilespmem:s5+$0x0]  }
0xa7: {  	[tilespmem:s5+$0xFFFFFFD0] =	vst v1;
	v9 =	vld [tilespmem:s0+$0x0]  }
.Ltmp4:
0xa8: {  	v2 =	vadd.s32 v2, v5;
	v1 =	vld [tilespmem:s5+$0x10];
	(pc) =	sbr.rel @p1 .LBB2_11-.Ltmp4, $4  }
0xa9: {  	[tilespmem:s5+$0xFFFFFFE0] =	vst v2;
	v3 =	vld [tilespmem:s0+$0x10]  }
0xaa: {  	v4 =	vadd.s32 v6, v7;
	v2 =	vld [tilespmem:s5+$0x20]  }
0xab: {  	[tilespmem:s5+$0xFFFFFFF0] =	vst v4;
	v4 =	vld [tilespmem:s0+$0x20]  }
0xac: {  	s5 =	sadd.s32 $0x80, s5;
	v5 =	vld [tilespmem:s1+$0xFFFFFFC0];
	v6 =	vadd.s32 v8, v9  }
0xad: {  	_ =	sdelay $0x1  }
0xae: {  	[tilespmem:s1+$0x0] =	vst v6;
	v1 =	vadd.s32 v1, v3  }
0xaf: {  	[tilespmem:s1+$0x10] =	vst v1;
	v63 =	vadd.s32 v2, v4  }
0xb0: {  	v0 =	vadd.s32 v5, v0;
	[tilespmem:s1+$0x20] =	vst v63  }
0xb1: {  	[tilespmem:s1+$0xFFFFFFC0] =	vst v0  }
.LBB2_13:
0xb2: {  	s0 =	sshra.s32 s6, $0x2  }
0xb3: {  	v0 =	vld [tilespmem:s0+$0x2C00]  }
0xb4: {  	v1 =	vld [tilespmem:s0+$0x50C0]  }
0xb5: {  	p1 =	sne.s32 s6, $0xC0  }
.Ltmp5:
0xb6: {  	_ = 	snop;
	(pc) =	sbr.rel @p1 .LBB2_13-.Ltmp5, $3  }
0xb7: {  	_ =	sdelay $0x1  }
0xb8: {  	v0 =	vadd.s32 v0, v1  }
0xb9: {  	s6 =	sadd.s32 $0x40, s6;
	[tilespmem:s0+$0x2C00] =	vst v0  }
0xba: {  	s0 =	sadd.s32 s31, s12  }
0xbb: {  	s0 =	sshrl.u32 s0, $0x3  }
0xbc: {  	s0 =	sadd.s32 s3, s0  }
0xbd: {  	[tilespmem:s19], [sflag:$0x3] =	stream.linear.gather [hbm4b:s0+s2], $0xC40, $0x38;
	[tilespmem:$0x12140] =	vst v63  }
0xbe: {  	_ =	swait.ge [sflag:s26], $0xC40  }
0xbf: {  	[sflag:s26] =	ssyncset.done $0x0  }
0xc0: {  	s1 =	simm.s32 $0x2040;
	[sflag:s26] =	ssyncadd.s32 $0xFFFFF3C0  }
0xc1: {  	s0 =	simm.s32 $0x5140;
	v1 =	vld [tilespmem:s1+$0x30]  }
0xc2: {  	v2 =	vld [tilespmem:s0+$0x30]  }
0xc3: {  	v0 =	vld [tilespmem:s0+$0xFFFFFFC0]  }
0xc4: {  	v3 =	vld [tilespmem:s1+$0xFFFFFFD0]  }
0xc5: {  	v4 =	vld [tilespmem:s0+$0xFFFFFFD0]  }
0xc6: {  	v5 =	vld [tilespmem:s1+$0xFFFFFFE0]  }
0xc7: {  	v6 =	vld [tilespmem:s0+$0xFFFFFFE0]  }
0xc8: {  	v7 =	vld [tilespmem:s1+$0xFFFFFFF0]  }
0xc9: {  	v8 =	vld [tilespmem:s0+$0xFFFFFFF0]  }
0xca: {  	v9 =	vld [tilespmem:s1+$0x0]  }
0xcb: {  	v10 =	vld [tilespmem:s0+$0x0]  }
0xcc: {  	v2 =	vadd.s32 v1, v2;
	v1 =	vld [tilespmem:s1+$0x10]  }
0xcd: {  	[tilespmem:s1+$0x30] =	vst v2;
	v2 =	vadd.s32 v3, v4;
	v3 =	vld [tilespmem:s0+$0x10]  }
0xce: {  	v4 =	vadd.s32 v5, v6;
	[tilespmem:s1+$0xFFFFFFD0] =	vst v2;
	v2 =	vld [tilespmem:s1+$0x20]  }
0xcf: {  	v5 =	vadd.s32 v7, v8;
	[tilespmem:s1+$0xFFFFFFE0] =	vst v4;
	v4 =	vld [tilespmem:s0+$0x20]  }
0xd0: {  	s22 =	simm.s32 $0x0;
	s5 =	simm.s32 $0x20C0;
	v6 =	vadd.s32 v9, v10;
	[tilespmem:s1+$0xFFFFFFF0] =	vst v5;
	v5 =	vld [tilespmem:s1+$0xFFFFFFC0]  }
.LBB2_15:
0xd1: {  	v7 =	vld [tilespmem:s5+$0x30];
	[tilespmem:s1+$0x0] =	vst v6;
	s0 =	sadd.s32 $0x80, s0  }
0xd2: {  	s22 =	sadd.s32 $0x8, s22;
	v6 =	vld [tilespmem:s0+$0x30];
	v1 =	vadd.s32 v1, v3  }
0xd3: {  	p1 =	slt.u32 s22, $0xB8;
	v3 =	vld [tilespmem:s0+$0xFFFFFFC0];
	[tilespmem:s1+$0x10] =	vst v1  }
0xd4: {  	v1 =	vld [tilespmem:s5+$0xFFFFFFD0];
	v2 =	vadd.s32 v2, v4  }
0xd5: {  	v4 =	vld [tilespmem:s0+$0xFFFFFFD0];
	v0 =	vadd.s32 v5, v0;
	[tilespmem:s1+$0x20] =	vst v2  }
0xd6: {  	v2 =	vld [tilespmem:s5+$0xFFFFFFE0];
	[tilespmem:s1+$0xFFFFFFC0] =	vst v0;
	s1 =	smov.u32 s5  }
0xd7: {  	v5 =	vld [tilespmem:s0+$0xFFFFFFE0];
	v7 =	vadd.s32 v7, v6  }
0xd8: {  	s6 =	simm.s32 $0x0;
	v6 =	vld [tilespmem:s5+$0xFFFFFFF0];
	[tilespmem:s5+$0x30] =	vst v7;
	v0 =	vmov v3  }
0xd9: {  	v7 =	vld [tilespmem:s0+$0xFFFFFFF0]  }
0xda: {  	v1 =	vadd.s32 v1, v4;
	v8 =	vld [tilespmem:s5+$0x0]  }
0xdb: {  	[tilespmem:s5+$0xFFFFFFD0] =	vst v1;
	v9 =	vld [tilespmem:s0+$0x0]  }
.Ltmp6:
0xdc: {  	v2 =	vadd.s32 v2, v5;
	v1 =	vld [tilespmem:s5+$0x10];
	(pc) =	sbr.rel @p1 .LBB2_15-.Ltmp6, $4  }
0xdd: {  	[tilespmem:s5+$0xFFFFFFE0] =	vst v2;
	v3 =	vld [tilespmem:s0+$0x10]  }
0xde: {  	v4 =	vadd.s32 v6, v7;
	v2 =	vld [tilespmem:s5+$0x20]  }
0xdf: {  	[tilespmem:s5+$0xFFFFFFF0] =	vst v4;
	v4 =	vld [tilespmem:s0+$0x20]  }
0xe0: {  	s5 =	sadd.s32 $0x80, s5;
	v5 =	vld [tilespmem:s1+$0xFFFFFFC0];
	v6 =	vadd.s32 v8, v9  }
0xe1: {  	_ =	sdelay $0x1  }
0xe2: {  	[tilespmem:s1+$0x0] =	vst v6;
	v1 =	vadd.s32 v1, v3  }
0xe3: {  	[tilespmem:s1+$0x10] =	vst v1;
	v63 =	vadd.s32 v2, v4  }
0xe4: {  	v0 =	vadd.s32 v5, v0;
	[tilespmem:s1+$0x20] =	vst v63  }
0xe5: {  	[tilespmem:s1+$0xFFFFFFC0] =	vst v0  }
.LBB2_17:
0xe6: {  	s0 =	sshra.s32 s6, $0x2  }
0xe7: {  	v0 =	vld [tilespmem:s0+$0x2C00]  }
0xe8: {  	v1 =	vld [tilespmem:s0+$0x5D00]  }
0xe9: {  	p1 =	sne.s32 s6, $0xC0  }
.Ltmp7:
0xea: {  	_ = 	snop;
	(pc) =	sbr.rel @p1 .LBB2_17-.Ltmp7, $3  }
0xeb: {  	_ =	sdelay $0x1  }
0xec: {  	v0 =	vadd.s32 v0, v1  }
0xed: {  	s6 =	sadd.s32 $0x40, s6;
	[tilespmem:s0+$0x2C00] =	vst v0  }
0xee: {  	p1 =	seq.s32 s30, $0x6  }
.Ltmp8:
0xef: {  	_ = 	snop;
	(pc) =	sbr.rel @p1 .LBB2_20-.Ltmp8, $1  }
0xf0: {  	_ =	sdelay $0x3  }
.Ltmp9:
0xf1: {  	(pc) =	sbr.rel .LBB2_2-.Ltmp9, $4  }
0xf2: {  	s0 =	sadd.s32 s31, s13  }
0xf3: {  	s0 =	sshrl.u32 s0, $0x3  }
0xf4: {  	s30 =	sadd.s32 $0x1, s30;
	s0 =	sadd.s32 s3, s0  }
0xf5: {  	[tilespmem:s20], [sflag:$0x4] =	stream.linear.gather [hbm4b:s0+s2], $0xC40, $0x38;
	[tilespmem:$0x12140] =	vst v63  }
.LBB2_20:
0xf6: {  	_ =	swait.ge [sflag:s23], $0xC40  }
0xf7: {  	[sflag:s23] =	ssyncset.done $0x0  }
0xf8: {  	s1 =	simm.s32 $0x2040;
	[sflag:s23] =	ssyncadd.s32 $0xFFFFF3C0  }
0xf9: {  	s0 =	simm.s32 $0x2C80;
	v1 =	vld [tilespmem:s1+$0x30]  }
0xfa: {  	v2 =	vld [tilespmem:s0+$0x30]  }
0xfb: {  	v0 =	vld [tilespmem:s0+$0xFFFFFFC0]  }
0xfc: {  	v3 =	vld [tilespmem:s1+$0xFFFFFFD0]  }
0xfd: {  	v4 =	vld [tilespmem:s0+$0xFFFFFFD0]  }
0xfe: {  	v5 =	vld [tilespmem:s1+$0xFFFFFFE0]  }
0xff: {  	v6 =	vld [tilespmem:s0+$0xFFFFFFE0]  }
0x100: {  	v7 =	vld [tilespmem:s1+$0xFFFFFFF0]  }
0x101: {  	v8 =	vld [tilespmem:s0+$0xFFFFFFF0]  }
0x102: {  	v9 =	vld [tilespmem:s1+$0x0]  }
0x103: {  	v10 =	vld [tilespmem:s0+$0x0]  }
0x104: {  	v2 =	vadd.s32 v1, v2;
	v1 =	vld [tilespmem:s1+$0x10]  }
0x105: {  	[tilespmem:s1+$0x30] =	vst v2;
	v2 =	vadd.s32 v3, v4;
	v3 =	vld [tilespmem:s0+$0x10]  }
0x106: {  	v4 =	vadd.s32 v5, v6;
	[tilespmem:s1+$0xFFFFFFD0] =	vst v2;
	v2 =	vld [tilespmem:s1+$0x20]  }
0x107: {  	v5 =	vadd.s32 v7, v8;
	[tilespmem:s1+$0xFFFFFFE0] =	vst v4;
	v4 =	vld [tilespmem:s0+$0x20]  }
0x108: {  	s22 =	simm.s32 $0x0;
	s5 =	simm.s32 $0x20C0;
	v6 =	vadd.s32 v9, v10;
	[tilespmem:s1+$0xFFFFFFF0] =	vst v5;
	v5 =	vld [tilespmem:s1+$0xFFFFFFC0]  }
.LBB2_21:
0x109: {  	v7 =	vld [tilespmem:s5+$0x30];
	[tilespmem:s1+$0x0] =	vst v6;
	s0 =	sadd.s32 $0x80, s0  }
0x10a: {  	s22 =	sadd.s32 $0x8, s22;
	v6 =	vld [tilespmem:s0+$0x30];
	v1 =	vadd.s32 v1, v3  }
0x10b: {  	p1 =	slt.u32 s22, $0xB8;
	v3 =	vld [tilespmem:s0+$0xFFFFFFC0];
	[tilespmem:s1+$0x10] =	vst v1  }
0x10c: {  	v1 =	vld [tilespmem:s5+$0xFFFFFFD0];
	v2 =	vadd.s32 v2, v4  }
0x10d: {  	v4 =	vld [tilespmem:s0+$0xFFFFFFD0];
	v0 =	vadd.s32 v5, v0;
	[tilespmem:s1+$0x20] =	vst v2  }
0x10e: {  	v2 =	vld [tilespmem:s5+$0xFFFFFFE0];
	[tilespmem:s1+$0xFFFFFFC0] =	vst v0;
	s1 =	smov.u32 s5  }
0x10f: {  	v5 =	vld [tilespmem:s0+$0xFFFFFFE0];
	v7 =	vadd.s32 v7, v6  }
0x110: {  	s6 =	simm.s32 $0x0;
	v6 =	vld [tilespmem:s5+$0xFFFFFFF0];
	[tilespmem:s5+$0x30] =	vst v7;
	v0 =	vmov v3  }
0x111: {  	v7 =	vld [tilespmem:s0+$0xFFFFFFF0]  }
0x112: {  	v1 =	vadd.s32 v1, v4;
	v8 =	vld [tilespmem:s5+$0x0]  }
0x113: {  	[tilespmem:s5+$0xFFFFFFD0] =	vst v1;
	v9 =	vld [tilespmem:s0+$0x0]  }
.Ltmp10:
0x114: {  	v2 =	vadd.s32 v2, v5;
	v1 =	vld [tilespmem:s5+$0x10];
	(pc) =	sbr.rel @p1 .LBB2_21-.Ltmp10, $4  }
0x115: {  	[tilespmem:s5+$0xFFFFFFE0] =	vst v2;
	v3 =	vld [tilespmem:s0+$0x10]  }
0x116: {  	v4 =	vadd.s32 v6, v7;
	v2 =	vld [tilespmem:s5+$0x20]  }
0x117: {  	[tilespmem:s5+$0xFFFFFFF0] =	vst v4;
	v4 =	vld [tilespmem:s0+$0x20]  }
0x118: {  	s5 =	sadd.s32 $0x80, s5;
	v5 =	vld [tilespmem:s1+$0xFFFFFFC0];
	v6 =	vadd.s32 v8, v9  }
0x119: {  	_ =	sdelay $0x1  }
0x11a: {  	[tilespmem:s1+$0x0] =	vst v6;
	v1 =	vadd.s32 v1, v3  }
0x11b: {  	[tilespmem:s1+$0x10] =	vst v1;
	v63 =	vadd.s32 v2, v4  }
0x11c: {  	v0 =	vadd.s32 v5, v0;
	[tilespmem:s1+$0x20] =	vst v63  }
0x11d: {  	[tilespmem:s1+$0xFFFFFFC0] =	vst v0  }
.LBB2_23:
0x11e: {  	s0 =	sshra.s32 s6, $0x2  }
0x11f: {  	v0 =	vld [tilespmem:s0+$0x2C00]  }
0x120: {  	v1 =	vld [tilespmem:s0+$0x3840]  }
0x121: {  	p1 =	sne.s32 s6, $0xC0  }
.Ltmp11:
0x122: {  	_ = 	snop;
	(pc) =	sbr.rel @p1 .LBB2_23-.Ltmp11, $3  }
0x123: {  	_ =	sdelay $0x1  }
0x124: {  	v0 =	vadd.s32 v0, v1  }
0x125: {  	s6 =	sadd.s32 $0x40, s6;
	[tilespmem:s0+$0x2C00] =	vst v0  }
0x126: {  	_ =	swait.ge [sflag:s24], $0xC40  }
0x127: {  	[sflag:s24] =	ssyncset.done $0x0  }
0x128: {  	s1 =	simm.s32 $0x2040;
	[sflag:s24] =	ssyncadd.s32 $0xFFFFF3C0  }
0x129: {  	s0 =	simm.s32 $0x38C0;
	v1 =	vld [tilespmem:s1+$0x30]  }
0x12a: {  	v2 =	vld [tilespmem:s0+$0x30]  }
0x12b: {  	v0 =	vld [tilespmem:s0+$0xFFFFFFC0]  }
0x12c: {  	v3 =	vld [tilespmem:s1+$0xFFFFFFD0]  }
0x12d: {  	v4 =	vld [tilespmem:s0+$0xFFFFFFD0]  }
0x12e: {  	v5 =	vld [tilespmem:s1+$0xFFFFFFE0]  }
0x12f: {  	v6 =	vld [tilespmem:s0+$0xFFFFFFE0]  }
0x130: {  	v7 =	vld [tilespmem:s1+$0xFFFFFFF0]  }
0x131: {  	v8 =	vld [tilespmem:s0+$0xFFFFFFF0]  }
0x132: {  	v9 =	vld [tilespmem:s1+$0x0]  }
0x133: {  	v10 =	vld [tilespmem:s0+$0x0]  }
0x134: {  	v2 =	vadd.s32 v1, v2;
	v1 =	vld [tilespmem:s1+$0x10]  }
0x135: {  	[tilespmem:s1+$0x30] =	vst v2;
	v2 =	vadd.s32 v3, v4;
	v3 =	vld [tilespmem:s0+$0x10]  }
0x136: {  	v4 =	vadd.s32 v5, v6;
	[tilespmem:s1+$0xFFFFFFD0] =	vst v2;
	v2 =	vld [tilespmem:s1+$0x20]  }
0x137: {  	v5 =	vadd.s32 v7, v8;
	[tilespmem:s1+$0xFFFFFFE0] =	vst v4;
	v4 =	vld [tilespmem:s0+$0x20]  }
0x138: {  	s22 =	simm.s32 $0x0;
	s5 =	simm.s32 $0x20C0;
	v6 =	vadd.s32 v9, v10;
	[tilespmem:s1+$0xFFFFFFF0] =	vst v5;
	v5 =	vld [tilespmem:s1+$0xFFFFFFC0]  }
.LBB2_25:
0x139: {  	v7 =	vld [tilespmem:s5+$0x30];
	[tilespmem:s1+$0x0] =	vst v6;
	s0 =	sadd.s32 $0x80, s0  }
0x13a: {  	s22 =	sadd.s32 $0x8, s22;
	v6 =	vld [tilespmem:s0+$0x30];
	v1 =	vadd.s32 v1, v3  }
0x13b: {  	p1 =	slt.u32 s22, $0xB8;
	v3 =	vld [tilespmem:s0+$0xFFFFFFC0];
	[tilespmem:s1+$0x10] =	vst v1  }
0x13c: {  	v1 =	vld [tilespmem:s5+$0xFFFFFFD0];
	v2 =	vadd.s32 v2, v4  }
0x13d: {  	v4 =	vld [tilespmem:s0+$0xFFFFFFD0];
	v0 =	vadd.s32 v5, v0;
	[tilespmem:s1+$0x20] =	vst v2  }
0x13e: {  	v2 =	vld [tilespmem:s5+$0xFFFFFFE0];
	[tilespmem:s1+$0xFFFFFFC0] =	vst v0;
	s1 =	smov.u32 s5  }
0x13f: {  	v5 =	vld [tilespmem:s0+$0xFFFFFFE0];
	v7 =	vadd.s32 v7, v6  }
0x140: {  	s6 =	simm.s32 $0x0;
	v6 =	vld [tilespmem:s5+$0xFFFFFFF0];
	[tilespmem:s5+$0x30] =	vst v7;
	v0 =	vmov v3  }
0x141: {  	v7 =	vld [tilespmem:s0+$0xFFFFFFF0]  }
0x142: {  	v1 =	vadd.s32 v1, v4;
	v8 =	vld [tilespmem:s5+$0x0]  }
0x143: {  	[tilespmem:s5+$0xFFFFFFD0] =	vst v1;
	v9 =	vld [tilespmem:s0+$0x0]  }
.Ltmp12:
0x144: {  	v2 =	vadd.s32 v2, v5;
	v1 =	vld [tilespmem:s5+$0x10];
	(pc) =	sbr.rel @p1 .LBB2_25-.Ltmp12, $4  }
0x145: {  	[tilespmem:s5+$0xFFFFFFE0] =	vst v2;
	v3 =	vld [tilespmem:s0+$0x10]  }
0x146: {  	v4 =	vadd.s32 v6, v7;
	v2 =	vld [tilespmem:s5+$0x20]  }
0x147: {  	[tilespmem:s5+$0xFFFFFFF0] =	vst v4;
	v4 =	vld [tilespmem:s0+$0x20]  }
0x148: {  	s5 =	sadd.s32 $0x80, s5;
	v5 =	vld [tilespmem:s1+$0xFFFFFFC0];
	v6 =	vadd.s32 v8, v9  }
0x149: {  	_ =	sdelay $0x1  }
0x14a: {  	[tilespmem:s1+$0x0] =	vst v6;
	v1 =	vadd.s32 v1, v3  }
0x14b: {  	[tilespmem:s1+$0x10] =	vst v1;
	v63 =	vadd.s32 v2, v4  }
0x14c: {  	v0 =	vadd.s32 v5, v0;
	[tilespmem:s1+$0x20] =	vst v63  }
0x14d: {  	[tilespmem:s1+$0xFFFFFFC0] =	vst v0  }
.LBB2_27:
0x14e: {  	s0 =	sshra.s32 s6, $0x2  }
0x14f: {  	v0 =	vld [tilespmem:s0+$0x2C00]  }
0x150: {  	v1 =	vld [tilespmem:s0+$0x4480]  }
0x151: {  	p1 =	sne.s32 s6, $0xC0  }
.Ltmp13:
0x152: {  	_ = 	snop;
	(pc) =	sbr.rel @p1 .LBB2_27-.Ltmp13, $3  }
0x153: {  	_ =	sdelay $0x1  }
0x154: {  	v0 =	vadd.s32 v0, v1  }
0x155: {  	s6 =	sadd.s32 $0x40, s6;
	[tilespmem:s0+$0x2C00] =	vst v0  }
0x156: {  	_ =	swait.ge [sflag:s25], $0xC40  }
0x157: {  	[sflag:s25] =	ssyncset.done $0x0  }
0x158: {  	s1 =	simm.s32 $0x2040;
	[sflag:s25] =	ssyncadd.s32 $0xFFFFF3C0  }
0x159: {  	s0 =	simm.s32 $0x4500;
	v1 =	vld [tilespmem:s1+$0x30]  }
0x15a: {  	v2 =	vld [tilespmem:s0+$0x30]  }
0x15b: {  	v0 =	vld [tilespmem:s0+$0xFFFFFFC0]  }
0x15c: {  	v3 =	vld [tilespmem:s1+$0xFFFFFFD0]  }
0x15d: {  	v4 =	vld [tilespmem:s0+$0xFFFFFFD0]  }
0x15e: {  	v5 =	vld [tilespmem:s1+$0xFFFFFFE0]  }
0x15f: {  	v6 =	vld [tilespmem:s0+$0xFFFFFFE0]  }
0x160: {  	v7 =	vld [tilespmem:s1+$0xFFFFFFF0]  }
0x161: {  	v8 =	vld [tilespmem:s0+$0xFFFFFFF0]  }
0x162: {  	v9 =	vld [tilespmem:s1+$0x0]  }
0x163: {  	v10 =	vld [tilespmem:s0+$0x0]  }
0x164: {  	v2 =	vadd.s32 v1, v2;
	v1 =	vld [tilespmem:s1+$0x10]  }
0x165: {  	[tilespmem:s1+$0x30] =	vst v2;
	v2 =	vadd.s32 v3, v4;
	v3 =	vld [tilespmem:s0+$0x10]  }
0x166: {  	v4 =	vadd.s32 v5, v6;
	[tilespmem:s1+$0xFFFFFFD0] =	vst v2;
	v2 =	vld [tilespmem:s1+$0x20]  }
0x167: {  	v5 =	vadd.s32 v7, v8;
	[tilespmem:s1+$0xFFFFFFE0] =	vst v4;
	v4 =	vld [tilespmem:s0+$0x20]  }
0x168: {  	s22 =	simm.s32 $0x0;
	s5 =	simm.s32 $0x20C0;
	v6 =	vadd.s32 v9, v10;
	[tilespmem:s1+$0xFFFFFFF0] =	vst v5;
	v5 =	vld [tilespmem:s1+$0xFFFFFFC0]  }
.LBB2_29:
0x169: {  	v7 =	vld [tilespmem:s5+$0x30];
	[tilespmem:s1+$0x0] =	vst v6;
	s0 =	sadd.s32 $0x80, s0  }
0x16a: {  	s22 =	sadd.s32 $0x8, s22;
	v6 =	vld [tilespmem:s0+$0x30];
	v1 =	vadd.s32 v1, v3  }
0x16b: {  	p1 =	slt.u32 s22, $0xB8;
	v3 =	vld [tilespmem:s0+$0xFFFFFFC0];
	[tilespmem:s1+$0x10] =	vst v1  }
0x16c: {  	v1 =	vld [tilespmem:s5+$0xFFFFFFD0];
	v2 =	vadd.s32 v2, v4  }
0x16d: {  	v4 =	vld [tilespmem:s0+$0xFFFFFFD0];
	v0 =	vadd.s32 v5, v0;
	[tilespmem:s1+$0x20] =	vst v2  }
0x16e: {  	v2 =	vld [tilespmem:s5+$0xFFFFFFE0];
	[tilespmem:s1+$0xFFFFFFC0] =	vst v0;
	s1 =	smov.u32 s5  }
0x16f: {  	v5 =	vld [tilespmem:s0+$0xFFFFFFE0];
	v7 =	vadd.s32 v7, v6  }
0x170: {  	s6 =	simm.s32 $0x0;
	v6 =	vld [tilespmem:s5+$0xFFFFFFF0];
	[tilespmem:s5+$0x30] =	vst v7;
	v0 =	vmov v3  }
0x171: {  	v7 =	vld [tilespmem:s0+$0xFFFFFFF0]  }
0x172: {  	v1 =	vadd.s32 v1, v4;
	v8 =	vld [tilespmem:s5+$0x0]  }
0x173: {  	[tilespmem:s5+$0xFFFFFFD0] =	vst v1;
	v9 =	vld [tilespmem:s0+$0x0]  }
.Ltmp14:
0x174: {  	v2 =	vadd.s32 v2, v5;
	v1 =	vld [tilespmem:s5+$0x10];
	(pc) =	sbr.rel @p1 .LBB2_29-.Ltmp14, $4  }
0x175: {  	[tilespmem:s5+$0xFFFFFFE0] =	vst v2;
	v3 =	vld [tilespmem:s0+$0x10]  }
0x176: {  	v4 =	vadd.s32 v6, v7;
	v2 =	vld [tilespmem:s5+$0x20]  }
0x177: {  	[tilespmem:s5+$0xFFFFFFF0] =	vst v4;
	v4 =	vld [tilespmem:s0+$0x20]  }
0x178: {  	s5 =	sadd.s32 $0x80, s5;
	v5 =	vld [tilespmem:s1+$0xFFFFFFC0];
	v6 =	vadd.s32 v8, v9  }
0x179: {  	_ =	sdelay $0x1  }
0x17a: {  	[tilespmem:s1+$0x0] =	vst v6;
	v1 =	vadd.s32 v1, v3  }
0x17b: {  	[tilespmem:s1+$0x10] =	vst v1;
	v63 =	vadd.s32 v2, v4  }
0x17c: {  	v0 =	vadd.s32 v5, v0;
	[tilespmem:s1+$0x20] =	vst v63  }
0x17d: {  	[tilespmem:s1+$0xFFFFFFC0] =	vst v0  }
.LBB2_31:
0x17e: {  	s0 =	sshra.s32 s6, $0x2  }
0x17f: {  	v0 =	vld [tilespmem:s0+$0x2C00]  }
0x180: {  	v1 =	vld [tilespmem:s0+$0x50C0]  }
0x181: {  	p1 =	sne.s32 s6, $0xC0  }
.Ltmp15:
0x182: {  	_ = 	snop;
	(pc) =	sbr.rel @p1 .LBB2_31-.Ltmp15, $3  }
0x183: {  	_ =	sdelay $0x1  }
0x184: {  	v0 =	vadd.s32 v0, v1  }
0x185: {  	s6 =	sadd.s32 $0x40, s6;
	[tilespmem:s0+$0x2C00] =	vst v0  }
0x186: {  	s0 =	simm.s32 $0x2010  }
0x187: {  	v0 =	vld [tilespmem:s0+$0x0];
	_ =	sdelay $0x2  }
0x188: {  	v1 =	vld [tilespmem:s0+$0xFFFFFFF0];
	_ =	sdelay $0x1  }
0x189: {  	vm0 =	vgt.s32 v0, $0x1  }
0x18a: {  	v0 =	vnsel vm0, $0x1, v0  }
0x18b: {  	v0 =	vmin.u32 v0, $0x200  }
0x18c: {  	vm9 =	vgt.s32 v1, $0x1;
	v16 =	vshll.u32 v0, $0x4  }
0x18d: {  	v1 =	vnsel vm9, $0x1, v1;
	v0 =	vadd.s32 $0xFFFFFFF0, v16  }
0x18e: {  	v1 =	vmin.u32 v1, $0x200  }
0x18f: {  	s6 =	simm.s32 $0x10;
	v4 =	vshll.u32 v1, $0x4  }
0x190: {  	v2 =	vmov s6;
	v1 =	vadd.s32 $0xFFFFFFF0, v4  }
0x191: {  	v2 =	vshll.u32 v2, $0x4  }
0x192: {  	s22 =	simm.s32 $0x0;
	v18 =	vor.u32 v19, v2;
	v0 =	vld.idx.msk [tilespmem:v0+s2+$0x0], $0xffff  }
0x193: {  	v2 =	vmov s22;
	v3 =	vadd.s32 $0xFFFFFFF1, v16  }
0x194: {  	v2 =	vshll.u32 v2, $0x4  }
0x195: {  	v5 =	vor.u32 v19, v2;
	v1 =	vld.idx.msk [tilespmem:v1+s2+$0x0], $0xffff  }
0x196: {  	v2 =	vadd.s32 $0xFFFFFFF1, v4  }
0x197: {  	[tilespmem:v18+s28+$0x0] =	vst.idx.msk $0xffff, v0  }
0x198: {  	v0 =	vld.idx.msk [tilespmem:v3+s2+$0x0], $0xffff;
	v3 =	vor.u32 $0x1, v18  }
0x199: {  	v6 =	vadd.s32 $0xFFFFFFF2, v16  }
0x19a: {  	[tilespmem:v5+s28+$0x0] =	vst.idx.msk $0xffff, v1  }
0x19b: {  	v1 =	vor.u32 $0x1, v5;
	v2 =	vld.idx.msk [tilespmem:v2+s2+$0x0], $0xffff  }
0x19c: {  	v7 =	vadd.s32 $0xFFFFFFF2, v4  }
0x19d: {  	[tilespmem:v3+s28+$0x0] =	vst.idx.msk $0xffff, v0  }
0x19e: {  	v3 =	vor.u32 $0x2, v18;
	v0 =	vld.idx.msk [tilespmem:v6+s2+$0x0], $0xffff  }
0x19f: {  	s1 =	simm.s32 $0x2030;
	v6 =	vadd.s32 $0xFFFFFFF3, v16  }
0x1a0: {  	[tilespmem:v1+s28+$0x0] =	vst.idx.msk $0xffff, v2;
	v1 =	vld [tilespmem:s1+$0x0]  }
0x1a1: {  	v2 =	vor.u32 $0x2, v5;
	v7 =	vld.idx.msk [tilespmem:v7+s2+$0x0], $0xffff  }
0x1a2: {  	v8 =	vadd.s32 $0xFFFFFFF3, v4  }
0x1a3: {  	[tilespmem:v3+s28+$0x0] =	vst.idx.msk $0xffff, v0;
	v0 =	vld [tilespmem:s1+$0xFFFFFFF0]  }
0x1a4: {  	v3 =	vld.idx.msk [tilespmem:v6+s2+$0x0], $0xffff;
	v6 =	vor.u32 $0x3, v18  }
0x1a5: {  	v9 =	vadd.s32 $0xFFFFFFF4, v16  }
0x1a6: {  	vm10 =	vgt.s32 v1, $0x1;
	[tilespmem:v2+s28+$0x0] =	vst.idx.msk $0xffff, v7  }
0x1a7: {  	v1 =	vnsel vm10, $0x1, v1;
	v2 =	vor.u32 $0x3, v5;
	v7 =	vld.idx.msk [tilespmem:v8+s2+$0x0], $0xffff  }
0x1a8: {  	v10 =	vadd.s32 $0xFFFFFFF4, v4;
	v1 =	vmin.u32 v1, $0x200  }
0x1a9: {  	v1 =	vshll.u32 v1, $0x4;
	vm11 =	vgt.s32 v0, $0x1;
	[tilespmem:v6+s28+$0x0] =	vst.idx.msk $0xffff, v3  }
0x1aa: {  	v3 =	vadd.s32 $0xFFFFFFF0, v1;
	v0 =	vnsel vm11, $0x1, v0;
	v6 =	vld.idx.msk [tilespmem:v9+s2+$0x0], $0xffff;
	v9 =	vor.u32 $0x4, v18  }
0x1ab: {  	v11 =	vadd.s32 $0xFFFFFFF5, v16;
	v0 =	vmin.u32 v0, $0x200  }
0x1ac: {  	s5 =	simm.s32 $0x30;
	[tilespmem:v2+s28+$0x0] =	vst.idx.msk $0xffff, v7;
	v8 =	vshll.u32 v0, $0x4  }
0x1ad: {  	v2 =	vmov s5;
	v7 =	vor.u32 $0x4, v5;
	v10 =	vld.idx.msk [tilespmem:v10+s2+$0x0], $0xffff;
	v0 =	vadd.s32 $0xFFFFFFF0, v8  }
0x1ae: {  	s6 =	simm.s32 $0x20;
	v12 =	vadd.s32 $0xFFFFFFF5, v4;
	v2 =	vshll.u32 v2, $0x4  }
0x1af: {  	v13 =	vmov s6;
	v2 =	vor.u32 v19, v2;
	v3 =	vld.idx.msk [tilespmem:v3+s2+$0x0], $0xffff;
	[tilespmem:v9+s28+$0x0] =	vst.idx.msk $0xffff, v6  }
0x1b0: {  	v6 =	vadd.s32 $0xFFFFFFF1, v1;
	v9 =	vshll.u32 v13, $0x4;
	v13 =	vor.u32 $0x5, v18;
	v11 =	vld.idx.msk [tilespmem:v11+s2+$0x0], $0xffff  }
0x1b1: {  	v15 =	vor.u32 v19, v9;
	v9 =	vadd.s32 $0xFFFFFFF6, v16  }
0x1b2: {  	[tilespmem:v7+s28+$0x0] =	vst.idx.msk $0xffff, v10;
	v0 =	vld.idx.msk [tilespmem:v0+s2+$0x0], $0xffff  }
0x1b3: {  	v14 =	vadd.s32 $0xFFFFFFF1, v8;
	v7 =	vor.u32 $0x5, v5;
	v10 =	vld.idx.msk [tilespmem:v12+s2+$0x0], $0xffff  }
0x1b4: {  	[tilespmem:v2+s28+$0x0] =	vst.idx.msk $0xffff, v3;
	v3 =	vadd.s32 $0xFFFFFFF6, v4  }
0x1b5: {  	v12 =	vor.u32 $0x1, v2;
	v6 =	vld.idx.msk [tilespmem:v6+s2+$0x0], $0xffff;
	[tilespmem:v13+s28+$0x0] =	vst.idx.msk $0xffff, v11  }
0x1b6: {  	v11 =	vadd.s32 $0xFFFFFFF2, v1;
	v13 =	vor.u32 $0x6, v18;
	v9 =	vld.idx.msk [tilespmem:v9+s2+$0x0], $0xffff  }
0x1b7: {  	v17 =	vadd.s32 $0xFFFFFFF7, v16;
	[tilespmem:v15+s28+$0x0] =	vst.idx.msk $0xffff, v0  }
0x1b8: {  	[tilespmem:v7+s28+$0x0] =	vst.idx.msk $0xffff, v10;
	v0 =	vor.u32 $0x1, v15;
	v14 =	vld.idx.msk [tilespmem:v14+s2+$0x0], $0xffff  }
0x1b9: {  	v19 =	vadd.s32 $0xFFFFFFF2, v8;
	v7 =	vor.u32 $0x6, v5;
	v3 =	vld.idx.msk [tilespmem:v3+s2+$0x0], $0xffff  }
0x1ba: {  	[tilespmem:v12+s28+$0x0] =	vst.idx.msk $0xffff, v6;
	v6 =	vadd.s32 $0xFFFFFFF7, v4  }
0x1bb: {  	v10 =	vld.idx.msk [tilespmem:v11+s2+$0x0], $0xffff;
	v11 =	vor.u32 $0x2, v2;
	[tilespmem:v13+s28+$0x0] =	vst.idx.msk $0xffff, v9  }
0x1bc: {  	v9 =	vadd.s32 $0xFFFFFFF3, v1;
	v13 =	vor.u32 $0x7, v18;
	v12 =	vld.idx.msk [tilespmem:v17+s2+$0x0], $0xffff  }
0x1bd: {  	[tilespmem:v0+s28+$0x0] =	vst.idx.msk $0xffff, v14;
	v0 =	vadd.s32 $0xFFFFFFF8, v16  }
0x1be: {  	v20 =	vor.u32 $0x2, v15;
	v14 =	vld.idx.msk [tilespmem:v19+s2+$0x0], $0xffff;
	[tilespmem:v7+s28+$0x0] =	vst.idx.msk $0xffff, v3  }
0x1bf: {  	v23 =	vadd.s32 $0xFFFFFFF3, v8;
	v17 =	vor.u32 $0x7, v5;
	v6 =	vld.idx.msk [tilespmem:v6+s2+$0x0], $0xffff  }
0x1c0: {  	v7 =	vadd.s32 $0xFFFFFFF8, v4;
	[tilespmem:v11+s28+$0x0] =	vst.idx.msk $0xffff, v10  }
0x1c1: {  	v9 =	vld.idx.msk [tilespmem:v9+s2+$0x0], $0xffff;
	[tilespmem:v13+s28+$0x0] =	vst.idx.msk $0xffff, v12;
	v12 =	vor.u32 $0x3, v2  }
0x1c2: {  	s22 =	simm.s32 $0x2050;
	v28 =	vor.u32 $0x8, v18;
	v27 =	vadd.s32 $0xFFFFFFF4, v1;
	v0 =	vld.idx.msk [tilespmem:v0+s2+$0x0], $0xffff  }
0x1c3: {  	v3 =	vld [tilespmem:s22+$0x0];
	[tilespmem:v20+s28+$0x0] =	vst.idx.msk $0xffff, v14;
	v14 =	vadd.s32 $0xFFFFFFF9, v16  }
0x1c4: {  	v29 =	vor.u32 $0x3, v15;
	v23 =	vld.idx.msk [tilespmem:v23+s2+$0x0], $0xffff;
	[tilespmem:v17+s28+$0x0] =	vst.idx.msk $0xffff, v6  }
0x1c5: {  	v22 =	vor.u32 $0x8, v5;
	v7 =	vld.idx.msk [tilespmem:v7+s2+$0x0], $0xffff  }
0x1c6: {  	v13 =	vld [tilespmem:s22+$0xFFFFFFF0];
	v6 =	vadd.s32 $0xFFFFFFF4, v8;
	[tilespmem:v12+s28+$0x0] =	vst.idx.msk $0xffff, v9  }
0x1c7: {  	v10 =	vadd.s32 $0xFFFFFFF9, v4;
	v9 =	vld.idx.msk [tilespmem:v27+s2+$0x0], $0xffff;
	[tilespmem:v28+s28+$0x0] =	vst.idx.msk $0xffff, v0;
	v28 =	vadd.s32 $0xFFFFFFFE, v4  }
0x1c8: {  	v24 =	vadd.s32 $0xFFFFFFFA, v4;
	v12 =	vor.u32 $0x4, v2;
	v14 =	vld.idx.msk [tilespmem:v14+s2+$0x0], $0xffff;
	[tilespmem:$0x1FFC0] =	vst v28  }
0x1c9: {  	v26 =	vadd.s32 $0xFFFFFFFB, v4;
	v35 =	vadd.s32 $0xFFFFFFFD, v4;
	vm12 =	vgt.s32 v3, $0x1;
	[tilespmem:v29+s28+$0x0] =	vst.idx.msk $0xffff, v23  }
0x1ca: {  	v19 =	vadd.s32 $0xFFFFFFFC, v4;
	v3 =	vnsel vm12, $0x1, v3;
	v28 =	vor.u32 $0xE, v5;
	[tilespmem:v22+s28+$0x0] =	vst.idx.msk $0xffff, v7  }
0x1cb: {  	v17 =	vadd.s32 $0xFFFFFFF5, v1;
	v27 =	vor.u32 $0x9, v18;
	v4 =	vadd.s32 $0xFFFFFFFF, v4;
	v6 =	vld.idx.msk [tilespmem:v6+s2+$0x0], $0xffff;
	[tilespmem:$0x1FED0] =	vst v28  }
0x1cc: {  	v3 =	vmin.u32 v3, $0x200;
	vm13 =	vgt.s32 v13, $0x1;
	v10 =	vld.idx.msk [tilespmem:v10+s2+$0x0], $0xffff;
	[tilespmem:$0x1FEE0] =	vst v4  }
0x1cd: {  	v3 =	vshll.u32 v3, $0x4;
	v13 =	vnsel vm13, $0x1, v13;
	v23 =	vadd.s32 $0xFFFFFFFA, v16;
	[tilespmem:v12+s28+$0x0] =	vst.idx.msk $0xffff, v9  }
0x1ce: {  	v0 =	vadd.s32 $0xFFFFFFF0, v3;
	v13 =	vmin.u32 v13, $0x200;
	v4 =	vld [tilespmem:$0x1FFF0]  }
0x1cf: {  	v37 =	vshll.u32 v13, $0x4;
	v13 =	vor.u32 $0x4, v15  }
0x1d0: {  	v25 =	vor.u32 $0xA, v5;
	v21 =	vor.u32 $0xB, v5;
	s1 =	simm.s32 $0x50;
	v28 =	vadd.s32 $0xFFFFFFF5, v8;
	v9 =	vld.idx.msk [tilespmem:v17+s2+$0x0], $0xffff;
	[tilespmem:v27+s28+$0x0] =	vst.idx.msk $0xffff, v14  }
0x1d1: {  	v11 =	vor.u32 $0x9, v5;
	v22 =	vmov s1;
	v7 =	vadd.s32 $0xFFFFFFF0, v37;
	v29 =	vld [tilespmem:$0x1FFF0]  }
0x1d2: {  	v36 =	vor.u32 $0xD, v5;
	v22 =	vshll.u32 v22, $0x4;
	v17 =	vld.idx.msk [tilespmem:v23+s2+$0x0], $0xffff;
	v23 =	vor.u32 $0xA, v18  }
0x1d3: {  	v51 =	vor.u32 $0xF, v5;
	s5 =	simm.s32 $0x40;
	v20 =	vor.u32 $0xC, v5;
	v0 =	vld.idx.msk [tilespmem:v0+s2+$0x0], $0xffff;
	v5 =	vor.u32 v4, v22  }
0x1d4: {  	v14 =	vor.u32 $0x5, v2;
	[tilespmem:v13+s28+$0x0] =	vst.idx.msk $0xffff, v6;
	v6 =	vadd.s32 $0xFFFFFFFB, v16;
	v4 =	vmov s5  }
0x1d5: {  	v27 =	vor.u32 $0x5, v15;
	v28 =	vld.idx.msk [tilespmem:v28+s2+$0x0], $0xffff;
	v22 =	vadd.s32 $0xFFFFFFF6, v1;
	v4 =	vshll.u32 v4, $0x4  }
0x1d6: {  	v12 =	vadd.s32 $0xFFFFFFF1, v3;
	[tilespmem:v11+s28+$0x0] =	vst.idx.msk $0xffff, v10;
	v39 =	vor.u32 v29, v4;
	v4 =	vld.idx.msk [tilespmem:v7+s2+$0x0], $0xffff  }
0x1d7: {  	[tilespmem:v23+s28+$0x0] =	vst.idx.msk $0xffff, v17;
	v29 =	vadd.s32 $0xFFFFFFF1, v37  }
0x1d8: {  	[tilespmem:v5+s28+$0x0] =	vst.idx.msk $0xffff, v0;
	v0 =	vld.idx.msk [tilespmem:v24+s2+$0x0], $0xffff  }
0x1d9: {  	[tilespmem:v14+s28+$0x0] =	vst.idx.msk $0xffff, v9;
	v7 =	vadd.s32 $0xFFFFFFF6, v8;
	v6 =	vld.idx.msk [tilespmem:v6+s2+$0x0], $0xffff  }
0x1da: {  	[tilespmem:v27+s28+$0x0] =	vst.idx.msk $0xffff, v28;
	v14 =	vld.idx.msk [tilespmem:v22+s2+$0x0], $0xffff  }
0x1db: {  	v28 =	vor.u32 $0xB, v15;
	v12 =	vld.idx.msk [tilespmem:v12+s2+$0x0], $0xffff;
	[tilespmem:v39+s28+$0x0] =	vst.idx.msk $0xffff, v4  }
0x1dc: {  	v9 =	vor.u32 $0x1, v5;
	v29 =	vld.idx.msk [tilespmem:v29+s2+$0x0], $0xffff;
	[tilespmem:$0x1FFD0] =	vst v28  }
0x1dd: {  	[tilespmem:v25+s28+$0x0] =	vst.idx.msk $0xffff, v0;
	v0 =	vadd.s32 $0xFFFFFFFC, v8  }
0x1de: {  	v22 =	vor.u32 $0x6, v2;
	v7 =	vld.idx.msk [tilespmem:v7+s2+$0x0], $0xffff;
	[tilespmem:$0x1FEF0] =	vst v0;
	v0 =	vor.u32 $0xC, v15  }
0x1df: {  	v17 =	vadd.s32 $0xFFFFFFF2, v3;
	[tilespmem:$0x1FF00] =	vst v0;
	v0 =	vadd.s32 $0xFFFFFFFD, v8  }
0x1e0: {  	v34 =	vadd.s32 $0xFFFFFFF8, v8;
	v44 =	vadd.s32 $0xFFFFFFF9, v8;
	v23 =	vor.u32 $0xB, v18;
	[tilespmem:$0x1FF10] =	vst v0  }
0x1e1: {  	v42 =	vadd.s32 $0xFFFFFFFA, v8;
	v4 =	vadd.s32 $0xFFFFFFF7, v1;
	[tilespmem:v9+s28+$0x0] =	vst.idx.msk $0xffff, v12;
	v9 =	vor.u32 $0xD, v15  }
0x1e2: {  	v38 =	vadd.s32 $0xFFFFFFFB, v8;
	v27 =	vadd.s32 $0xFFFFFFFC, v16;
	v24 =	vor.u32 $0x1, v39;
	v0 =	vld.idx.msk [tilespmem:v26+s2+$0x0], $0xffff;
	[tilespmem:$0x1FF20] =	vst v9  }
0x1e3: {  	v30 =	vadd.s32 $0xFFFFFFFE, v8;
	v13 =	vor.u32 $0x6, v15;
	[tilespmem:v22+s28+$0x0] =	vst.idx.msk $0xffff, v14;
	v14 =	vor.u32 $0xE, v15  }
0x1e4: {  	v43 =	vor.u32 $0x8, v15;
	v28 =	vadd.s32 $0xFFFFFFF2, v37;
	v12 =	vor.u32 $0x2, v5;
	v9 =	vld.idx.msk [tilespmem:v17+s2+$0x0], $0xffff;
	[tilespmem:$0x1FF30] =	vst v14  }
0x1e5: {  	v40 =	vor.u32 $0x9, v15;
	v10 =	vadd.s32 $0xFFFFFFF7, v8;
	v8 =	vadd.s32 $0xFFFFFFFF, v8;
	[tilespmem:v23+s28+$0x0] =	vst.idx.msk $0xffff, v6  }
0x1e6: {  	v41 =	vor.u32 $0xA, v15;
	v14 =	vor.u32 $0x7, v2;
	v4 =	vld.idx.msk [tilespmem:v4+s2+$0x0], $0xffff;
	v6 =	vadd.s32 $0xFFFFFFF3, v3;
	[tilespmem:$0x1FF40] =	vst v8  }
0x1e7: {  	s6 =	simm.s32 $0x2070;
	v11 =	vor.u32 $0x7, v15;
	v26 =	vor.u32 $0xF, v15;
	v15 =	vadd.s32 $0xFFFFFFF8, v1;
	v8 =	vld.idx.msk [tilespmem:v27+s2+$0x0], $0xffff;
	[tilespmem:v24+s28+$0x0] =	vst.idx.msk $0xffff, v29  }
0x1e8: {  	v24 =	vor.u32 $0xC, v18;
	[tilespmem:v13+s28+$0x0] =	vst.idx.msk $0xffff, v7;
	v13 =	vld [tilespmem:s6+$0x0]  }
0x1e9: {  	v23 =	vor.u32 $0x2, v39;
	v25 =	vld.idx.msk [tilespmem:v28+s2+$0x0], $0xffff;
	[tilespmem:v12+s28+$0x0] =	vst.idx.msk $0xffff, v9;
	v9 =	vadd.s32 $0xFFFFFFF7, v37  }
0x1ea: {  	v7 =	vadd.s32 $0xFFFFFFFD, v16;
	v10 =	vld.idx.msk [tilespmem:v10+s2+$0x0], $0xffff;
	[tilespmem:$0x1FFE0] =	vst v9  }
0x1eb: {  	v9 =	vor.u32 $0x8, v39;
	v6 =	vld.idx.msk [tilespmem:v6+s2+$0x0], $0xffff;
	[tilespmem:v14+s28+$0x0] =	vst.idx.msk $0xffff, v4  }
0x1ec: {  	v22 =	vadd.s32 $0xFFFFFFF3, v37;
	v12 =	vld.idx.msk [tilespmem:v15+s2+$0x0], $0xffff;
	[tilespmem:$0x1FF50] =	vst v9  }
0x1ed: {  	[tilespmem:v24+s28+$0x0] =	vst.idx.msk $0xffff, v8  }
0x1ee: {  	v9 =	vadd.s32 $0xFFFFFFF9, v37;
	v24 =	vld [tilespmem:s6+$0xFFFFFFF0];
	[tilespmem:v23+s28+$0x0] =	vst.idx.msk $0xffff, v25  }
0x1ef: {  	v4 =	vor.u32 $0x3, v5;
	v7 =	vld.idx.msk [tilespmem:v7+s2+$0x0], $0xffff;
	[tilespmem:$0x1FF60] =	vst v9  }
0x1f0: {  	v9 =	vor.u32 $0x9, v39;
	[tilespmem:v11+s28+$0x0] =	vst.idx.msk $0xffff, v10  }
0x1f1: {  	v14 =	vor.u32 $0x8, v2;
	v8 =	vadd.s32 $0xFFFFFFF4, v3;
	v22 =	vld.idx.msk [tilespmem:v22+s2+$0x0], $0xffff;
	[tilespmem:$0x1FF70] =	vst v9;
	v9 =	vadd.s32 $0xFFFFFFFA, v37  }
0x1f2: {  	v49 =	vor.u32 $0xD, v18;
	[tilespmem:$0x1FF80] =	vst v9  }
0x1f3: {  	vm14 =	vgt.s32 v13, $0x1;
	v23 =	vadd.s32 $0xFFFFFFF9, v1;
	[tilespmem:v21+s28+$0x0] =	vst.idx.msk $0xffff, v0;
	v0 =	vld.idx.msk [tilespmem:v34+s2+$0x0], $0xffff  }
0x1f4: {  	v29 =	vor.u32 $0x3, v39;
	v10 =	vadd.s32 $0xFFFFFFFE, v16;
	v11 =	vnsel vm14, $0x1, v13;
	[tilespmem:v4+s28+$0x0] =	vst.idx.msk $0xffff, v6;
	v4 =	vld.idx.msk [tilespmem:v19+s2+$0x0], $0xffff  }
0x1f5: {  	v45 =	vadd.s32 $0xFFFFFFF4, v37;
	v11 =	vmin.u32 v11, $0x200;
	v19 =	vld [tilespmem:$0x1FFF0]  }
0x1f6: {  	v15 =	vshll.u32 v11, $0x4;
	vm15 =	vgt.s32 v24, $0x1;
	v11 =	vor.u32 $0x4, v5;
	v6 =	vld.idx.msk [tilespmem:v8+s2+$0x0], $0xffff;
	[tilespmem:v14+s28+$0x0] =	vst.idx.msk $0xffff, v12  }
0x1f7: {  	v50 =	vor.u32 $0xE, v18;
	v8 =	vadd.s32 $0xFFFFFFF0, v15;
	[tilespmem:v49+s28+$0x0] =	vst.idx.msk $0xffff, v7;
	v7 =	vnsel vm15, $0x1, v24  }
0x1f8: {  	v13 =	vadd.s32 $0xFFFFFFF5, v3;
	v14 =	vor.u32 $0x9, v2;
	v12 =	vld.idx.msk [tilespmem:v23+s2+$0x0], $0xffff;
	v7 =	vmin.u32 v7, $0x200  }
0x1f9: {  	s30 =	simm.s32 $0x70;
	v58 =	vadd.s32 $0xFFFFFFFA, v1;
	v46 =	vor.u32 $0x4, v39;
	v10 =	vld.idx.msk [tilespmem:v10+s2+$0x0], $0xffff;
	[tilespmem:v29+s28+$0x0] =	vst.idx.msk $0xffff, v22;
	v7 =	vshll.u32 v7, $0x4  }
0x1fa: {  	v45 =	vld.idx.msk [tilespmem:v45+s2+$0x0], $0xffff;
	v59 =	vadd.s32 $0xFFFFFFF0, v7;
	[tilespmem:v43+s28+$0x0] =	vst.idx.msk $0xffff, v0;
	v0 =	vadd.s32 $0xFFFFFFFF, v16;
	v16 =	vmov s30  }
0x1fb: {  	v47 =	vadd.s32 $0xFFFFFFF5, v37;
	v44 =	vld.idx.msk [tilespmem:v44+s2+$0x0], $0xffff;
	v16 =	vshll.u32 v16, $0x4;
	[tilespmem:v11+s28+$0x0] =	vst.idx.msk $0xffff, v6  }
0x1fc: {  	s22 =	simm.s32 $0x60;
	v8 =	vld.idx.msk [tilespmem:v8+s2+$0x0], $0xffff;
	[tilespmem:v20+s28+$0x0] =	vst.idx.msk $0xffff, v4;
	v16 =	vor.u32 v19, v16  }
0x1fd: {  	v4 =	vmov s22;
	v6 =	vld.idx.msk [tilespmem:v13+s2+$0x0], $0xffff;
	[tilespmem:v14+s28+$0x0] =	vst.idx.msk $0xffff, v12;
	v12 =	vor.u32 $0x5, v5  }
0x1fe: {  	v11 =	vadd.s32 $0xFFFFFFF1, v15;
	[tilespmem:v50+s28+$0x0] =	vst.idx.msk $0xffff, v10;
	v14 =	vor.u32 $0xA, v2;
	v4 =	vshll.u32 v4, $0x4;
	v13 =	vld.idx.msk [tilespmem:v58+s2+$0x0], $0xffff  }
0x1ff: {  	v10 =	vadd.s32 $0xFFFFFFF6, v3;
	[tilespmem:v46+s28+$0x0] =	vst.idx.msk $0xffff, v45;
	v4 =	vor.u32 v19, v4;
	v49 =	vld.idx.msk [tilespmem:v59+s2+$0x0], $0xffff  }
0x200: {  	v48 =	vor.u32 $0x5, v39;
	v62 =	vld.idx.msk [tilespmem:v47+s2+$0x0], $0xffff;
	[tilespmem:v40+s28+$0x0] =	vst.idx.msk $0xffff, v44  }
0x201: {  	v61 =	vor.u32 $0xF, v18;
	v60 =	vadd.s32 $0xFFFFFFFB, v1;
	v0 =	vld.idx.msk [tilespmem:v0+s2+$0x0], $0xffff;
	[tilespmem:v16+s28+$0x0] =	vst.idx.msk $0xffff, v8  }
0x202: {  	v63 =	vadd.s32 $0xFFFFFFF1, v7;
	v8 =	vld.idx.msk [tilespmem:v42+s2+$0x0], $0xffff;
	[tilespmem:v12+s28+$0x0] =	vst.idx.msk $0xffff, v6  }
0x203: {  	v11 =	vld.idx.msk [tilespmem:v11+s2+$0x0], $0xffff;
	[tilespmem:v14+s28+$0x0] =	vst.idx.msk $0xffff, v13  }
0x204: {  	v52 =	vadd.s32 $0xFFFFFFF6, v37;
	v10 =	vld.idx.msk [tilespmem:v10+s2+$0x0], $0xffff;
	[tilespmem:v4+s28+$0x0] =	vst.idx.msk $0xffff, v49  }
0x205: {  	v33 =	vor.u32 $0x7, v39;
	v17 =	vor.u32 $0x6, v39;
	v6 =	vor.u32 $0x1, v16;
	v14 =	vld.idx.msk [tilespmem:v35+s2+$0x0], $0xffff;
	[tilespmem:v48+s28+$0x0] =	vst.idx.msk $0xffff, v62  }
0x206: {  	v45 =	vor.u32 $0xB, v2;
	v12 =	vor.u32 $0x6, v5;
	v35 =	vmovc v2;
	v2 =	vadd.s32 $0xFFFFFFFB, v7;
	v13 =	vld.idx.msk [tilespmem:v60+s2+$0x0], $0xffff;
	[tilespmem:v61+s28+$0x0] =	vst.idx.msk $0xffff, v0  }
0x207: {  	v27 =	vor.u32 $0xB, v39;
	v18 =	vor.u32 $0xF, v39;
	v28 =	vor.u32 $0xA, v39;
	v59 =	vld.idx.msk [tilespmem:v63+s2+$0x0], $0xffff;
	[tilespmem:$0x1FF90] =	vst v2  }
0x208: {  	v25 =	vor.u32 $0xC, v39;
	v0 =	vadd.s32 $0xFFFFFFF2, v15;
	v2 =	vadd.s32 $0xFFFFFFFD, v7;
	[tilespmem:v41+s28+$0x0] =	vst.idx.msk $0xffff, v8  }
0x209: {  	v21 =	vor.u32 $0xE, v39;
	v55 =	vor.u32 $0x1, v4;
	v44 =	vadd.s32 $0xFFFFFFF7, v3;
	v8 =	vld.idx.msk [tilespmem:v52+s2+$0x0], $0xffff;
	[tilespmem:$0x1FFA0] =	vst v2  }
0x20a: {  	v22 =	vor.u32 $0xD, v39;
	v9 =	vadd.s32 $0xFFFFFFF2, v7;
	v61 =	vadd.s32 $0xFFFFFFFC, v1;
	[tilespmem:v6+s28+$0x0] =	vst.idx.msk $0xffff, v11  }
0x20b: {  	v53 =	vadd.s32 $0xFFFFFFF3, v7;
	v57 =	vadd.s32 $0xFFFFFFF8, v7;
	v39 =	vadd.s32 $0xFFFFFFFA, v7;
	[tilespmem:v12+s28+$0x0] =	vst.idx.msk $0xffff, v10  }
0x20c: {  	v54 =	vadd.s32 $0xFFFFFFFC, v7;
	v56 =	vadd.s32 $0xFFFFFFFF, v7;
	v43 =	vadd.s32 $0xFFFFFFF5, v7;
	v6 =	vld.idx.msk [tilespmem:v38+s2+$0x0], $0xffff;
	[tilespmem:v45+s28+$0x0] =	vst.idx.msk $0xffff, v13  }
0x20d: {  	v50 =	vadd.s32 $0xFFFFFFF4, v7;
	v58 =	vadd.s32 $0xFFFFFFFE, v7;
	v47 =	vadd.s32 $0xFFFFFFF9, v7;
	[tilespmem:v36+s28+$0x0] =	vst.idx.msk $0xffff, v14;
	v10 =	vld.idx.msk [tilespmem:v0+s2+$0x0], $0xffff  }
0x20e: {  	v40 =	vadd.s32 $0xFFFFFFF7, v7;
	v42 =	vadd.s32 $0xFFFFFFF6, v7;
	v7 =	vld.idx.msk [tilespmem:v44+s2+$0x0], $0xffff;
	[tilespmem:v55+s28+$0x0] =	vst.idx.msk $0xffff, v59;
	v0 =	vor.u32 $0xD, v4  }
0x20f: {  	v61 =	vld.idx.msk [tilespmem:v61+s2+$0x0], $0xffff;
	[tilespmem:$0x1FFB0] =	vst v0  }
0x210: {  	v0 =	vld [tilespmem:$0x1FFC0];
	[tilespmem:v17+s28+$0x0] =	vst.idx.msk $0xffff, v8  }
0x211: {  	v2 =	vld [tilespmem:$0x1FFD0];
	_ =	sdelay $0x7  }
0x212: {  	[tilespmem:v2+s28+$0x0] =	vst.idx.msk $0xffff, v6  }
0x213: {  	v32 =	vadd.s32 $0xFFFFFFF8, v37;
	v2 =	vld [tilespmem:$0x1FFE0]  }
0x214: {  	v31 =	vadd.s32 $0xFFFFFFFB, v37;
	v34 =	vadd.s32 $0xFFFFFFFD, v37;
	v24 =	vadd.s32 $0xFFFFFFFC, v37  }
0x215: {  	v23 =	vadd.s32 $0xFFFFFFFE, v37;
	v20 =	vadd.s32 $0xFFFFFFFF, v37;
	v46 =	vor.u32 $0x6, v4  }
0x216: {  	v60 =	vor.u32 $0x3, v4;
	v49 =	vor.u32 $0x4, v4;
	v48 =	vor.u32 $0x5, v4  }
0x217: {  	v62 =	vor.u32 $0x7, v4;
	v63 =	vor.u32 $0x2, v4;
	v52 =	vor.u32 $0x8, v4  }
0x218: {  	v41 =	vor.u32 $0xA, v4;
	v38 =	vor.u32 $0xB, v4;
	v45 =	vor.u32 $0xC, v4  }
0x219: {  	v14 =	vor.u32 $0x2, v16;
	v13 =	vadd.s32 $0xFFFFFFF3, v15;
	v11 =	vadd.s32 $0xFFFFFFF8, v3;
	v12 =	vld.idx.msk [tilespmem:v9+s2+$0x0], $0xffff  }
0x21a: {  	v44 =	vor.u32 $0x9, v4;
	v55 =	vor.u32 $0xE, v4;
	v59 =	vor.u32 $0xF, v4;
	v0 =	vld.idx.msk [tilespmem:v0+s2+$0x0], $0xffff  }
0x21b: {  	s31 =	simm.s32 $0x6;
	s1 =	simm.s32 $0x2090;
	v4 =	vor.u32 $0xC, v35;
	v8 =	vor.u32 $0x7, v5;
	v6 =	vadd.s32 $0xFFFFFFFD, v1;
	v9 =	vld.idx.msk [tilespmem:v2+s2+$0x0], $0xffff  }
.LBB2_33:
0x21c: {  	_ = 	snop  }
0x21d: {  	v2 =	vmov v58  }
0x21e: {  	v17 =	vld [tilespmem:s1+$0x0]  }
0x21f: {  	[tilespmem:v14+s28+$0x0] =	vst.idx.msk $0xffff, v10;
	v14 =	vld [tilespmem:$0x1FED0]  }
0x220: {  	[tilespmem:$0x1FEC0] =	vst v2;
	v2 =	vmov v56;
	_ =	sdelay $0x2  }
0x221: {  	[tilespmem:$0x1FEB0] =	vst v2;
	v2 =	vmov v26;
	_ =	sdelay $0x1  }
0x222: {  	v13 =	vld.idx.msk [tilespmem:v13+s2+$0x0], $0xffff;
	[tilespmem:v8+s28+$0x0] =	vst.idx.msk $0xffff, v7;
	v7 =	vor.u32 $0x3, v16  }
0x223: {  	[tilespmem:$0x1FE50] =	vst v2;
	v2 =	vmov v18  }
0x224: {  	[tilespmem:v14+s28+$0x0] =	vst.idx.msk $0xffff, v0;
	v14 =	vld [tilespmem:$0x1FF30]  }
0x225: {  	v8 =	vld.idx.msk [tilespmem:v11+s2+$0x0], $0xffff;
	[tilespmem:v4+s28+$0x0] =	vst.idx.msk $0xffff, v61  }
0x226: {  	[tilespmem:$0x1FE90] =	vst v2;
	v2 =	vmov v59  }
0x227: {  	v6 =	vld.idx.msk [tilespmem:v6+s2+$0x0], $0xffff;
	[tilespmem:v7+s28+$0x0] =	vst.idx.msk $0xffff, v13;
	v0 =	vmov v21  }
0x228: {  	v7 =	vld [tilespmem:$0x1FEF0];
	[tilespmem:$0x1FF30] =	vst v0  }
0x229: {  	v4 =	vadd.s32 $0xFFFFFFF4, v15;
	[tilespmem:$0x1FE80] =	vst v2;
	v2 =	vmov v14  }
0x22a: {  	v0 =	vld [tilespmem:s1+$0xFFFFFFF0];
	[tilespmem:v63+s28+$0x0] =	vst.idx.msk $0xffff, v12;
	v18 =	vmov v62  }
0x22b: {  	v11 =	vor.u32 $0x8, v5;
	[tilespmem:$0x1FEA0] =	vst v18;
	v18 =	vld [tilespmem:$0x1FEE0]  }
0x22c: {  	v12 =	vadd.s32 $0xFFFFFFF9, v3;
	v53 =	vld.idx.msk [tilespmem:v53+s2+$0x0], $0xffff;
	[tilespmem:$0x1FED0] =	vst v2;
	v2 =	vmov v57  }
0x22d: {  	[tilespmem:$0x1FE70] =	vst v2;
	v2 =	vld [tilespmem:$0x1FF50]  }
0x22e: {  	v4 =	vld.idx.msk [tilespmem:v4+s2+$0x0], $0xffff;
	[tilespmem:v33+s28+$0x0] =	vst.idx.msk $0xffff, v9  }
0x22f: {  	v37 =	vld.idx.msk [tilespmem:v32+s2+$0x0], $0xffff;
	v14 =	vor.u32 $0xD, v35  }
0x230: {  	vm0 =	vgt.s32 v17, $0x1;
	[tilespmem:v11+s28+$0x0] =	vst.idx.msk $0xffff, v8;
	v7 =	vld.idx.msk [tilespmem:v7+s2+$0x0], $0xffff  }
0x231: {  	v17 =	vnsel vm0, $0x1, v17;
	v12 =	vld.idx.msk [tilespmem:v12+s2+$0x0], $0xffff;
	[tilespmem:v60+s28+$0x0] =	vst.idx.msk $0xffff, v53  }
0x232: {  	v13 =	vmov v24;
	v17 =	vmin.u32 v17, $0x200;
	v50 =	vld.idx.msk [tilespmem:v50+s2+$0x0], $0xffff  }
0x233: {  	[tilespmem:$0x1FEF0] =	vst v13;
	v13 =	vshll.u32 v17, $0x4;
	v17 =	vadd.s32 $0xFFFFFFFA, v3;
	v62 =	vld.idx.msk [tilespmem:v18+s2+$0x0], $0xffff  }
0x234: {  	v63 =	vadd.s32 $0xFFFFFFFF, v1;
	v9 =	vadd.s32 $0xFFFFFFFE, v1;
	v1 =	vmovc v3;
	v3 =	vmovc v15;
	[tilespmem:v14+s28+$0x0] =	vst.idx.msk $0xffff, v6;
	v6 =	vadd.s32 $0xFFFFFFF5, v15;
	v15 =	vld [tilespmem:$0x1FF00]  }
0x235: {  	[tilespmem:v2+s28+$0x0] =	vst.idx.msk $0xffff, v37;
	v2 =	vld [tilespmem:$0x1FF60];
	_ =	sdelay $0x1  }
0x236: {  	v11 =	vor.u32 $0x4, v16;
	v8 =	vadd.s32 $0xFFFFFFF0, v13;
	_ =	sdelay $0x2  }
0x237: {  	v14 =	vor.u32 $0x9, v5  }
0x238: {  	s30 =	sadd.s32 $0x20, s30;
	v9 =	vld.idx.msk [tilespmem:v9+s2+$0x0], $0xffff  }
0x239: {  	s0 =	sadd.s32 $0xFFFFFFF0, s30;
	v61 =	vor.u32 $0xE, v35;
	v33 =	vmov s30;
	v8 =	vld.idx.msk [tilespmem:v8+s2+$0x0], $0xffff;
	[tilespmem:v11+s28+$0x0] =	vst.idx.msk $0xffff, v4  }
0x23a: {  	v4 =	vmovc v25;
	v57 =	vld.idx.msk [tilespmem:v2+s2+$0x0], $0xffff;
	[tilespmem:v15+s28+$0x0] =	vst.idx.msk $0xffff, v7;
	v15 =	vmov v13;
	v7 =	vmov s0;
	v13 =	vshll.u32 v33, $0x4  }
0x23b: {  	vm15 =	vgt.s32 v0, $0x1;
	[tilespmem:$0x1FF00] =	vst v4;
	v4 =	vshll.u32 v7, $0x4;
	v7 =	vor.u32 v19, v13  }
0x23c: {  	v0 =	vnsel vm15, $0x1, v0;
	v6 =	vld.idx.msk [tilespmem:v6+s2+$0x0], $0xffff;
	[tilespmem:v14+s28+$0x0] =	vst.idx.msk $0xffff, v12  }
0x23d: {  	v0 =	vmin.u32 v0, $0x200;
	v13 =	vld.idx.msk [tilespmem:v17+s2+$0x0], $0xffff  }
0x23e: {  	v10 =	vmovc v51;
	v0 =	vshll.u32 v0, $0x4;
	v37 =	vor.u32 $0xF, v35;
	v35 =	vmovc v5;
	[tilespmem:v61+s28+$0x0] =	vst.idx.msk $0xffff, v9;
	v17 =	vor.u32 $0xA, v5;
	v5 =	vld [tilespmem:$0x1FF70]  }
0x23f: {  	v32 =	vadd.s32 $0xFFFFFFF0, v0;
	v51 =	vld.idx.msk [tilespmem:v63+s2+$0x0], $0xffff  }
0x240: {  	[tilespmem:v7+s28+$0x0] =	vst.idx.msk $0xffff, v8;
	v8 =	vld [tilespmem:$0x1FF80];
	_ =	sdelay $0x2  }
0x241: {  	[tilespmem:v10+s28+$0x0] =	vst.idx.msk $0xffff, v62  }
0x242: {  	v4 =	vor.u32 v19, v4;
	v10 =	vld.idx.msk [tilespmem:v32+s2+$0x0], $0xffff  }
0x243: {  	v58 =	vmov v20;
	v20 =	vld [tilespmem:$0x1FF40]  }
0x244: {  	[tilespmem:v49+s28+$0x0] =	vst.idx.msk $0xffff, v50  }
0x245: {  	v29 =	vmov v31;
	v31 =	vmov v55;
	v55 =	vld.idx.msk [tilespmem:v43+s2+$0x0], $0xffff;
	[tilespmem:v5+s28+$0x0] =	vst.idx.msk $0xffff, v57  }
0x246: {  	v12 =	vor.u32 $0x5, v16;
	v11 =	vadd.s32 $0xFFFFFFF1, v15;
	v8 =	vld.idx.msk [tilespmem:v8+s2+$0x0], $0xffff  }
0x247: {  	v14 =	vadd.s32 $0xFFFFFFF6, v3;
	[tilespmem:v4+s28+$0x0] =	vst.idx.msk $0xffff, v10;
	v10 =	vld [tilespmem:$0x1FF10]  }
0x248: {  	[tilespmem:$0x1FE60] =	vst v30;
	v36 =	vadd.s32 $0xFFFFFFFB, v1;
	v18 =	vmov v20  }
0x249: {  	v59 =	vadd.s32 $0xFFFFFFF1, v0;
	[tilespmem:$0x1FEE0] =	vst v18;
	v2 =	vmov v52  }
0x24a: {  	v30 =	vmovc v54;
	v53 =	vadd.s32 $0xFFFFFFF3, v0;
	v20 =	vadd.s32 $0xFFFFFFF7, v0;
	v24 =	vadd.s32 $0xFFFFFFFB, v0;
	[tilespmem:$0x1FF50] =	vst v2  }
0x24b: {  	v54 =	vadd.s32 $0xFFFFFFFC, v0;
	v18 =	vadd.s32 $0xFFFFFFF2, v0;
	v5 =	vmovc v16;
	v16 =	vmov v7;
	v7 =	vld.idx.msk [tilespmem:v11+s2+$0x0], $0xffff;
	[tilespmem:v12+s28+$0x0] =	vst.idx.msk $0xffff, v6  }
0x24c: {  	v21 =	vor.u32 $0xB, v35;
	v61 =	vadd.s32 $0xFFFFFFF6, v0;
	v50 =	vadd.s32 $0xFFFFFFF4, v0;
	v6 =	vmovc v44;
	v11 =	vld.idx.msk [tilespmem:v14+s2+$0x0], $0xffff;
	[tilespmem:v17+s28+$0x0] =	vst.idx.msk $0xffff, v13  }
0x24d: {  	v33 =	vmovc v23;
	v43 =	vadd.s32 $0xFFFFFFF5, v0;
	v56 =	vor.u32 $0x5, v4;
	v12 =	vmovc v39;
	[tilespmem:$0x1FF70] =	vst v6;
	v6 =	vor.u32 $0x1, v16;
	v17 =	vld.idx.msk [tilespmem:v36+s2+$0x0], $0xffff  }
0x24e: {  	v32 =	vmovc v22;
	v2 =	vmovc v47;
	v47 =	vadd.s32 $0xFFFFFFF9, v0;
	v57 =	vadd.s32 $0xFFFFFFF8, v0;
	v39 =	vadd.s32 $0xFFFFFFFA, v0;
	[tilespmem:$0x1FF80] =	vst v12;
	v23 =	vld.idx.msk [tilespmem:v59+s2+$0x0], $0xffff  }
0x24f: {  	v12 =	vadd.s32 $0xFFFFFFF2, v15;
	v13 =	vor.u32 $0x6, v5;
	v14 =	vmovc v58;
	v58 =	vadd.s32 $0xFFFFFFFE, v0;
	[tilespmem:v37+s28+$0x0] =	vst.idx.msk $0xffff, v51;
	v22 =	vld.idx.msk [tilespmem:v10+s2+$0x0], $0xffff  }
0x250: {  	v51 =	vadd.s32 $0xFFFFFFF7, v3;
	v36 =	vmovc v27;
	v27 =	vadd.s32 $0xFFFFFFFD, v0;
	[tilespmem:v48+s28+$0x0] =	vst.idx.msk $0xffff, v55;
	v48 =	vmovc v56;
	v56 =	vadd.s32 $0xFFFFFFFF, v0;
	v0 =	vld [tilespmem:$0x1FF90];
	_ =	sdelay $0x1  }
0x251: {  	[tilespmem:v6+s28+$0x0] =	vst.idx.msk $0xffff, v7;
	v10 =	vmov v34  }
0x252: {  	[tilespmem:$0x1FF10] =	vst v10  }
0x253: {  	v10 =	vld.idx.msk [tilespmem:v12+s2+$0x0], $0xffff;
	[tilespmem:v13+s28+$0x0] =	vst.idx.msk $0xffff, v11  }
0x254: {  	v7 =	vld.idx.msk [tilespmem:v51+s2+$0x0], $0xffff;
	[tilespmem:v21+s28+$0x0] =	vst.idx.msk $0xffff, v17;
	v21 =	vmov v31;
	v31 =	vmov v0;
	v0 =	vmov v24  }
0x255: {  	[tilespmem:$0x1FF90] =	vst v0;
	v0 =	vld [tilespmem:$0x1FF20];
	_ =	sdelay $0x5  }
0x256: {  	v26 =	vld.idx.msk [tilespmem:v42+s2+$0x0], $0xffff;
	[tilespmem:v28+s28+$0x0] =	vst.idx.msk $0xffff, v8  }
0x257: {  	v29 =	vld.idx.msk [tilespmem:v29+s2+$0x0], $0xffff  }
0x258: {  	v34 =	vadd.s32 $0xFFFFFFFC, v1;
	[tilespmem:v0+s28+$0x0] =	vst.idx.msk $0xffff, v22;
	v0 =	vld [tilespmem:$0x1FFA0];
	_ =	sdelay $0x4  }
0x259: {  	v9 =	vor.u32 $0x1, v4;
	v42 =	vmovc v61;
	v61 =	vld.idx.msk [tilespmem:v34+s2+$0x0], $0xffff;
	v34 =	vmov v0;
	v0 =	vmov v27  }
0x25a: {  	[tilespmem:$0x1FFA0] =	vst v0;
	v0 =	vld [tilespmem:$0x1FE60]  }
0x25b: {  	v6 =	vmov v32;
	v32 =	vld [tilespmem:$0x1FE70]  }
0x25c: {  	v51 =	vld [tilespmem:$0x1FE50]  }
0x25d: {  	v24 =	vmov v30;
	v30 =	vmov v33;
	v33 =	vld [tilespmem:$0x1FEA0];
	[tilespmem:$0x1FF20] =	vst v6  }
0x25e: {  	v25 =	vor.u32 $0xB, v4;
	v6 =	vld [tilespmem:$0x1FFB0];
	[tilespmem:v9+s28+$0x0] =	vst.idx.msk $0xffff, v23  }
0x25f: {  	v12 =	vld.idx.msk [tilespmem:v18+s2+$0x0], $0xffff  }
0x260: {  	s31 =	sadd.s32 $0x2, s31;
	v63 =	vor.u32 $0x2, v4;
	v60 =	vor.u32 $0x3, v4;
	[tilespmem:$0x1FF60] =	vst v2;
	v2 =	vmov v45;
	v18 =	vld [tilespmem:$0x1FE80]  }
0x261: {  	p1 =	slt.u32 s31, $0xC2;
	v49 =	vor.u32 $0x4, v4;
	v19 =	vor.u32 $0x6, v4;
	v27 =	vmovc v38;
	v38 =	vmovc v25;
	v25 =	vmov v2;
	v2 =	vld [tilespmem:$0x1FEC0]  }
.Ltmp16:
0x262: {  	v62 =	vor.u32 $0x7, v4;
	v52 =	vor.u32 $0x8, v4;
	v45 =	vor.u32 $0xC, v4;
	[tilespmem:$0x1FF40] =	vst v14;
	v0 =	vld.idx.msk [tilespmem:v0+s2+$0x0], $0xffff;
	(pc) =	sbr.rel @p1 .LBB2_33-.Ltmp16, $4  }
0x263: {  	v44 =	vor.u32 $0x9, v4;
	v14 =	vor.u32 $0xA, v4;
	v37 =	vor.u32 $0xD, v4;
	[tilespmem:v46+s28+$0x0] =	vst.idx.msk $0xffff, v26;
	v26 =	vld [tilespmem:$0x1FE90]  }
0x264: {  	v59 =	vor.u32 $0xF, v4;
	v55 =	vor.u32 $0xE, v4;
	v4 =	vor.u32 $0xC, v35;
	v9 =	vmovc v37;
	v46 =	vmovc v19;
	v19 =	vld [tilespmem:$0x1FFF0]  }
0x265: {  	v28 =	vmovc v41;
	v41 =	vmovc v14;
	v14 =	vor.u32 $0x2, v16;
	v13 =	vadd.s32 $0xFFFFFFF3, v15;
	v8 =	vor.u32 $0x7, v5;
	[tilespmem:$0x1FFB0] =	vst v9;
	v9 =	vld.idx.msk [tilespmem:v40+s2+$0x0], $0xffff  }
0x266: {  	s1 =	sadd.s32 $0x20, s1;
	v11 =	vadd.s32 $0xFFFFFFF8, v3;
	v22 =	vmovc v6;
	v6 =	vadd.s32 $0xFFFFFFFD, v1;
	v23 =	vmovc v2;
	[tilespmem:v36+s28+$0x0] =	vst.idx.msk $0xffff, v29;
	v40 =	vmov v20;
	v20 =	vld [tilespmem:$0x1FEB0]  }
0x267: {  	_ =	sdelay $0x3  }
0x268: {  	[tilespmem:v14+s28+$0x0] =	vst.idx.msk $0xffff, v10  }
0x269: {  	[tilespmem:v63+s28+$0x0] =	vst.idx.msk $0xffff, v12;
	v37 =	vor.u32 $0x3, v16;
	v10 =	vld.idx.msk [tilespmem:v13+s2+$0x0], $0xffff  }
0x26a: {  	v63 =	vadd.s32 $0xFFFFFFF4, v15;
	v53 =	vld.idx.msk [tilespmem:v53+s2+$0x0], $0xffff;
	_ =	sdelay $0x3  }
0x26b: {  	[tilespmem:v37+s28+$0x0] =	vst.idx.msk $0xffff, v10  }
0x26c: {  	v2 =	vor.u32 $0x4, v16;
	[tilespmem:v60+s28+$0x0] =	vst.idx.msk $0xffff, v53;
	v10 =	vld.idx.msk [tilespmem:v63+s2+$0x0], $0xffff  }
0x26d: {  	v29 =	vadd.s32 $0xFFFFFFF5, v15;
	v13 =	vld.idx.msk [tilespmem:v50+s2+$0x0], $0xffff;
	_ =	sdelay $0x3  }
0x26e: {  	[tilespmem:v2+s28+$0x0] =	vst.idx.msk $0xffff, v10  }
0x26f: {  	v36 =	vor.u32 $0x5, v16;
	[tilespmem:v49+s28+$0x0] =	vst.idx.msk $0xffff, v13;
	v10 =	vld.idx.msk [tilespmem:v29+s2+$0x0], $0xffff  }
0x270: {  	v37 =	vadd.s32 $0xFFFFFFF6, v15;
	v13 =	vld.idx.msk [tilespmem:v43+s2+$0x0], $0xffff;
	_ =	sdelay $0x3  }
0x271: {  	[tilespmem:v36+s28+$0x0] =	vst.idx.msk $0xffff, v10  }
0x272: {  	v43 =	vor.u32 $0x6, v16;
	[tilespmem:v48+s28+$0x0] =	vst.idx.msk $0xffff, v13;
	v10 =	vld.idx.msk [tilespmem:v37+s2+$0x0], $0xffff  }
0x273: {  	v48 =	vadd.s32 $0xFFFFFFF7, v15;
	v13 =	vld.idx.msk [tilespmem:v42+s2+$0x0], $0xffff;
	_ =	sdelay $0x2  }
0x274: {  	[tilespmem:v8+s28+$0x0] =	vst.idx.msk $0xffff, v7  }
0x275: {  	v7 =	vld.idx.msk [tilespmem:v11+s2+$0x0], $0xffff;
	v60 =	vor.u32 $0x8, v5;
	[tilespmem:v43+s28+$0x0] =	vst.idx.msk $0xffff, v10  }
0x276: {  	v49 =	vor.u32 $0x7, v16;
	[tilespmem:v46+s28+$0x0] =	vst.idx.msk $0xffff, v13;
	v10 =	vld.idx.msk [tilespmem:v48+s2+$0x0], $0xffff  }
0x277: {  	v53 =	vld.idx.msk [tilespmem:v40+s2+$0x0], $0xffff;
	_ =	sdelay $0x1  }
0x278: {  	[tilespmem:v33+s28+$0x0] =	vst.idx.msk $0xffff, v9  }
0x279: {  	v50 =	vadd.s32 $0xFFFFFFF8, v15;
	[tilespmem:v60+s28+$0x0] =	vst.idx.msk $0xffff, v7  }
0x27a: {  	[tilespmem:v49+s28+$0x0] =	vst.idx.msk $0xffff, v10  }
0x27b: {  	[tilespmem:v62+s28+$0x0] =	vst.idx.msk $0xffff, v53  }
0x27c: {  	v2 =	vld [tilespmem:$0x1FF50]  }
0x27d: {  	v29 =	vld.idx.msk [tilespmem:v32+s2+$0x0], $0xffff  }
0x27e: {  	v33 =	vor.u32 $0x8, v16;
	v32 =	vld.idx.msk [tilespmem:v50+s2+$0x0], $0xffff  }
0x27f: {  	v63 =	vadd.s32 $0xFFFFFFF9, v3;
	_ =	sdelay $0x3  }
0x280: {  	v14 =	vld.idx.msk [tilespmem:v57+s2+$0x0], $0xffff;
	[tilespmem:v33+s28+$0x0] =	vst.idx.msk $0xffff, v32  }
0x281: {  	v7 =	vld.idx.msk [tilespmem:v63+s2+$0x0], $0xffff;
	v37 =	vor.u32 $0x9, v5;
	[tilespmem:v2+s28+$0x0] =	vst.idx.msk $0xffff, v29  }
0x282: {  	v2 =	vld [tilespmem:$0x1FF60];
	_ =	sdelay $0x1  }
0x283: {  	v36 =	vadd.s32 $0xFFFFFFF9, v15  }
0x284: {  	[tilespmem:v52+s28+$0x0] =	vst.idx.msk $0xffff, v14  }
0x285: {  	[tilespmem:v37+s28+$0x0] =	vst.idx.msk $0xffff, v7  }
0x286: {  	v46 =	vld [tilespmem:$0x1FF70];
	_ =	sdelay $0x1  }
0x287: {  	v42 =	vor.u32 $0x9, v16;
	v11 =	vld.idx.msk [tilespmem:v36+s2+$0x0], $0xffff  }
0x288: {  	v10 =	vld.idx.msk [tilespmem:v2+s2+$0x0], $0xffff;
	_ =	sdelay $0x3  }
0x289: {  	[tilespmem:v42+s28+$0x0] =	vst.idx.msk $0xffff, v11  }
0x28a: {  	v40 =	vadd.s32 $0xFFFFFFFA, v3;
	[tilespmem:v46+s28+$0x0] =	vst.idx.msk $0xffff, v10  }
0x28b: {  	v43 =	vadd.s32 $0xFFFFFFFA, v15;
	v2 =	vld [tilespmem:$0x1FF80]  }
0x28c: {  	v14 =	vld.idx.msk [tilespmem:v47+s2+$0x0], $0xffff;
	_ =	sdelay $0x2  }
0x28d: {  	v7 =	vld.idx.msk [tilespmem:v40+s2+$0x0], $0xffff;
	v47 =	vor.u32 $0xA, v5  }
0x28e: {  	v49 =	vor.u32 $0xA, v16;
	v11 =	vld.idx.msk [tilespmem:v43+s2+$0x0], $0xffff  }
0x28f: {  	[tilespmem:v44+s28+$0x0] =	vst.idx.msk $0xffff, v14  }
0x290: {  	v14 =	vld.idx.msk [tilespmem:v39+s2+$0x0], $0xffff  }
0x291: {  	v10 =	vld.idx.msk [tilespmem:v2+s2+$0x0], $0xffff  }
0x292: {  	[tilespmem:v47+s28+$0x0] =	vst.idx.msk $0xffff, v7  }
0x293: {  	[tilespmem:v49+s28+$0x0] =	vst.idx.msk $0xffff, v11  }
0x294: {  	[tilespmem:v4+s28+$0x0] =	vst.idx.msk $0xffff, v61  }
0x295: {  	v48 =	vadd.s32 $0xFFFFFFFB, v3;
	[tilespmem:v41+s28+$0x0] =	vst.idx.msk $0xffff, v14  }
0x296: {  	[tilespmem:v28+s28+$0x0] =	vst.idx.msk $0xffff, v10  }
0x297: {  	v61 =	vld [tilespmem:$0x1FF90]  }
0x298: {  	v14 =	vld [tilespmem:$0x1FED0]  }
0x299: {  	v50 =	vadd.s32 $0xFFFFFFFB, v15  }
0x29a: {  	v52 =	vor.u32 $0xB, v5;
	v7 =	vld.idx.msk [tilespmem:v48+s2+$0x0], $0xffff;
	_ =	sdelay $0x2  }
0x29b: {  	v10 =	vld.idx.msk [tilespmem:v31+s2+$0x0], $0xffff  }
0x29c: {  	v57 =	vor.u32 $0xB, v16;
	v11 =	vld.idx.msk [tilespmem:v50+s2+$0x0], $0xffff  }
0x29d: {  	v63 =	vld.idx.msk [tilespmem:v6+s2+$0x0], $0xffff;
	v28 =	vor.u32 $0xD, v35;
	[tilespmem:v52+s28+$0x0] =	vst.idx.msk $0xffff, v7  }
0x29e: {  	v62 =	vld.idx.msk [tilespmem:v61+s2+$0x0], $0xffff;
	[tilespmem:v14+s28+$0x0] =	vst.idx.msk $0xffff, v0  }
0x29f: {  	v8 =	vld [tilespmem:$0x1FEF0]  }
0x2a0: {  	[tilespmem:v27+s28+$0x0] =	vst.idx.msk $0xffff, v10  }
0x2a1: {  	v53 =	vadd.s32 $0xFFFFFFFC, v3;
	[tilespmem:v57+s28+$0x0] =	vst.idx.msk $0xffff, v11  }
0x2a2: {  	[tilespmem:v28+s28+$0x0] =	vst.idx.msk $0xffff, v63  }
0x2a3: {  	[tilespmem:v38+s28+$0x0] =	vst.idx.msk $0xffff, v62  }
0x2a4: {  	v14 =	vld [tilespmem:$0x1FF00]  }
0x2a5: {  	v60 =	vadd.s32 $0xFFFFFFFC, v15  }
0x2a6: {  	v31 =	vor.u32 $0xC, v5;
	v9 =	vld.idx.msk [tilespmem:v53+s2+$0x0], $0xffff  }
0x2a7: {  	v29 =	vadd.s32 $0xFFFFFFFE, v1;
	v8 =	vld.idx.msk [tilespmem:v8+s2+$0x0], $0xffff;
	_ =	sdelay $0x1  }
0x2a8: {  	v33 =	vld.idx.msk [tilespmem:v24+s2+$0x0], $0xffff  }
0x2a9: {  	v36 =	vor.u32 $0xC, v16;
	v4 =	vld.idx.msk [tilespmem:v60+s2+$0x0], $0xffff  }
0x2aa: {  	v38 =	vld.idx.msk [tilespmem:v54+s2+$0x0], $0xffff;
	[tilespmem:v31+s28+$0x0] =	vst.idx.msk $0xffff, v9  }
0x2ab: {  	v39 =	vor.u32 $0xE, v35;
	v7 =	vld.idx.msk [tilespmem:v29+s2+$0x0], $0xffff;
	[tilespmem:v14+s28+$0x0] =	vst.idx.msk $0xffff, v8  }
0x2ac: {  	v9 =	vld [tilespmem:$0x1FF10]  }
0x2ad: {  	[tilespmem:v25+s28+$0x0] =	vst.idx.msk $0xffff, v33  }
0x2ae: {  	[tilespmem:v36+s28+$0x0] =	vst.idx.msk $0xffff, v4  }
0x2af: {  	[tilespmem:v45+s28+$0x0] =	vst.idx.msk $0xffff, v38  }
0x2b0: {  	[tilespmem:v39+s28+$0x0] =	vst.idx.msk $0xffff, v7  }
0x2b1: {  	v32 =	vadd.s32 $0xFFFFFFFD, v3;
	v13 =	vld [tilespmem:$0x1FF20];
	_ =	sdelay $0x1  }
0x2b2: {  	v37 =	vadd.s32 $0xFFFFFFFD, v15  }
0x2b3: {  	v9 =	vld.idx.msk [tilespmem:v9+s2+$0x0], $0xffff;
	_ =	sdelay $0x1  }
0x2b4: {  	v40 =	vor.u32 $0xD, v5;
	v10 =	vld.idx.msk [tilespmem:v32+s2+$0x0], $0xffff  }
0x2b5: {  	v12 =	vld.idx.msk [tilespmem:v34+s2+$0x0], $0xffff  }
0x2b6: {  	v42 =	vor.u32 $0xD, v16;
	v0 =	vld.idx.msk [tilespmem:v37+s2+$0x0], $0xffff  }
0x2b7: {  	v44 =	vld [tilespmem:$0x1FFA0];
	[tilespmem:v13+s28+$0x0] =	vst.idx.msk $0xffff, v9  }
0x2b8: {  	v9 =	vld [tilespmem:$0x1FEE0]  }
0x2b9: {  	[tilespmem:v40+s28+$0x0] =	vst.idx.msk $0xffff, v10  }
0x2ba: {  	[tilespmem:v22+s28+$0x0] =	vst.idx.msk $0xffff, v12  }
0x2bb: {  	[tilespmem:v42+s28+$0x0] =	vst.idx.msk $0xffff, v0  }
0x2bc: {  	v52 =	vld [tilespmem:$0x1FFB0];
	_ =	sdelay $0x2  }
0x2bd: {  	v45 =	vld.idx.msk [tilespmem:v44+s2+$0x0], $0xffff  }
0x2be: {  	v9 =	vld.idx.msk [tilespmem:v9+s2+$0x0], $0xffff;
	_ =	sdelay $0x2  }
0x2bf: {  	v41 =	vadd.s32 $0xFFFFFFFE, v3  }
0x2c0: {  	[tilespmem:v52+s28+$0x0] =	vst.idx.msk $0xffff, v45  }
0x2c1: {  	[tilespmem:v51+s28+$0x0] =	vst.idx.msk $0xffff, v9  }
0x2c2: {  	v12 =	vld [tilespmem:$0x1FF30];
	_ =	sdelay $0x1  }
0x2c3: {  	v48 =	vor.u32 $0xE, v5;
	v4 =	vld.idx.msk [tilespmem:v41+s2+$0x0], $0xffff  }
0x2c4: {  	v43 =	vadd.s32 $0xFFFFFFFE, v15;
	v47 =	vld.idx.msk [tilespmem:v30+s2+$0x0], $0xffff;
	_ =	sdelay $0x3  }
0x2c5: {  	v46 =	vadd.s32 $0xFFFFFFFF, v1;
	v50 =	vld.idx.msk [tilespmem:v23+s2+$0x0], $0xffff;
	[tilespmem:v48+s28+$0x0] =	vst.idx.msk $0xffff, v4  }
0x2c6: {  	v49 =	vadd.s32 $0xFFFFFFFF, v3;
	v6 =	vld.idx.msk [tilespmem:v43+s2+$0x0], $0xffff;
	[tilespmem:v12+s28+$0x0] =	vst.idx.msk $0xffff, v47  }
0x2c7: {  	v53 =	vor.u32 $0xE, v16;
	v4 =	vld [tilespmem:$0x1FF40]  }
0x2c8: {  	v54 =	vadd.s32 $0xFFFFFFFF, v15;
	v57 =	vld.idx.msk [tilespmem:v58+s2+$0x0], $0xffff;
	_ =	sdelay $0x1  }
0x2c9: {  	v1 =	vld.idx.msk [tilespmem:v46+s2+$0x0], $0xffff;
	v58 =	vor.u32 $0xF, v35  }
0x2ca: {  	v60 =	vor.u32 $0xF, v5;
	v0 =	vld.idx.msk [tilespmem:v49+s2+$0x0], $0xffff;
	[tilespmem:v21+s28+$0x0] =	vst.idx.msk $0xffff, v50  }
0x2cb: {  	[tilespmem:v53+s28+$0x0] =	vst.idx.msk $0xffff, v6;
	v61 =	vld.idx.msk [tilespmem:v20+s2+$0x0], $0xffff  }
0x2cc: {  	v62 =	vor.u32 $0xF, v16;
	[tilespmem:v55+s28+$0x0] =	vst.idx.msk $0xffff, v57;
	v6 =	vld.idx.msk [tilespmem:v54+s2+$0x0], $0xffff  }
0x2cd: {  	v63 =	vld.idx.msk [tilespmem:v56+s2+$0x0], $0xffff  }
0x2ce: {  	[tilespmem:v58+s28+$0x0] =	vst.idx.msk $0xffff, v1;
	v4 =	vld.idx.msk [tilespmem:v4+s2+$0x0], $0xffff  }
0x2cf: {  	[tilespmem:v60+s28+$0x0] =	vst.idx.msk $0xffff, v0  }
0x2d0: {  	[tilespmem:v18+s28+$0x0] =	vst.idx.msk $0xffff, v61  }
0x2d1: {  	[tilespmem:v62+s28+$0x0] =	vst.idx.msk $0xffff, v6  }
0x2d2: {  	[tilespmem:v59+s28+$0x0] =	vst.idx.msk $0xffff, v63  }
0x2d3: {  	s0 =	simm.s32 @p0 $0x0;
	s1 =	simm.s32 @p0 $0x5D40;
	[tilespmem:v26+s28+$0x0] =	vst.idx.msk $0xffff, v4  }
0x2d4: {  	[hbm4b:s15+s0] =	stream.linear.scatter @p0 [tilespmem:s1], [sflag:$0x5], $0xAE00, $0x38;
	[tilespmem:$0x12140] =	vst v63  }
0x2d5: {  	s0 =	simm.s32 @p0 $0x5  }
0x2d6: {  	s29 =	sadd.s32 $0x1, s29;
	_ =	swait.ge @p0 [sflag:s0], $0xAE00  }
0x2d7: {  	p1 =	sne.s32 s29, s16;
	[sflag:s0] =	ssyncset.done @p0 $0x0  }
0x2d8: {  	s1 =	simm.s32 @!p0 $0x5D40;
	[sflag:s0] =	ssyncadd.s32 @p0 $0xFFFF5200;
	s0 =	simm.s32 @!p0 $0x0  }
0x2d9: {  	[hbm4b:s14+s0] =	stream.linear.scatter @!p0 [tilespmem:s1], [sflag:$0x5], $0xC400, $0x38;
	[tilespmem:$0x12140] =	vst v63  }
.Ltmp17:
0x2da: {  	_ = 	snop;
	(pc) =	sbr.rel @p1 .LBB2_1-.Ltmp17, $4  }
0x2db: {  	s0 =	simm.s32 @!p0 $0x5  }
0x2dc: {  	_ =	swait.ge @!p0 [sflag:s0], $0xC400  }
0x2dd: {  	[sflag:s0] =	ssyncset.done @!p0 $0x0  }
0x2de: {  	[sflag:s0] =	ssyncadd.s32 @!p0 $0xFFFF3C00  }
0x2df: {  	_ =	sfence.sel $0x180000  }
0x2e0: {  	[bflag:$0x0] =	sbarrier.arrive $0xFFFF  }
0x2e1: {  	_ =	strace $0x9000004A  }
0x2e2: {  	s0 =	stileid.u32;
	[bflag:$0x2] =	sbarrier.arrive $0xFFFF  }
0x2e3: {  	p0 =	sne.s32 s0, $0x0;
	s0 =	rddreg [dreg:$0x2]  }
0x2e4: {  	s0 =	sadd.s32 @!p0 $0x100000, s0  }
0x2e5: {  	[sflag:s0] =	ssyncadd.tile.s32 @!p0 $0x1;
	_ =	shalt  }
.Lfunc_end2:
_tile_overlayer_lowered:
.L_overlay_start_2:
0x2e6: {  	(tag) =	ssettag $0x2  }
0x2e7: {  	s0 =	rddreg [dreg:$0x0];
	s2 =	stileid.u32  }
0x2e8: {  	s1 =	rddreg [dreg:$0x1];
	p0 =	sne.s32 s2, $0x0  }
0x2e9: {  	s3 =	rddreg [dreg:$0x2];
	[bflag:$0x3] =	sbarrier.arrive $0xFFFF;
	s2 =	simm.s32 @!p0 $0x1C05  }
0x2ea: {  	[timem:s3], [sflag:s2] =	dma.local @!p0 [hbm:s0], s1  }
0x2eb: {  	s0 =	simm.s32 @!p0 $0x5  }
0x2ec: {  	_ =	swait.ge @!p0 [sflag:s0], s1  }
0x2ed: {  	s1 =	ssub.s32 @!p0 $0x0, s1;
	[sflag:s0] =	ssyncset.done @!p0 $0x0  }
0x2ee: {  	[sflag:s0] =	ssyncadd.s32 @!p0 s1  }
0x2ef: {  	[bflag:$0x3] =	sbarrier.arrive $0xFFFF  }
0x2f0: {  	_ =	shalt  }

</sc_bundles>
